<compile_context>
chip_gen: v7x
topology: tpu7x:2x2x1
jax: 0.10.2.dev20260603
libtpu: 0.0.44.dev20260713+nightly
codegen_flags: <defaults>
</compile_context>

<pallas_src>
import functools
import jax
import jax.numpy as jnp
from jax import lax
from jax.experimental import pallas as pl
from jax.experimental.pallas import tpu as pltpu
from jax.experimental.pallas import tpu_sc as plsc

N0 = 50000
N1 = 20000
NNZ = 800000
H = 64
NTILES = 16
NCORES = 2
NW = NCORES * NTILES
SHIFT = 15
MASK = (1 << SHIFT) - 1

_CHUNK = 40000
_NCH = NNZ // _CHUNK
_UNR = 20



def _make_seg(n_src, n_dst, gather_hi):
    mesh = plsc.VectorSubcoreMesh(core_axis_name="c", subcore_axis_name="s")

    @functools.partial(
        pl.kernel,
        out_type=jax.ShapeDtypeStruct((H * n_dst,), jnp.float32),
        mesh=mesh,
        compiler_params=pltpu.CompilerParams(needs_layout_passes=False),
        scratch_types=[
            pltpu.VMEM((n_src,), jnp.float32),
            pltpu.VMEM((n_dst,), jnp.float32),
            pltpu.VMEM((_CHUNK,), jnp.int32),
        ],
    )
    def seg(tab_hbm, pairs_hbm, out_hbm, tab_v, acc_v, idx_v):
        c = lax.axis_index("c")
        s = lax.axis_index("s")
        wid = c * NTILES + s

        for sweep in range(2):
            f = sweep * NW + wid
            pltpu.sync_copy(tab_hbm.at[pl.ds(pl.multiple_of(f * n_src, 8),
                                             n_src)], tab_v)

            def zero_body(i, _):
                acc_v[pl.ds(pl.multiple_of(i * 16, 8), 16)] = (
                    jnp.zeros((16,), jnp.float32))
                return 0
            lax.fori_loop(0, n_dst // 16, zero_body, 0)

            def chunk_body(a, _):
                pltpu.sync_copy(
                    pairs_hbm.at[pl.ds(pl.multiple_of(a * _CHUNK, 8),
                                       _CHUNK)], idx_v)

                @plsc.parallel_loop(0, _CHUNK // 16, unroll=_UNR)
                def _grp(g):
                    p = idx_v[pl.ds(pl.multiple_of(g * 16, 8), 16)]
                    hi = lax.shift_right_logical(p, SHIFT)
                    lo = lax.bitwise_and(p, MASK)
                    src = hi if gather_hi else lo
                    dst = lo if gather_hi else hi
                    vals = plsc.load_gather(tab_v, [src])
                    plsc.addupdate_scatter(acc_v, [dst], vals)
                return 0
            lax.fori_loop(0, _NCH, chunk_body, 0)

            pltpu.sync_copy(acc_v,
                            out_hbm.at[pl.ds(pl.multiple_of(f * n_dst, 8),
                                             n_dst)])

    return seg


_seg_v2e = _make_seg(N0, N1, True)
_seg_e2v = _make_seg(N1, N0, False)


_DPT = NNZ // NW
_DG = _DPT // 16


def _make_deg():
    mesh = plsc.VectorSubcoreMesh(core_axis_name="c", subcore_axis_name="s")

    @functools.partial(
        pl.kernel,
        out_type=jax.ShapeDtypeStruct((NW * N0,), jnp.float32),
        mesh=mesh,
        compiler_params=pltpu.CompilerParams(needs_layout_passes=False),
        scratch_types=[
            pltpu.VMEM((N0,), jnp.float32),
            pltpu.VMEM((_DPT + 16,), jnp.int32),
        ],
    )
    def deg(pairs_hbm, out_hbm, acc_v, idx_v):
        c = lax.axis_index("c")
        s = lax.axis_index("s")
        wid = c * NTILES + s

        def zero_body(i, _):
            acc_v[pl.ds(pl.multiple_of(i * 16, 8), 16)] = (
                jnp.zeros((16,), jnp.float32))
            return 0
        lax.fori_loop(0, N0 // 16, zero_body, 0)

        pltpu.sync_copy(
            pairs_hbm.at[pl.ds(pl.multiple_of(wid * _DPT, 8), _DPT)],
            idx_v.at[pl.ds(0, _DPT)])

        ones = jnp.ones((16,), jnp.float32)

        def grp_body(g, _):
            p = idx_v[pl.ds(pl.multiple_of(g * 16, 8), 16)]
            row = lax.shift_right_logical(p, SHIFT)
            plsc.addupdate_scatter(acc_v, [row], ones)
            return 0
        lax.fori_loop(0, _DG, grp_body, 0)

        p = idx_v[pl.ds(pl.multiple_of(_DG * 16, 8), 16)]
        row = lax.shift_right_logical(p, SHIFT)
        msk = lax.iota(jnp.int32, 16) < (_DPT - _DG * 16)
        plsc.addupdate_scatter(acc_v, [row], ones, mask=msk)

        pltpu.sync_copy(acc_v,
                        out_hbm.at[pl.ds(pl.multiple_of(wid * N0, 8), N0)])

    return deg


_deg_kernel = _make_deg()


_RB = 1024
_NB0 = (N0 + _RB - 1) // _RB
_NB1 = (N1 + _RB - 1) // _RB
_V0 = N0 - (_NB0 - 1) * _RB
_V1 = N1 - (_NB1 - 1) * _RB


def _pack_body(r_ref, c_ref, o_ref):
    o_ref[...] = lax.shift_left(r_ref[...], SHIFT) | c_ref[...]


def _pack_pairs(rows, cols):
    r2 = rows.reshape(NNZ // 128, 128)
    c2 = cols.reshape(NNZ // 128, 128)
    out = pl.pallas_call(
        _pack_body,
        out_shape=jax.ShapeDtypeStruct((NNZ // 128, 128), jnp.int32),
    )(r2, c2)
    return out.reshape(NNZ)


def _tcd_body(dp_ref, o_ref):
    d = jnp.sum(dp_ref[...], axis=0, keepdims=True)
    o_ref[...] = jnp.maximum(d, 1.0)


def _tcd(deg_partials):
    return pl.pallas_call(
        _tcd_body,
        grid=(_NB0,),
        in_specs=[pl.BlockSpec((NW, _RB), lambda i: (0, i))],
        out_specs=pl.BlockSpec((1, _RB), lambda i: (0, i)),
        out_shape=jax.ShapeDtypeStruct((1, N0), jnp.float32),
    )(deg_partials)


def _tc0_body(x_ref, wi_ref, bi_ref, wl_ref, blc_ref, o_ref):
    t = jnp.dot(x_ref[...], wi_ref[...],
                preferred_element_type=jnp.float32) + bi_ref[...]
    yt = lax.dot_general(wl_ref[...], t, (((0,), (1,)), ((), ())),
                         preferred_element_type=jnp.float32)
    o_ref[...] = yt + blc_ref[...]


def _tc0(x0, W_in0, b_in0, Wl0, bl0c):
    return pl.pallas_call(
        _tc0_body,
        grid=(_NB0,),
        in_specs=[
            pl.BlockSpec((_RB, 32), lambda i: (i, 0)),
            pl.BlockSpec((32, H), lambda i: (0, 0)),
            pl.BlockSpec((1, H), lambda i: (0, 0)),
            pl.BlockSpec((H, H), lambda i: (0, 0)),
            pl.BlockSpec((H, 1), lambda i: (0, 0)),
        ],
        out_specs=pl.BlockSpec((H, _RB), lambda i: (0, i)),
        out_shape=jax.ShapeDtypeStruct((H, N0), jnp.float32),
    )(x0, W_in0, b_in0, Wl0, bl0c)


def _tc1_body(xp_ref, msg_ref, dinv_ref, wl_ref, blc_ref, o_ref):
    u = xp_ref[...] + msg_ref[...] / dinv_ref[...]
    yt = lax.dot_general(wl_ref[...], u, (((0,), (0,)), ((), ())),
                         preferred_element_type=jnp.float32) + blc_ref[...]
    o_ref[...] = yt


def _tc1(xpt, msgt, dinv, Wl1, bl1c):
    return pl.pallas_call(
        _tc1_body,
        grid=(_NB0,),
        in_specs=[
            pl.BlockSpec((H, _RB), lambda i: (0, i)),
            pl.BlockSpec((H, _RB), lambda i: (0, i)),
            pl.BlockSpec((1, _RB), lambda i: (0, i)),
            pl.BlockSpec((H, H), lambda i: (0, 0)),
            pl.BlockSpec((H, 1), lambda i: (0, 0)),
        ],
        out_specs=pl.BlockSpec((H, _RB), lambda i: (0, i)),
        out_shape=jax.ShapeDtypeStruct((H, N0), jnp.float32),
    )(xpt, msgt, dinv, Wl1, bl1c)


def _tcf_body(xp_ref, msg_ref, dinv_ref, x1_ref, w0_ref, w1_ref,
              s0_ref, s1_ref):
    i = pl.program_id(0)
    lanes = lax.broadcasted_iota(jnp.int32, (1, _RB), 1)
    u = xp_ref[...] + msg_ref[...] / dinv_ref[...]
    y0 = lax.dot_general(w0_ref[...], u, (((0,), (0,)), ((), ())),
                         preferred_element_type=jnp.float32)
    ok0 = lanes < jnp.where(i == _NB0 - 1, _V0, _RB)
    y0 = jnp.where(ok0, y0, 0.0)

    @pl.when(i == 0)
    def _():
        s0_ref[...] = y0

    @pl.when(i != 0)
    def _():
        s0_ref[...] = s0_ref[...] + y0

    y1 = lax.dot_general(w1_ref[...], x1_ref[...], (((0,), (0,)), ((), ())),
                         preferred_element_type=jnp.float32)
    ok1 = lanes < jnp.where(i == _NB1 - 1, _V1, _RB)
    y1 = jnp.where(ok1, y1, 0.0)

    @pl.when(i == 0)
    def _():
        s1_ref[...] = y1

    @pl.when(jnp.logical_and(i != 0, i < _NB1))
    def _():
        s1_ref[...] = s1_ref[...] + y1


def _tcf(xpt, msgt, dinv, x1t, w0, w1):
    return pl.pallas_call(
        _tcf_body,
        grid=(_NB0,),
        in_specs=[
            pl.BlockSpec((H, _RB), lambda i: (0, i)),
            pl.BlockSpec((H, _RB), lambda i: (0, i)),
            pl.BlockSpec((1, _RB), lambda i: (0, i)),
            pl.BlockSpec((H, _RB), lambda i: (0, jnp.minimum(i, _NB1 - 1))),
            pl.BlockSpec((H, 1), lambda i: (0, 0)),
            pl.BlockSpec((H, 1), lambda i: (0, 0)),
        ],
        out_specs=[
            pl.BlockSpec((1, _RB), lambda i: (0, 0)),
            pl.BlockSpec((1, _RB), lambda i: (0, 0)),
        ],
        out_shape=[
            jax.ShapeDtypeStruct((1, _RB), jnp.float32),
            jax.ShapeDtypeStruct((1, _RB), jnp.float32),
        ],
    )(xpt, msgt, dinv, x1t, w0, w1)


def _tcs_body(s0_ref, s1_ref, b0_ref, b1_ref, o_ref):
    a0 = jnp.sum(s0_ref[...]) / N0 + b0_ref[0, 0]
    a1 = jnp.sum(s1_ref[...]) / N1 + b1_ref[0, 0]
    o_ref[...] = jnp.full((1, 128), a0 + a1, jnp.float32)


def _tcs(s0, s1, b0, b1):
    return pl.pallas_call(
        _tcs_body,
        out_shape=jax.ShapeDtypeStruct((1, 128), jnp.float32),
    )(s0, s1, b0, b1)



def kernel(x_0, x_1, inc_rows, inc_cols, W_in0, b_in0, W_in1, b_in1, W_l, b_l,
           W_out0, b_out0, W_out1, b_out1):
    pairs = _pack_pairs(inc_rows.astype(jnp.int32),
                        inc_cols.astype(jnp.int32))

    dinv = _tcd(_deg_kernel(pairs).reshape(NW, N0))

    x0p0 = _tc0(x_0, W_in0, b_in0.reshape(1, H), W_l[0],
                b_l[0].reshape(H, 1))
    x1s0 = _seg_v2e(x0p0.reshape(H * N0), pairs)
    msg0 = _seg_e2v(x1s0, pairs).reshape(H, N0)

    x0p1 = _tc1(x0p0, msg0, dinv, W_l[1], b_l[1].reshape(H, 1))
    x1s1 = _seg_v2e(x0p1.reshape(H * N0), pairs)
    msg1 = _seg_e2v(x1s1, pairs).reshape(H, N0)

    s0, s1 = _tcf(x0p1, msg1, dinv, x1s1.reshape(H, N1),
                  W_out0.reshape(H, 1), W_out1.reshape(H, 1))

    out = _tcs(s0, s1, b_out0.reshape(1, 1), b_out1.reshape(1, 1))
    return out[0, :1]

# --- scband reference (transcript-rebuilt; emitter-appended) ---
"""Pipeline reference for scband-unisagemodel-63720134804239 (READ-ONLY COPY).

The authoritative reference and input builder live on the scoring server;
editing this copy changes nothing except your own understanding.
"""

import jax, jax.numpy as jnp
import numpy as np

N0 = 50000          # vertices
N1 = 20000          # hyperedges
NNZ = 800000        # nonzeros in incidence_1
H = 64              # hidden_dimensions
IN0 = 32            # ONE_HOT_0_ENCODING_SIZE
IN1 = 16            # ONE_HOT_1_ENCODING_SIZE
N_LAYERS = 2


def setup_inputs(seed: int = 0):
    key = jax.random.key(seed)
    ks = jax.random.split(key, 16)
    inp = {}
    inp['x_0'] = jax.random.normal(ks[0], (N0, IN0), dtype=jnp.float32)
    inp['x_1'] = jax.random.normal(ks[1], (N1, IN1), dtype=jnp.float32)
    inp['inc_rows'] = jax.random.randint(ks[2], (NNZ,), 0, N0)
    inp['inc_cols'] = jax.random.randint(ks[3], (NNZ,), 0, N1)
    # learned parameters
    inp['W_in0'] = jax.random.normal(ks[4], (IN0, H), dtype=jnp.float32) * (1.0 / np.sqrt(IN0))
    inp['b_in0'] = jnp.zeros((H,), dtype=jnp.float32)
    inp['W_in1'] = jax.random.normal(ks[5], (IN1, H), dtype=jnp.float32) * (1.0 / np.sqrt(IN1))
    inp['b_in1'] = jnp.zeros((H,), dtype=jnp.float32)
    inp['W_l'] = jax.random.normal(ks[6], (N_LAYERS, H, H), dtype=jnp.float32) * (1.0 / np.sqrt(H))
    inp['b_l'] = jnp.zeros((N_LAYERS, H), dtype=jnp.float32)
    inp['W_out0'] = jax.random.normal(ks[7], (H, 1), dtype=jnp.float32) * (1.0 / np.sqrt(H))
    inp['b_out0'] = jnp.zeros((1,), dtype=jnp.float32)
    inp['W_out1'] = jax.random.normal(ks[8], (H, 1), dtype=jnp.float32) * (1.0 / np.sqrt(H))
    inp['b_out1'] = jnp.zeros((1,), dtype=jnp.float32)
    return inp


def reference(x_0, x_1, inc_rows, inc_cols, W_in0, b_in0, W_in1, b_in1, W_l, b_l, W_out0, b_out0, W_out1, b_out1):
    # input projections (lin_0_input / lin_1_input)
    x0 = x_0 @ W_in0 + b_in0
    x1 = x_1 @ W_in1 + b_in1
    # vertex degrees for v_aggr='mean'
    deg = jax.ops.segment_sum(jnp.ones((NNZ,), jnp.float32), inc_rows, num_segments=N0)
    deg = jnp.maximum(deg, 1.0)
    # UniSAGE stack (dropout = identity in eval mode)
    for l in range(N_LAYERS):
        x0 = x0 @ W_l[l] + b_l[l]
        # e_aggr='sum': vertex -> hyperedge via incidence^T (scatter-add)
        x1 = jax.ops.segment_sum(x0[inc_rows], inc_cols, num_segments=N1)
        # v_aggr='mean': hyperedge -> vertex, residual connection
        msg = jax.ops.segment_sum(x1[inc_cols], inc_rows, num_segments=N0)
        x0 = x0 + msg / deg[:, None]
    # output heads
    y0 = x0 @ W_out0 + b_out0
    y1 = x1 @ W_out1 + b_out1
    m0 = jnp.nan_to_num(jnp.nanmean(y0, axis=0))
    m1 = jnp.nan_to_num(jnp.nanmean(y1, axis=0))
    return m0 + m1

if __name__ == "__main__":
    import jax
    _d = setup_inputs()
    print(jax.jit(kernel)(*tuple(_d.values())))

</pallas_src>

<mosaic_0001>
#map = affine_map<(d0, d1) -> (0)>
module attributes {stable_mosaic.version = 14 : i64} {
  func.func @deg(%arg0: i32, %arg1: i32, %arg2: memref<800000xi32, #tpu.memory_space<hbm>>, %arg3: memref<1600000xf32, #tpu.memory_space<hbm>>, %arg4: memref<50000xf32, #tpu.memory_space<vmem>>, %arg5: memref<25016xi32, #tpu.memory_space<vmem>>) attributes {dimension_semantics = [#tpu.dimension_semantics<core_parallel>, #tpu.dimension_semantics<subcore_parallel>], iteration_bounds = array<i64: 2, 16>, scalar_prefetch = 0 : i64, scratch_operands = 2 : i64, tpu.core_type = #tpu.core_type<sc_vector_subcore>, window_params = [{transform_indices = #map}, {transform_indices = #map}]} {
    %mul3A = arith.constant 16 : i32
    %mul3A_0 = arith.muli %arg0, %mul3A : i32
    %add3A = arith.addi %mul3A_0, %arg1 : i32
    %scan3A = arith.constant 0 : i32
    %scan3A_1 = arith.constant 0 : i32
    %scan3A_2 = arith.constant 3125 : i32
    %scan3A_3 = arith.addi %scan3A_1, %scan3A_2 : i32
    %scan3A_4 = arith.constant 1 : i32
    %scan3A_5 = scf.for %scan3A_27 = %scan3A_1 to %scan3A_3 step %scan3A_4 iter_args(%scan3A_28 = %scan3A) -> (i32)  : i32 {
      %broadcast_in_dim3A_29 = arith.constant 0.000000e+00 : f32
      %broadcast_in_dim3A_30 = vector.broadcast %broadcast_in_dim3A_29 : f32 to vector<16xf32>
      %mul3A_31 = arith.constant 16 : i32
      %mul3A_32 = arith.muli %scan3A_27, %mul3A_31 : i32
      %multiple_of3A_33 = tpu.assume_multiple %mul3A_32, 8 : i32
      %swap3A = arith.index_cast %multiple_of3A_33 : i32 to index
      %swap3A_34 = tpu.vector_load %arg4[%swap3A] {strides = array<i32>} : memref<50000xf32, #tpu.memory_space<vmem>>, vector<16xf32>,
      tpu.vector_store %arg4[%swap3A], %broadcast_in_dim3A_30 {strides = array<i32>} : memref<50000xf32, #tpu.memory_space<vmem>>, vector<16xf32>,
      %scan3A_35 = arith.constant 0 : i32
      scf.yield %scan3A_35 : i32
    }
    %scan3A_6 = arith.constant 3125 : i32
    %mul3A_7 = arith.constant 25000 : i32
    %mul3A_8 = arith.muli %add3A, %mul3A_7 : i32
    %multiple_of3A = tpu.assume_multiple %mul3A_8, 8 : i32
    "tpu.region"() ({
      %run_scoped3A = tpu.sem_alloc : memref<!tpu.dma_semaphore, #tpu.memory_space<semaphore_mem>>
      %dma_start3A = arith.constant 0 : i32
      %dma_start3A_27 = tpu.memref_slice %arg5[%dma_start3A] : memref<25016xi32, #tpu.memory_space<vmem>> -> memref<25000xi32, #tpu.memory_space<vmem>>
      %dma_start3A_28 = tpu.memref_slice %arg2[%multiple_of3A] : memref<800000xi32, #tpu.memory_space<hbm>> -> memref<25000xi32, #tpu.memory_space<hbm>>
      %dma_start3A_29 = arith.constant 0 : i32
      %dma_start3A_30 = tpu.memref_slice %arg5[%dma_start3A_29] : memref<25016xi32, #tpu.memory_space<vmem>> -> memref<25000xi32, #tpu.memory_space<vmem>>
      %dma_start3A_31 = tpu.memref_slice %arg2[%multiple_of3A] : memref<800000xi32, #tpu.memory_space<hbm>> -> memref<25000xi32, #tpu.memory_space<hbm>>
      tpu.enqueue_dma source(%dma_start3A_31 : memref<25000xi32, #tpu.memory_space<hbm>>) target(%dma_start3A_30 : memref<25000xi32, #tpu.memory_space<vmem>>) target_semaphore(%run_scoped3A : memref<!tpu.dma_semaphore, #tpu.memory_space<semaphore_mem>>)
      %dma_wait3A = arith.constant 0 : i32
      %dma_wait3A_32 = tpu.memref_slice %arg5[%dma_wait3A] : memref<25016xi32, #tpu.memory_space<vmem>> -> memref<25000xi32, #tpu.memory_space<vmem>>
      %dma_wait3A_33 = tpu.memref_slice %arg2[%multiple_of3A] : memref<800000xi32, #tpu.memory_space<hbm>> -> memref<25000xi32, #tpu.memory_space<hbm>>
      %dma_wait3A_34 = arith.constant 0 : i32
      %dma_wait3A_35 = tpu.memref_slice %arg5[%dma_wait3A_34] : memref<25016xi32, #tpu.memory_space<vmem>> -> memref<25000xi32, #tpu.memory_space<vmem>>
      %dma_wait3A_36 = tpu.memref_slice %arg2[%multiple_of3A] : memref<800000xi32, #tpu.memory_space<hbm>> -> memref<25000xi32, #tpu.memory_space<hbm>>
      tpu.wait_dma2 semaphore(%run_scoped3A : memref<!tpu.dma_semaphore, #tpu.memory_space<semaphore_mem>>) src(%dma_wait3A_36 : memref<25000xi32, #tpu.memory_space<hbm>>) dst(%dma_wait3A_35 : memref<25000xi32, #tpu.memory_space<vmem>>)
      tpu.yield
    }) : () -> ()
    %broadcast_in_dim3A = arith.constant 1.000000e+00 : f32
    %broadcast_in_dim3A_9 = vector.broadcast %broadcast_in_dim3A : f32 to vector<16xf32>
    %scan3A_10 = arith.constant 0 : i32
    %scan3A_11 = arith.constant 0 : i32
    %scan3A_12 = arith.constant 1562 : i32
    %scan3A_13 = arith.addi %scan3A_11, %scan3A_12 : i32
    %scan3A_14 = arith.constant 1 : i32
    %scan3A_15 = scf.for %scan3A_27 = %scan3A_11 to %scan3A_13 step %scan3A_14 iter_args(%scan3A_28 = %scan3A_10) -> (i32)  : i32 {
      %mul3A_29 = arith.constant 16 : i32
      %mul3A_30 = arith.muli %scan3A_27, %mul3A_29 : i32
      %multiple_of3A_31 = tpu.assume_multiple %mul3A_30, 8 : i32
      %get3A_32 = arith.index_cast %multiple_of3A_31 : i32 to index
      %get3A_33 = tpu.vector_load %arg5[%get3A_32] {strides = array<i32>} : memref<25016xi32, #tpu.memory_space<vmem>>, vector<16xi32>,
      %shift_right_logical3A_34 = arith.constant 15 : i32
      %shift_right_logical3A_35 = vector.broadcast %shift_right_logical3A_34 : i32 to vector<16xi32>
      %shift_right_logical3A_36 = arith.shrui %get3A_33, %shift_right_logical3A_35 : vector<16xi32>
      tpu.vector_store_idx %arg4[%shift_right_logical3A_36], %broadcast_in_dim3A_9 {add = true} : memref<50000xf32, #tpu.memory_space<vmem>>[vector<16xi32>], vector<16xf32>,
      %scan3A_37 = arith.constant 0 : i32
      scf.yield %scan3A_37 : i32
    }
    %scan3A_16 = arith.constant 1562 : i32
    %multiple_of3A_17 = arith.constant 24992 : i32
    %multiple_of3A_18 = tpu.assume_multiple %multiple_of3A_17, 8 : i32
    %get3A = arith.index_cast %multiple_of3A_18 : i32 to index
    %get3A_19 = tpu.vector_load %arg5[%get3A] {strides = array<i32>} : memref<25016xi32, #tpu.memory_space<vmem>>, vector<16xi32>,
    %shift_right_logical3A = arith.constant 15 : i32
    %shift_right_logical3A_20 = vector.broadcast %shift_right_logical3A : i32 to vector<16xi32>
    %shift_right_logical3A_21 = arith.shrui %get3A_19, %shift_right_logical3A_20 : vector<16xi32>
    %iota3A = tpu.iota {dimensions = array<i32: 0>} : vector<16xi32>
    %lt3A = arith.constant 8 : i32
    %lt3A_22 = vector.broadcast %lt3A : i32 to vector<16xi32>
    %lt3A_23 = arith.cmpi slt, %iota3A, %lt3A_22 : vector<16xi32>
    tpu.vector_store_idx %arg4[%shift_right_logical3A_21], %broadcast_in_dim3A_9 masked %lt3A_23 {add = true} : memref<50000xf32, #tpu.memory_space<vmem>>[vector<16xi32>], vector<16xf32>, vector<16xi1>
    %mul3A_24 = arith.constant 50000 : i32
    %mul3A_25 = arith.muli %add3A, %mul3A_24 : i32
    %multiple_of3A_26 = tpu.assume_multiple %mul3A_25, 8 : i32
    "tpu.region"() ({
      %run_scoped3A = tpu.sem_alloc : memref<!tpu.dma_semaphore, #tpu.memory_space<semaphore_mem>>
      %dma_start3A = tpu.memref_slice %arg3[%multiple_of3A_26] : memref<1600000xf32, #tpu.memory_space<hbm>> -> memref<50000xf32, #tpu.memory_space<hbm>>
      %dma_start3A_27 = tpu.memref_slice %arg3[%multiple_of3A_26] : memref<1600000xf32, #tpu.memory_space<hbm>> -> memref<50000xf32, #tpu.memory_space<hbm>>
      tpu.enqueue_dma source(%arg4 : memref<50000xf32, #tpu.memory_space<vmem>>) target(%dma_start3A_27 : memref<50000xf32, #tpu.memory_space<hbm>>) target_semaphore(%run_scoped3A : memref<!tpu.dma_semaphore, #tpu.memory_space<semaphore_mem>>)
      %dma_wait3A = tpu.memref_slice %arg3[%multiple_of3A_26] : memref<1600000xf32, #tpu.memory_space<hbm>> -> memref<50000xf32, #tpu.memory_space<hbm>>
      %dma_wait3A_28 = tpu.memref_slice %arg3[%multiple_of3A_26] : memref<1600000xf32, #tpu.memory_space<hbm>> -> memref<50000xf32, #tpu.memory_space<hbm>>
      tpu.wait_dma2 semaphore(%run_scoped3A : memref<!tpu.dma_semaphore, #tpu.memory_space<semaphore_mem>>) src(%arg4 : memref<50000xf32, #tpu.memory_space<vmem>>) dst(%dma_wait3A_28 : memref<50000xf32, #tpu.memory_space<hbm>>)
      tpu.yield
    }) : () -> ()
    return
  }
}

#map = affine_map<(d0, d1) -> (0)>
module attributes {stable_mosaic.version = 14 : i64} {
  func.func @seg(%arg0: i32, %arg1: i32, %arg2: memref<3200000xf32, #tpu.memory_space<hbm>>, %arg3: memref<800000xi32, #tpu.memory_space<hbm>>, %arg4: memref<1280000xf32, #tpu.memory_space<hbm>>, %arg5: memref<50000xf32, #tpu.memory_space<vmem>>, %arg6: memref<20000xf32, #tpu.memory_space<vmem>>, %arg7: memref<40000xi32, #tpu.memory_space<vmem>>) attributes {dimension_semantics = [#tpu.dimension_semantics<core_parallel>, #tpu.dimension_semantics<subcore_parallel>], iteration_bounds = array<i64: 2, 16>, scalar_prefetch = 0 : i64, scratch_operands = 3 : i64, tpu.core_type = #tpu.core_type<sc_vector_subcore>, window_params = [{transform_indices = #map}, {transform_indices = #map}, {transform_indices = #map}]} {
    %mul3A = arith.constant 16 : i32
    %mul3A_0 = arith.muli %arg0, %mul3A : i32
    %add3A = arith.addi %mul3A_0, %arg1 : i32
    %add3A_1 = arith.constant 0 : i32
    %add3A_2 = arith.addi %add3A_1, %add3A : i32
    %mul3A_3 = arith.constant 50000 : i32
    %mul3A_4 = arith.muli %add3A_2, %mul3A_3 : i32
    %multiple_of3A = tpu.assume_multiple %mul3A_4, 8 : i32
    "tpu.region"() ({
      %run_scoped3A = tpu.sem_alloc : memref<!tpu.dma_semaphore, #tpu.memory_space<semaphore_mem>>
      %dma_start3A = tpu.memref_slice %arg2[%multiple_of3A] : memref<3200000xf32, #tpu.memory_space<hbm>> -> memref<50000xf32, #tpu.memory_space<hbm>>
      %dma_start3A_43 = tpu.memref_slice %arg2[%multiple_of3A] : memref<3200000xf32, #tpu.memory_space<hbm>> -> memref<50000xf32, #tpu.memory_space<hbm>>
      tpu.enqueue_dma source(%dma_start3A_43 : memref<50000xf32, #tpu.memory_space<hbm>>) target(%arg5 : memref<50000xf32, #tpu.memory_space<vmem>>) target_semaphore(%run_scoped3A : memref<!tpu.dma_semaphore, #tpu.memory_space<semaphore_mem>>)
      %dma_wait3A = tpu.memref_slice %arg2[%multiple_of3A] : memref<3200000xf32, #tpu.memory_space<hbm>> -> memref<50000xf32, #tpu.memory_space<hbm>>
      %dma_wait3A_44 = tpu.memref_slice %arg2[%multiple_of3A] : memref<3200000xf32, #tpu.memory_space<hbm>> -> memref<50000xf32, #tpu.memory_space<hbm>>
      tpu.wait_dma2 semaphore(%run_scoped3A : memref<!tpu.dma_semaphore, #tpu.memory_space<semaphore_mem>>) src(%dma_wait3A_44 : memref<50000xf32, #tpu.memory_space<hbm>>) dst(%arg5 : memref<50000xf32, #tpu.memory_space<vmem>>)
      tpu.yield
    }) : () -> ()
    %scan3A = arith.constant 0 : i32
    %scan3A_5 = arith.constant 0 : i32
    %scan3A_6 = arith.constant 1250 : i32
    %scan3A_7 = arith.addi %scan3A_5, %scan3A_6 : i32
    %scan3A_8 = arith.constant 1 : i32
    %scan3A_9 = scf.for %scan3A_43 = %scan3A_5 to %scan3A_7 step %scan3A_8 iter_args(%scan3A_44 = %scan3A) -> (i32)  : i32 {
      %broadcast_in_dim3A = arith.constant 0.000000e+00 : f32
      %broadcast_in_dim3A_45 = vector.broadcast %broadcast_in_dim3A : f32 to vector<16xf32>
      %mul3A_46 = arith.constant 16 : i32
      %mul3A_47 = arith.muli %scan3A_43, %mul3A_46 : i32
      %multiple_of3A_48 = tpu.assume_multiple %mul3A_47, 8 : i32
      %swap3A = arith.index_cast %multiple_of3A_48 : i32 to index
      %swap3A_49 = tpu.vector_load %arg6[%swap3A] {strides = array<i32>} : memref<20000xf32, #tpu.memory_space<vmem>>, vector<16xf32>,
      tpu.vector_store %arg6[%swap3A], %broadcast_in_dim3A_45 {strides = array<i32>} : memref<20000xf32, #tpu.memory_space<vmem>>, vector<16xf32>,
      %scan3A_50 = arith.constant 0 : i32
      scf.yield %scan3A_50 : i32
    }
    %scan3A_10 = arith.constant 1250 : i32
    %scan3A_11 = arith.constant 0 : i32
    %scan3A_12 = arith.constant 0 : i32
    %scan3A_13 = arith.constant 20 : i32
    %scan3A_14 = arith.addi %scan3A_12, %scan3A_13 : i32
    %scan3A_15 = arith.constant 1 : i32
    %scan3A_16 = scf.for %scan3A_43 = %scan3A_12 to %scan3A_14 step %scan3A_15 iter_args(%scan3A_44 = %scan3A_11) -> (i32)  : i32 {
      %mul3A_45 = arith.constant 40000 : i32
      %mul3A_46 = arith.muli %scan3A_43, %mul3A_45 : i32
      %multiple_of3A_47 = tpu.assume_multiple %mul3A_46, 8 : i32
      "tpu.region"() ({
        %run_scoped3A = tpu.sem_alloc : memref<!tpu.dma_semaphore, #tpu.memory_space<semaphore_mem>>
        %dma_start3A = tpu.memref_slice %arg3[%multiple_of3A_47] : memref<800000xi32, #tpu.memory_space<hbm>> -> memref<40000xi32, #tpu.memory_space<hbm>>
        %dma_start3A_51 = tpu.memref_slice %arg3[%multiple_of3A_47] : memref<800000xi32, #tpu.memory_space<hbm>> -> memref<40000xi32, #tpu.memory_space<hbm>>
        tpu.enqueue_dma source(%dma_start3A_51 : memref<40000xi32, #tpu.memory_space<hbm>>) target(%arg7 : memref<40000xi32, #tpu.memory_space<vmem>>) target_semaphore(%run_scoped3A : memref<!tpu.dma_semaphore, #tpu.memory_space<semaphore_mem>>)
        %dma_wait3A = tpu.memref_slice %arg3[%multiple_of3A_47] : memref<800000xi32, #tpu.memory_space<hbm>> -> memref<40000xi32, #tpu.memory_space<hbm>>
        %dma_wait3A_52 = tpu.memref_slice %arg3[%multiple_of3A_47] : memref<800000xi32, #tpu.memory_space<hbm>> -> memref<40000xi32, #tpu.memory_space<hbm>>
        tpu.wait_dma2 semaphore(%run_scoped3A : memref<!tpu.dma_semaphore, #tpu.memory_space<semaphore_mem>>) src(%dma_wait3A_52 : memref<40000xi32, #tpu.memory_space<hbm>>) dst(%arg7 : memref<40000xi32, #tpu.memory_space<vmem>>)
        tpu.yield
      }) : () -> ()
      %parallel_loop3A = arith.constant 0 : i32
      %parallel_loop3A_48 = arith.constant 2500 : i32
      %parallel_loop3A_49 = arith.constant 1 : i32
      scf.for %parallel_loop3A_51 = %parallel_loop3A to %parallel_loop3A_48 step %parallel_loop3A_49  : i32 {
        %parallel_loop3A_52 = arith.constant 16 : i32
        %parallel_loop3A_53 = arith.muli %parallel_loop3A_51, %parallel_loop3A_52 : i32
        %parallel_loop3A_54 = tpu.assume_multiple %parallel_loop3A_53, 8 : i32
        %parallel_loop3A_55 = arith.index_cast %parallel_loop3A_54 : i32 to index
        %parallel_loop3A_56 = tpu.vector_load %arg7[%parallel_loop3A_55] {strides = array<i32>} : memref<40000xi32, #tpu.memory_space<vmem>>, vector<16xi32>,
        %parallel_loop3A_57 = arith.constant 15 : i32
        %parallel_loop3A_58 = vector.broadcast %parallel_loop3A_57 : i32 to vector<16xi32>
        %parallel_loop3A_59 = arith.shrui %parallel_loop3A_56, %parallel_loop3A_58 : vector<16xi32>
        %parallel_loop3A_60 = arith.constant 32767 : i32
        %parallel_loop3A_61 = vector.broadcast %parallel_loop3A_60 : i32 to vector<16xi32>
        %parallel_loop3A_62 = arith.andi %parallel_loop3A_56, %parallel_loop3A_61 : vector<16xi32>
        %parallel_loop3A_63 = tpu.vector_load_idx %arg5[%parallel_loop3A_59] : memref<50000xf32, #tpu.memory_space<vmem>>[vector<16xi32>], vector<16xf32>,
        tpu.vector_store_idx %arg6[%parallel_loop3A_62], %parallel_loop3A_63 {add = true} : memref<20000xf32, #tpu.memory_space<vmem>>[vector<16xi32>], vector<16xf32>,
      } {sc.loop_unroll_factor = 20 : i64, sc.parallel_access}
      %scan3A_50 = arith.constant 0 : i32
      scf.yield %scan3A_50 : i32
    }
    %scan3A_17 = arith.constant 20 : i32
    %mul3A_18 = arith.constant 20000 : i32
    %mul3A_19 = arith.muli %add3A_2, %mul3A_18 : i32
    %multiple_of3A_20 = tpu.assume_multiple %mul3A_19, 8 : i32
    "tpu.region"() ({
      %run_scoped3A = tpu.sem_alloc : memref<!tpu.dma_semaphore, #tpu.memory_space<semaphore_mem>>
      %dma_start3A = tpu.memref_slice %arg4[%multiple_of3A_20] : memref<1280000xf32, #tpu.memory_space<hbm>> -> memref<20000xf32, #tpu.memory_space<hbm>>
      %dma_start3A_43 = tpu.memref_slice %arg4[%multiple_of3A_20] : memref<1280000xf32, #tpu.memory_space<hbm>> -> memref<20000xf32, #tpu.memory_space<hbm>>
      tpu.enqueue_dma source(%arg6 : memref<20000xf32, #tpu.memory_space<vmem>>) target(%dma_start3A_43 : memref<20000xf32, #tpu.memory_space<hbm>>) target_semaphore(%run_scoped3A : memref<!tpu.dma_semaphore, #tpu.memory_space<semaphore_mem>>)
      %dma_wait3A = tpu.memref_slice %arg4[%multiple_of3A_20] : memref<1280000xf32, #tpu.memory_space<hbm>> -> memref<20000xf32, #tpu.memory_space<hbm>>
      %dma_wait3A_44 = tpu.memref_slice %arg4[%multiple_of3A_20] : memref<1280000xf32, #tpu.memory_space<hbm>> -> memref<20000xf32, #tpu.memory_space<hbm>>
      tpu.wait_dma2 semaphore(%run_scoped3A : memref<!tpu.dma_semaphore, #tpu.memory_space<semaphore_mem>>) src(%arg6 : memref<20000xf32, #tpu.memory_space<vmem>>) dst(%dma_wait3A_44 : memref<20000xf32, #tpu.memory_space<hbm>>)
      tpu.yield
    }) : () -> ()
    %add3A_21 = arith.constant 32 : i32
    %add3A_22 = arith.addi %add3A_21, %add3A : i32
    %mul3A_23 = arith.constant 50000 : i32
    %mul3A_24 = arith.muli %add3A_22, %mul3A_23 : i32
    %multiple_of3A_25 = tpu.assume_multiple %mul3A_24, 8 : i32
    "tpu.region"() ({
      %run_scoped3A = tpu.sem_alloc : memref<!tpu.dma_semaphore, #tpu.memory_space<semaphore_mem>>
      %dma_start3A = tpu.memref_slice %arg2[%multiple_of3A_25] : memref<3200000xf32, #tpu.memory_space<hbm>> -> memref<50000xf32, #tpu.memory_space<hbm>>
      %dma_start3A_43 = tpu.memref_slice %arg2[%multiple_of3A_25] : memref<3200000xf32, #tpu.memory_space<hbm>> -> memref<50000xf32, #tpu.memory_space<hbm>>
      tpu.enqueue_dma source(%dma_start3A_43 : memref<50000xf32, #tpu.memory_space<hbm>>) target(%arg5 : memref<50000xf32, #tpu.memory_space<vmem>>) target_semaphore(%run_scoped3A : memref<!tpu.dma_semaphore, #tpu.memory_space<semaphore_mem>>)
      %dma_wait3A = tpu.memref_slice %arg2[%multiple_of3A_25] : memref<3200000xf32, #tpu.memory_space<hbm>> -> memref<50000xf32, #tpu.memory_space<hbm>>
      %dma_wait3A_44 = tpu.memref_slice %arg2[%multiple_of3A_25] : memref<3200000xf32, #tpu.memory_space<hbm>> -> memref<50000xf32, #tpu.memory_space<hbm>>
      tpu.wait_dma2 semaphore(%run_scoped3A : memref<!tpu.dma_semaphore, #tpu.memory_space<semaphore_mem>>) src(%dma_wait3A_44 : memref<50000xf32, #tpu.memory_space<hbm>>) dst(%arg5 : memref<50000xf32, #tpu.memory_space<vmem>>)
      tpu.yield
    }) : () -> ()
    %scan3A_26 = arith.constant 0 : i32
    %scan3A_27 = arith.constant 0 : i32
    %scan3A_28 = arith.constant 1250 : i32
    %scan3A_29 = arith.addi %scan3A_27, %scan3A_28 : i32
    %scan3A_30 = arith.constant 1 : i32
    %scan3A_31 = scf.for %scan3A_43 = %scan3A_27 to %scan3A_29 step %scan3A_30 iter_args(%scan3A_44 = %scan3A_26) -> (i32)  : i32 {
      %broadcast_in_dim3A = arith.constant 0.000000e+00 : f32
      %broadcast_in_dim3A_45 = vector.broadcast %broadcast_in_dim3A : f32 to vector<16xf32>
      %mul3A_46 = arith.constant 16 : i32
      %mul3A_47 = arith.muli %scan3A_43, %mul3A_46 : i32
      %multiple_of3A_48 = tpu.assume_multiple %mul3A_47, 8 : i32
      %swap3A = arith.index_cast %multiple_of3A_48 : i32 to index
      %swap3A_49 = tpu.vector_load %arg6[%swap3A] {strides = array<i32>} : memref<20000xf32, #tpu.memory_space<vmem>>, vector<16xf32>,
      tpu.vector_store %arg6[%swap3A], %broadcast_in_dim3A_45 {strides = array<i32>} : memref<20000xf32, #tpu.memory_space<vmem>>, vector<16xf32>,
      %scan3A_50 = arith.constant 0 : i32
      scf.yield %scan3A_50 : i32
    }
    %scan3A_32 = arith.constant 1250 : i32
    %scan3A_33 = arith.constant 0 : i32
    %scan3A_34 = arith.constant 0 : i32
    %scan3A_35 = arith.constant 20 : i32
    %scan3A_36 = arith.addi %scan3A_34, %scan3A_35 : i32
    %scan3A_37 = arith.constant 1 : i32
    %scan3A_38 = scf.for %scan3A_43 = %scan3A_34 to %scan3A_36 step %scan3A_37 iter_args(%scan3A_44 = %scan3A_33) -> (i32)  : i32 {
      %mul3A_45 = arith.constant 40000 : i32
      %mul3A_46 = arith.muli %scan3A_43, %mul3A_45 : i32
      %multiple_of3A_47 = tpu.assume_multiple %mul3A_46, 8 : i32
      "tpu.region"() ({
        %run_scoped3A = tpu.sem_alloc : memref<!tpu.dma_semaphore, #tpu.memory_space<semaphore_mem>>
        %dma_start3A = tpu.memref_slice %arg3[%multiple_of3A_47] : memref<800000xi32, #tpu.memory_space<hbm>> -> memref<40000xi32, #tpu.memory_space<hbm>>
        %dma_start3A_51 = tpu.memref_slice %arg3[%multiple_of3A_47] : memref<800000xi32, #tpu.memory_space<hbm>> -> memref<40000xi32, #tpu.memory_space<hbm>>
        tpu.enqueue_dma source(%dma_start3A_51 : memref<40000xi32, #tpu.memory_space<hbm>>) target(%arg7 : memref<40000xi32, #tpu.memory_space<vmem>>) target_semaphore(%run_scoped3A : memref<!tpu.dma_semaphore, #tpu.memory_space<semaphore_mem>>)
        %dma_wait3A = tpu.memref_slice %arg3[%multiple_of3A_47] : memref<800000xi32, #tpu.memory_space<hbm>> -> memref<40000xi32, #tpu.memory_space<hbm>>
        %dma_wait3A_52 = tpu.memref_slice %arg3[%multiple_of3A_47] : memref<800000xi32, #tpu.memory_space<hbm>> -> memref<40000xi32, #tpu.memory_space<hbm>>
        tpu.wait_dma2 semaphore(%run_scoped3A : memref<!tpu.dma_semaphore, #tpu.memory_space<semaphore_mem>>) src(%dma_wait3A_52 : memref<40000xi32, #tpu.memory_space<hbm>>) dst(%arg7 : memref<40000xi32, #tpu.memory_space<vmem>>)
        tpu.yield
      }) : () -> ()
      %parallel_loop3A = arith.constant 0 : i32
      %parallel_loop3A_48 = arith.constant 2500 : i32
      %parallel_loop3A_49 = arith.constant 1 : i32
      scf.for %parallel_loop3A_51 = %parallel_loop3A to %parallel_loop3A_48 step %parallel_loop3A_49  : i32 {
        %parallel_loop3A_52 = arith.constant 16 : i32
        %parallel_loop3A_53 = arith.muli %parallel_loop3A_51, %parallel_loop3A_52 : i32
        %parallel_loop3A_54 = tpu.assume_multiple %parallel_loop3A_53, 8 : i32
        %parallel_loop3A_55 = arith.index_cast %parallel_loop3A_54 : i32 to index
        %parallel_loop3A_56 = tpu.vector_load %arg7[%parallel_loop3A_55] {strides = array<i32>} : memref<40000xi32, #tpu.memory_space<vmem>>, vector<16xi32>,
        %parallel_loop3A_57 = arith.constant 15 : i32
        %parallel_loop3A_58 = vector.broadcast %parallel_loop3A_57 : i32 to vector<16xi32>
        %parallel_loop3A_59 = arith.shrui %parallel_loop3A_56, %parallel_loop3A_58 : vector<16xi32>
        %parallel_loop3A_60 = arith.constant 32767 : i32
        %parallel_loop3A_61 = vector.broadcast %parallel_loop3A_60 : i32 to vector<16xi32>
        %parallel_loop3A_62 = arith.andi %parallel_loop3A_56, %parallel_loop3A_61 : vector<16xi32>
        %parallel_loop3A_63 = tpu.vector_load_idx %arg5[%parallel_loop3A_59] : memref<50000xf32, #tpu.memory_space<vmem>>[vector<16xi32>], vector<16xf32>,
        tpu.vector_store_idx %arg6[%parallel_loop3A_62], %parallel_loop3A_63 {add = true} : memref<20000xf32, #tpu.memory_space<vmem>>[vector<16xi32>], vector<16xf32>,
      } {sc.loop_unroll_factor = 20 : i64, sc.parallel_access}
      %scan3A_50 = arith.constant 0 : i32
      scf.yield %scan3A_50 : i32
    }
    %scan3A_39 = arith.constant 20 : i32
    %mul3A_40 = arith.constant 20000 : i32
    %mul3A_41 = arith.muli %add3A_22, %mul3A_40 : i32
    %multiple_of3A_42 = tpu.assume_multiple %mul3A_41, 8 : i32
    "tpu.region"() ({
      %run_scoped3A = tpu.sem_alloc : memref<!tpu.dma_semaphore, #tpu.memory_space<semaphore_mem>>
      %dma_start3A = tpu.memref_slice %arg4[%multiple_of3A_42] : memref<1280000xf32, #tpu.memory_space<hbm>> -> memref<20000xf32, #tpu.memory_space<hbm>>
      %dma_start3A_43 = tpu.memref_slice %arg4[%multiple_of3A_42] : memref<1280000xf32, #tpu.memory_space<hbm>> -> memref<20000xf32, #tpu.memory_space<hbm>>
      tpu.enqueue_dma source(%arg6 : memref<20000xf32, #tpu.memory_space<vmem>>) target(%dma_start3A_43 : memref<20000xf32, #tpu.memory_space<hbm>>) target_semaphore(%run_scoped3A : memref<!tpu.dma_semaphore, #tpu.memory_space<semaphore_mem>>)
      %dma_wait3A = tpu.memref_slice %arg4[%multiple_of3A_42] : memref<1280000xf32, #tpu.memory_space<hbm>> -> memref<20000xf32, #tpu.memory_space<hbm>>
      %dma_wait3A_44 = tpu.memref_slice %arg4[%multiple_of3A_42] : memref<1280000xf32, #tpu.memory_space<hbm>> -> memref<20000xf32, #tpu.memory_space<hbm>>
      tpu.wait_dma2 semaphore(%run_scoped3A : memref<!tpu.dma_semaphore, #tpu.memory_space<semaphore_mem>>) src(%arg6 : memref<20000xf32, #tpu.memory_space<vmem>>) dst(%dma_wait3A_44 : memref<20000xf32, #tpu.memory_space<hbm>>)
      tpu.yield
    }) : () -> ()
    return
  }
}

#map = affine_map<(d0, d1) -> (0)>
module attributes {stable_mosaic.version = 14 : i64} {
  func.func @seg(%arg0: i32, %arg1: i32, %arg2: memref<3200000xf32, #tpu.memory_space<hbm>>, %arg3: memref<800000xi32, #tpu.memory_space<hbm>>, %arg4: memref<1280000xf32, #tpu.memory_space<hbm>>, %arg5: memref<50000xf32, #tpu.memory_space<vmem>>, %arg6: memref<20000xf32, #tpu.memory_space<vmem>>, %arg7: memref<40000xi32, #tpu.memory_space<vmem>>) attributes {dimension_semantics = [#tpu.dimension_semantics<core_parallel>, #tpu.dimension_semantics<subcore_parallel>], iteration_bounds = array<i64: 2, 16>, scalar_prefetch = 0 : i64, scratch_operands = 3 : i64, tpu.core_type = #tpu.core_type<sc_vector_subcore>, window_params = [{transform_indices = #map}, {transform_indices = #map}, {transform_indices = #map}]} {
    %mul3A = arith.constant 16 : i32
    %mul3A_0 = arith.muli %arg0, %mul3A : i32
    %add3A = arith.addi %mul3A_0, %arg1 : i32
    %add3A_1 = arith.constant 0 : i32
    %add3A_2 = arith.addi %add3A_1, %add3A : i32
    %mul3A_3 = arith.constant 50000 : i32
    %mul3A_4 = arith.muli %add3A_2, %mul3A_3 : i32
    %multiple_of3A = tpu.assume_multiple %mul3A_4, 8 : i32
    "tpu.region"() ({
      %run_scoped3A = tpu.sem_alloc : memref<!tpu.dma_semaphore, #tpu.memory_space<semaphore_mem>>
      %dma_start3A = tpu.memref_slice %arg2[%multiple_of3A] : memref<3200000xf32, #tpu.memory_space<hbm>> -> memref<50000xf32, #tpu.memory_space<hbm>>
      %dma_start3A_43 = tpu.memref_slice %arg2[%multiple_of3A] : memref<3200000xf32, #tpu.memory_space<hbm>> -> memref<50000xf32, #tpu.memory_space<hbm>>
      tpu.enqueue_dma source(%dma_start3A_43 : memref<50000xf32, #tpu.memory_space<hbm>>) target(%arg5 : memref<50000xf32, #tpu.memory_space<vmem>>) target_semaphore(%run_scoped3A : memref<!tpu.dma_semaphore, #tpu.memory_space<semaphore_mem>>)
      %dma_wait3A = tpu.memref_slice %arg2[%multiple_of3A] : memref<3200000xf32, #tpu.memory_space<hbm>> -> memref<50000xf32, #tpu.memory_space<hbm>>
      %dma_wait3A_44 = tpu.memref_slice %arg2[%multiple_of3A] : memref<3200000xf32, #tpu.memory_space<hbm>> -> memref<50000xf32, #tpu.memory_space<hbm>>
      tpu.wait_dma2 semaphore(%run_scoped3A : memref<!tpu.dma_semaphore, #tpu.memory_space<semaphore_mem>>) src(%dma_wait3A_44 : memref<50000xf32, #tpu.memory_space<hbm>>) dst(%arg5 : memref<50000xf32, #tpu.memory_space<vmem>>)
      tpu.yield
    }) : () -> ()
    %scan3A = arith.constant 0 : i32
    %scan3A_5 = arith.constant 0 : i32
    %scan3A_6 = arith.constant 1250 : i32
    %scan3A_7 = arith.addi %scan3A_5, %scan3A_6 : i32
    %scan3A_8 = arith.constant 1 : i32
    %scan3A_9 = scf.for %scan3A_43 = %scan3A_5 to %scan3A_7 step %scan3A_8 iter_args(%scan3A_44 = %scan3A) -> (i32)  : i32 {
      %broadcast_in_dim3A = arith.constant 0.000000e+00 : f32
      %broadcast_in_dim3A_45 = vector.broadcast %broadcast_in_dim3A : f32 to vector<16xf32>
      %mul3A_46 = arith.constant 16 : i32
      %mul3A_47 = arith.muli %scan3A_43, %mul3A_46 : i32
      %multiple_of3A_48 = tpu.assume_multiple %mul3A_47, 8 : i32
      %swap3A = arith.index_cast %multiple_of3A_48 : i32 to index
      %swap3A_49 = tpu.vector_load %arg6[%swap3A] {strides = array<i32>} : memref<20000xf32, #tpu.memory_space<vmem>>, vector<16xf32>,
      tpu.vector_store %arg6[%swap3A], %broadcast_in_dim3A_45 {strides = array<i32>} : memref<20000xf32, #tpu.memory_space<vmem>>, vector<16xf32>,
      %scan3A_50 = arith.constant 0 : i32
      scf.yield %scan3A_50 : i32
    }
    %scan3A_10 = arith.constant 1250 : i32
    %scan3A_11 = arith.constant 0 : i32
    %scan3A_12 = arith.constant 0 : i32
    %scan3A_13 = arith.constant 20 : i32
    %scan3A_14 = arith.addi %scan3A_12, %scan3A_13 : i32
    %scan3A_15 = arith.constant 1 : i32
    %scan3A_16 = scf.for %scan3A_43 = %scan3A_12 to %scan3A_14 step %scan3A_15 iter_args(%scan3A_44 = %scan3A_11) -> (i32)  : i32 {
      %mul3A_45 = arith.constant 40000 : i32
      %mul3A_46 = arith.muli %scan3A_43, %mul3A_45 : i32
      %multiple_of3A_47 = tpu.assume_multiple %mul3A_46, 8 : i32
      "tpu.region"() ({
        %run_scoped3A = tpu.sem_alloc : memref<!tpu.dma_semaphore, #tpu.memory_space<semaphore_mem>>
        %dma_start3A = tpu.memref_slice %arg3[%multiple_of3A_47] : memref<800000xi32, #tpu.memory_space<hbm>> -> memref<40000xi32, #tpu.memory_space<hbm>>
        %dma_start3A_51 = tpu.memref_slice %arg3[%multiple_of3A_47] : memref<800000xi32, #tpu.memory_space<hbm>> -> memref<40000xi32, #tpu.memory_space<hbm>>
        tpu.enqueue_dma source(%dma_start3A_51 : memref<40000xi32, #tpu.memory_space<hbm>>) target(%arg7 : memref<40000xi32, #tpu.memory_space<vmem>>) target_semaphore(%run_scoped3A : memref<!tpu.dma_semaphore, #tpu.memory_space<semaphore_mem>>)
        %dma_wait3A = tpu.memref_slice %arg3[%multiple_of3A_47] : memref<800000xi32, #tpu.memory_space<hbm>> -> memref<40000xi32, #tpu.memory_space<hbm>>
        %dma_wait3A_52 = tpu.memref_slice %arg3[%multiple_of3A_47] : memref<800000xi32, #tpu.memory_space<hbm>> -> memref<40000xi32, #tpu.memory_space<hbm>>
        tpu.wait_dma2 semaphore(%run_scoped3A : memref<!tpu.dma_semaphore, #tpu.memory_space<semaphore_mem>>) src(%dma_wait3A_52 : memref<40000xi32, #tpu.memory_space<hbm>>) dst(%arg7 : memref<40000xi32, #tpu.memory_space<vmem>>)
        tpu.yield
      }) : () -> ()
      %parallel_loop3A = arith.constant 0 : i32
      %parallel_loop3A_48 = arith.constant 2500 : i32
      %parallel_loop3A_49 = arith.constant 1 : i32
      scf.for %parallel_loop3A_51 = %parallel_loop3A to %parallel_loop3A_48 step %parallel_loop3A_49  : i32 {
        %parallel_loop3A_52 = arith.constant 16 : i32
        %parallel_loop3A_53 = arith.muli %parallel_loop3A_51, %parallel_loop3A_52 : i32
        %parallel_loop3A_54 = tpu.assume_multiple %parallel_loop3A_53, 8 : i32
        %parallel_loop3A_55 = arith.index_cast %parallel_loop3A_54 : i32 to index
        %parallel_loop3A_56 = tpu.vector_load %arg7[%parallel_loop3A_55] {strides = array<i32>} : memref<40000xi32, #tpu.memory_space<vmem>>, vector<16xi32>,
        %parallel_loop3A_57 = arith.constant 15 : i32
        %parallel_loop3A_58 = vector.broadcast %parallel_loop3A_57 : i32 to vector<16xi32>
        %parallel_loop3A_59 = arith.shrui %parallel_loop3A_56, %parallel_loop3A_58 : vector<16xi32>
        %parallel_loop3A_60 = arith.constant 32767 : i32
        %parallel_loop3A_61 = vector.broadcast %parallel_loop3A_60 : i32 to vector<16xi32>
        %parallel_loop3A_62 = arith.andi %parallel_loop3A_56, %parallel_loop3A_61 : vector<16xi32>
        %parallel_loop3A_63 = tpu.vector_load_idx %arg5[%parallel_loop3A_59] : memref<50000xf32, #tpu.memory_space<vmem>>[vector<16xi32>], vector<16xf32>,
        tpu.vector_store_idx %arg6[%parallel_loop3A_62], %parallel_loop3A_63 {add = true} : memref<20000xf32, #tpu.memory_space<vmem>>[vector<16xi32>], vector<16xf32>,
      } {sc.loop_unroll_factor = 20 : i64, sc.parallel_access}
      %scan3A_50 = arith.constant 0 : i32
      scf.yield %scan3A_50 : i32
    }
    %scan3A_17 = arith.constant 20 : i32
    %mul3A_18 = arith.constant 20000 : i32
    %mul3A_19 = arith.muli %add3A_2, %mul3A_18 : i32
    %multiple_of3A_20 = tpu.assume_multiple %mul3A_19, 8 : i32
    "tpu.region"() ({
      %run_scoped3A = tpu.sem_alloc : memref<!tpu.dma_semaphore, #tpu.memory_space<semaphore_mem>>
      %dma_start3A = tpu.memref_slice %arg4[%multiple_of3A_20] : memref<1280000xf32, #tpu.memory_space<hbm>> -> memref<20000xf32, #tpu.memory_space<hbm>>
      %dma_start3A_43 = tpu.memref_slice %arg4[%multiple_of3A_20] : memref<1280000xf32, #tpu.memory_space<hbm>> -> memref<20000xf32, #tpu.memory_space<hbm>>
      tpu.enqueue_dma source(%arg6 : memref<20000xf32, #tpu.memory_space<vmem>>) target(%dma_start3A_43 : memref<20000xf32, #tpu.memory_space<hbm>>) target_semaphore(%run_scoped3A : memref<!tpu.dma_semaphore, #tpu.memory_space<semaphore_mem>>)
      %dma_wait3A = tpu.memref_slice %arg4[%multiple_of3A_20] : memref<1280000xf32, #tpu.memory_space<hbm>> -> memref<20000xf32, #tpu.memory_space<hbm>>
      %dma_wait3A_44 = tpu.memref_slice %arg4[%multiple_of3A_20] : memref<1280000xf32, #tpu.memory_space<hbm>> -> memref<20000xf32, #tpu.memory_space<hbm>>
      tpu.wait_dma2 semaphore(%run_scoped3A : memref<!tpu.dma_semaphore, #tpu.memory_space<semaphore_mem>>) src(%arg6 : memref<20000xf32, #tpu.memory_space<vmem>>) dst(%dma_wait3A_44 : memref<20000xf32, #tpu.memory_space<hbm>>)
      tpu.yield
    }) : () -> ()
    %add3A_21 = arith.constant 32 : i32
    %add3A_22 = arith.addi %add3A_21, %add3A : i32
    %mul3A_23 = arith.constant 50000 : i32
    %mul3A_24 = arith.muli %add3A_22, %mul3A_23 : i32
    %multiple_of3A_25 = tpu.assume_multiple %mul3A_24, 8 : i32
    "tpu.region"() ({
      %run_scoped3A = tpu.sem_alloc : memref<!tpu.dma_semaphore, #tpu.memory_space<semaphore_mem>>
      %dma_start3A = tpu.memref_slice %arg2[%multiple_of3A_25] : memref<3200000xf32, #tpu.memory_space<hbm>> -> memref<50000xf32, #tpu.memory_space<hbm>>
      %dma_start3A_43 = tpu.memref_slice %arg2[%multiple_of3A_25] : memref<3200000xf32, #tpu.memory_space<hbm>> -> memref<50000xf32, #tpu.memory_space<hbm>>
      tpu.enqueue_dma source(%dma_start3A_43 : memref<50000xf32, #tpu.memory_space<hbm>>) target(%arg5 : memref<50000xf32, #tpu.memory_space<vmem>>) target_semaphore(%run_scoped3A : memref<!tpu.dma_semaphore, #tpu.memory_space<semaphore_mem>>)
      %dma_wait3A = tpu.memref_slice %arg2[%multiple_of3A_25] : memref<3200000xf32, #tpu.memory_space<hbm>> -> memref<50000xf32, #tpu.memory_space<hbm>>
      %dma_wait3A_44 = tpu.memref_slice %arg2[%multiple_of3A_25] : memref<3200000xf32, #tpu.memory_space<hbm>> -> memref<50000xf32, #tpu.memory_space<hbm>>
      tpu.wait_dma2 semaphore(%run_scoped3A : memref<!tpu.dma_semaphore, #tpu.memory_space<semaphore_mem>>) src(%dma_wait3A_44 : memref<50000xf32, #tpu.memory_space<hbm>>) dst(%arg5 : memref<50000xf32, #tpu.memory_space<vmem>>)
      tpu.yield
    }) : () -> ()
    %scan3A_26 = arith.constant 0 : i32
    %scan3A_27 = arith.constant 0 : i32
    %scan3A_28 = arith.constant 1250 : i32
    %scan3A_29 = arith.addi %scan3A_27, %scan3A_28 : i32
    %scan3A_30 = arith.constant 1 : i32
    %scan3A_31 = scf.for %scan3A_43 = %scan3A_27 to %scan3A_29 step %scan3A_30 iter_args(%scan3A_44 = %scan3A_26) -> (i32)  : i32 {
      %broadcast_in_dim3A = arith.constant 0.000000e+00 : f32
      %broadcast_in_dim3A_45 = vector.broadcast %broadcast_in_dim3A : f32 to vector<16xf32>
      %mul3A_46 = arith.constant 16 : i32
      %mul3A_47 = arith.muli %scan3A_43, %mul3A_46 : i32
      %multiple_of3A_48 = tpu.assume_multiple %mul3A_47, 8 : i32
      %swap3A = arith.index_cast %multiple_of3A_48 : i32 to index
      %swap3A_49 = tpu.vector_load %arg6[%swap3A] {strides = array<i32>} : memref<20000xf32, #tpu.memory_space<vmem>>, vector<16xf32>,
      tpu.vector_store %arg6[%swap3A], %broadcast_in_dim3A_45 {strides = array<i32>} : memref<20000xf32, #tpu.memory_space<vmem>>, vector<16xf32>,
      %scan3A_50 = arith.constant 0 : i32
      scf.yield %scan3A_50 : i32
    }
    %scan3A_32 = arith.constant 1250 : i32
    %scan3A_33 = arith.constant 0 : i32
    %scan3A_34 = arith.constant 0 : i32
    %scan3A_35 = arith.constant 20 : i32
    %scan3A_36 = arith.addi %scan3A_34, %scan3A_35 : i32
    %scan3A_37 = arith.constant 1 : i32
    %scan3A_38 = scf.for %scan3A_43 = %scan3A_34 to %scan3A_36 step %scan3A_37 iter_args(%scan3A_44 = %scan3A_33) -> (i32)  : i32 {
      %mul3A_45 = arith.constant 40000 : i32
      %mul3A_46 = arith.muli %scan3A_43, %mul3A_45 : i32
      %multiple_of3A_47 = tpu.assume_multiple %mul3A_46, 8 : i32
      "tpu.region"() ({
        %run_scoped3A = tpu.sem_alloc : memref<!tpu.dma_semaphore, #tpu.memory_space<semaphore_mem>>
        %dma_start3A = tpu.memref_slice %arg3[%multiple_of3A_47] : memref<800000xi32, #tpu.memory_space<hbm>> -> memref<40000xi32, #tpu.memory_space<hbm>>
        %dma_start3A_51 = tpu.memref_slice %arg3[%multiple_of3A_47] : memref<800000xi32, #tpu.memory_space<hbm>> -> memref<40000xi32, #tpu.memory_space<hbm>>
        tpu.enqueue_dma source(%dma_start3A_51 : memref<40000xi32, #tpu.memory_space<hbm>>) target(%arg7 : memref<40000xi32, #tpu.memory_space<vmem>>) target_semaphore(%run_scoped3A : memref<!tpu.dma_semaphore, #tpu.memory_space<semaphore_mem>>)
        %dma_wait3A = tpu.memref_slice %arg3[%multiple_of3A_47] : memref<800000xi32, #tpu.memory_space<hbm>> -> memref<40000xi32, #tpu.memory_space<hbm>>
        %dma_wait3A_52 = tpu.memref_slice %arg3[%multiple_of3A_47] : memref<800000xi32, #tpu.memory_space<hbm>> -> memref<40000xi32, #tpu.memory_space<hbm>>
        tpu.wait_dma2 semaphore(%run_scoped3A : memref<!tpu.dma_semaphore, #tpu.memory_space<semaphore_mem>>) src(%dma_wait3A_52 : memref<40000xi32, #tpu.memory_space<hbm>>) dst(%arg7 : memref<40000xi32, #tpu.memory_space<vmem>>)
        tpu.yield
      }) : () -> ()
      %parallel_loop3A = arith.constant 0 : i32
      %parallel_loop3A_48 = arith.constant 2500 : i32
      %parallel_loop3A_49 = arith.constant 1 : i32
      scf.for %parallel_loop3A_51 = %parallel_loop3A to %parallel_loop3A_48 step %parallel_loop3A_49  : i32 {
        %parallel_loop3A_52 = arith.constant 16 : i32
        %parallel_loop3A_53 = arith.muli %parallel_loop3A_51, %parallel_loop3A_52 : i32
        %parallel_loop3A_54 = tpu.assume_multiple %parallel_loop3A_53, 8 : i32
        %parallel_loop3A_55 = arith.index_cast %parallel_loop3A_54 : i32 to index
        %parallel_loop3A_56 = tpu.vector_load %arg7[%parallel_loop3A_55] {strides = array<i32>} : memref<40000xi32, #tpu.memory_space<vmem>>, vector<16xi32>,
        %parallel_loop3A_57 = arith.constant 15 : i32
        %parallel_loop3A_58 = vector.broadcast %parallel_loop3A_57 : i32 to vector<16xi32>
        %parallel_loop3A_59 = arith.shrui %parallel_loop3A_56, %parallel_loop3A_58 : vector<16xi32>
        %parallel_loop3A_60 = arith.constant 32767 : i32
        %parallel_loop3A_61 = vector.broadcast %parallel_loop3A_60 : i32 to vector<16xi32>
        %parallel_loop3A_62 = arith.andi %parallel_loop3A_56, %parallel_loop3A_61 : vector<16xi32>
        %parallel_loop3A_63 = tpu.vector_load_idx %arg5[%parallel_loop3A_59] : memref<50000xf32, #tpu.memory_space<vmem>>[vector<16xi32>], vector<16xf32>,
        tpu.vector_store_idx %arg6[%parallel_loop3A_62], %parallel_loop3A_63 {add = true} : memref<20000xf32, #tpu.memory_space<vmem>>[vector<16xi32>], vector<16xf32>,
      } {sc.loop_unroll_factor = 20 : i64, sc.parallel_access}
      %scan3A_50 = arith.constant 0 : i32
      scf.yield %scan3A_50 : i32
    }
    %scan3A_39 = arith.constant 20 : i32
    %mul3A_40 = arith.constant 20000 : i32
    %mul3A_41 = arith.muli %add3A_22, %mul3A_40 : i32
    %multiple_of3A_42 = tpu.assume_multiple %mul3A_41, 8 : i32
    "tpu.region"() ({
      %run_scoped3A = tpu.sem_alloc : memref<!tpu.dma_semaphore, #tpu.memory_space<semaphore_mem>>
      %dma_start3A = tpu.memref_slice %arg4[%multiple_of3A_42] : memref<1280000xf32, #tpu.memory_space<hbm>> -> memref<20000xf32, #tpu.memory_space<hbm>>
      %dma_start3A_43 = tpu.memref_slice %arg4[%multiple_of3A_42] : memref<1280000xf32, #tpu.memory_space<hbm>> -> memref<20000xf32, #tpu.memory_space<hbm>>
      tpu.enqueue_dma source(%arg6 : memref<20000xf32, #tpu.memory_space<vmem>>) target(%dma_start3A_43 : memref<20000xf32, #tpu.memory_space<hbm>>) target_semaphore(%run_scoped3A : memref<!tpu.dma_semaphore, #tpu.memory_space<semaphore_mem>>)
      %dma_wait3A = tpu.memref_slice %arg4[%multiple_of3A_42] : memref<1280000xf32, #tpu.memory_space<hbm>> -> memref<20000xf32, #tpu.memory_space<hbm>>
      %dma_wait3A_44 = tpu.memref_slice %arg4[%multiple_of3A_42] : memref<1280000xf32, #tpu.memory_space<hbm>> -> memref<20000xf32, #tpu.memory_space<hbm>>
      tpu.wait_dma2 semaphore(%run_scoped3A : memref<!tpu.dma_semaphore, #tpu.memory_space<semaphore_mem>>) src(%arg6 : memref<20000xf32, #tpu.memory_space<vmem>>) dst(%dma_wait3A_44 : memref<20000xf32, #tpu.memory_space<hbm>>)
      tpu.yield
    }) : () -> ()
    return
  }
}

#map = affine_map<(d0, d1) -> (0)>
module attributes {stable_mosaic.version = 14 : i64} {
  func.func @seg(%arg0: i32, %arg1: i32, %arg2: memref<1280000xf32, #tpu.memory_space<hbm>>, %arg3: memref<800000xi32, #tpu.memory_space<hbm>>, %arg4: memref<3200000xf32, #tpu.memory_space<hbm>>, %arg5: memref<20000xf32, #tpu.memory_space<vmem>>, %arg6: memref<50000xf32, #tpu.memory_space<vmem>>, %arg7: memref<40000xi32, #tpu.memory_space<vmem>>) attributes {dimension_semantics = [#tpu.dimension_semantics<core_parallel>, #tpu.dimension_semantics<subcore_parallel>], iteration_bounds = array<i64: 2, 16>, scalar_prefetch = 0 : i64, scratch_operands = 3 : i64, tpu.core_type = #tpu.core_type<sc_vector_subcore>, window_params = [{transform_indices = #map}, {transform_indices = #map}, {transform_indices = #map}]} {
    %mul3A = arith.constant 16 : i32
    %mul3A_0 = arith.muli %arg0, %mul3A : i32
    %add3A = arith.addi %mul3A_0, %arg1 : i32
    %add3A_1 = arith.constant 0 : i32
    %add3A_2 = arith.addi %add3A_1, %add3A : i32
    %mul3A_3 = arith.constant 20000 : i32
    %mul3A_4 = arith.muli %add3A_2, %mul3A_3 : i32
    %multiple_of3A = tpu.assume_multiple %mul3A_4, 8 : i32
    "tpu.region"() ({
      %run_scoped3A = tpu.sem_alloc : memref<!tpu.dma_semaphore, #tpu.memory_space<semaphore_mem>>
      %dma_start3A = tpu.memref_slice %arg2[%multiple_of3A] : memref<1280000xf32, #tpu.memory_space<hbm>> -> memref<20000xf32, #tpu.memory_space<hbm>>
      %dma_start3A_43 = tpu.memref_slice %arg2[%multiple_of3A] : memref<1280000xf32, #tpu.memory_space<hbm>> -> memref<20000xf32, #tpu.memory_space<hbm>>
      tpu.enqueue_dma source(%dma_start3A_43 : memref<20000xf32, #tpu.memory_space<hbm>>) target(%arg5 : memref<20000xf32, #tpu.memory_space<vmem>>) target_semaphore(%run_scoped3A : memref<!tpu.dma_semaphore, #tpu.memory_space<semaphore_mem>>)
      %dma_wait3A = tpu.memref_slice %arg2[%multiple_of3A] : memref<1280000xf32, #tpu.memory_space<hbm>> -> memref<20000xf32, #tpu.memory_space<hbm>>
      %dma_wait3A_44 = tpu.memref_slice %arg2[%multiple_of3A] : memref<1280000xf32, #tpu.memory_space<hbm>> -> memref<20000xf32, #tpu.memory_space<hbm>>
      tpu.wait_dma2 semaphore(%run_scoped3A : memref<!tpu.dma_semaphore, #tpu.memory_space<semaphore_mem>>) src(%dma_wait3A_44 : memref<20000xf32, #tpu.memory_space<hbm>>) dst(%arg5 : memref<20000xf32, #tpu.memory_space<vmem>>)
      tpu.yield
    }) : () -> ()
    %scan3A = arith.constant 0 : i32
    %scan3A_5 = arith.constant 0 : i32
    %scan3A_6 = arith.constant 3125 : i32
    %scan3A_7 = arith.addi %scan3A_5, %scan3A_6 : i32
    %scan3A_8 = arith.constant 1 : i32
    %scan3A_9 = scf.for %scan3A_43 = %scan3A_5 to %scan3A_7 step %scan3A_8 iter_args(%scan3A_44 = %scan3A) -> (i32)  : i32 {
      %broadcast_in_dim3A = arith.constant 0.000000e+00 : f32
      %broadcast_in_dim3A_45 = vector.broadcast %broadcast_in_dim3A : f32 to vector<16xf32>
      %mul3A_46 = arith.constant 16 : i32
      %mul3A_47 = arith.muli %scan3A_43, %mul3A_46 : i32
      %multiple_of3A_48 = tpu.assume_multiple %mul3A_47, 8 : i32
      %swap3A = arith.index_cast %multiple_of3A_48 : i32 to index
      %swap3A_49 = tpu.vector_load %arg6[%swap3A] {strides = array<i32>} : memref<50000xf32, #tpu.memory_space<vmem>>, vector<16xf32>,
      tpu.vector_store %arg6[%swap3A], %broadcast_in_dim3A_45 {strides = array<i32>} : memref<50000xf32, #tpu.memory_space<vmem>>, vector<16xf32>,
      %scan3A_50 = arith.constant 0 : i32
      scf.yield %scan3A_50 : i32
    }
    %scan3A_10 = arith.constant 3125 : i32
    %scan3A_11 = arith.constant 0 : i32
    %scan3A_12 = arith.constant 0 : i32
    %scan3A_13 = arith.constant 20 : i32
    %scan3A_14 = arith.addi %scan3A_12, %scan3A_13 : i32
    %scan3A_15 = arith.constant 1 : i32
    %scan3A_16 = scf.for %scan3A_43 = %scan3A_12 to %scan3A_14 step %scan3A_15 iter_args(%scan3A_44 = %scan3A_11) -> (i32)  : i32 {
      %mul3A_45 = arith.constant 40000 : i32
      %mul3A_46 = arith.muli %scan3A_43, %mul3A_45 : i32
      %multiple_of3A_47 = tpu.assume_multiple %mul3A_46, 8 : i32
      "tpu.region"() ({
        %run_scoped3A = tpu.sem_alloc : memref<!tpu.dma_semaphore, #tpu.memory_space<semaphore_mem>>
        %dma_start3A = tpu.memref_slice %arg3[%multiple_of3A_47] : memref<800000xi32, #tpu.memory_space<hbm>> -> memref<40000xi32, #tpu.memory_space<hbm>>
        %dma_start3A_51 = tpu.memref_slice %arg3[%multiple_of3A_47] : memref<800000xi32, #tpu.memory_space<hbm>> -> memref<40000xi32, #tpu.memory_space<hbm>>
        tpu.enqueue_dma source(%dma_start3A_51 : memref<40000xi32, #tpu.memory_space<hbm>>) target(%arg7 : memref<40000xi32, #tpu.memory_space<vmem>>) target_semaphore(%run_scoped3A : memref<!tpu.dma_semaphore, #tpu.memory_space<semaphore_mem>>)
        %dma_wait3A = tpu.memref_slice %arg3[%multiple_of3A_47] : memref<800000xi32, #tpu.memory_space<hbm>> -> memref<40000xi32, #tpu.memory_space<hbm>>
        %dma_wait3A_52 = tpu.memref_slice %arg3[%multiple_of3A_47] : memref<800000xi32, #tpu.memory_space<hbm>> -> memref<40000xi32, #tpu.memory_space<hbm>>
        tpu.wait_dma2 semaphore(%run_scoped3A : memref<!tpu.dma_semaphore, #tpu.memory_space<semaphore_mem>>) src(%dma_wait3A_52 : memref<40000xi32, #tpu.memory_space<hbm>>) dst(%arg7 : memref<40000xi32, #tpu.memory_space<vmem>>)
        tpu.yield
      }) : () -> ()
      %parallel_loop3A = arith.constant 0 : i32
      %parallel_loop3A_48 = arith.constant 2500 : i32
      %parallel_loop3A_49 = arith.constant 1 : i32
      scf.for %parallel_loop3A_51 = %parallel_loop3A to %parallel_loop3A_48 step %parallel_loop3A_49  : i32 {
        %parallel_loop3A_52 = arith.constant 16 : i32
        %parallel_loop3A_53 = arith.muli %parallel_loop3A_51, %parallel_loop3A_52 : i32
        %parallel_loop3A_54 = tpu.assume_multiple %parallel_loop3A_53, 8 : i32
        %parallel_loop3A_55 = arith.index_cast %parallel_loop3A_54 : i32 to index
        %parallel_loop3A_56 = tpu.vector_load %arg7[%parallel_loop3A_55] {strides = array<i32>} : memref<40000xi32, #tpu.memory_space<vmem>>, vector<16xi32>,
        %parallel_loop3A_57 = arith.constant 15 : i32
        %parallel_loop3A_58 = vector.broadcast %parallel_loop3A_57 : i32 to vector<16xi32>
        %parallel_loop3A_59 = arith.shrui %parallel_loop3A_56, %parallel_loop3A_58 : vector<16xi32>
        %parallel_loop3A_60 = arith.constant 32767 : i32
        %parallel_loop3A_61 = vector.broadcast %parallel_loop3A_60 : i32 to vector<16xi32>
        %parallel_loop3A_62 = arith.andi %parallel_loop3A_56, %parallel_loop3A_61 : vector<16xi32>
        %parallel_loop3A_63 = tpu.vector_load_idx %arg5[%parallel_loop3A_62] : memref<20000xf32, #tpu.memory_space<vmem>>[vector<16xi32>], vector<16xf32>,
        tpu.vector_store_idx %arg6[%parallel_loop3A_59], %parallel_loop3A_63 {add = true} : memref<50000xf32, #tpu.memory_space<vmem>>[vector<16xi32>], vector<16xf32>,
      } {sc.loop_unroll_factor = 20 : i64, sc.parallel_access}
      %scan3A_50 = arith.constant 0 : i32
      scf.yield %scan3A_50 : i32
    }
    %scan3A_17 = arith.constant 20 : i32
    %mul3A_18 = arith.constant 50000 : i32
    %mul3A_19 = arith.muli %add3A_2, %mul3A_18 : i32
    %multiple_of3A_20 = tpu.assume_multiple %mul3A_19, 8 : i32
    "tpu.region"() ({
      %run_scoped3A = tpu.sem_alloc : memref<!tpu.dma_semaphore, #tpu.memory_space<semaphore_mem>>
      %dma_start3A = tpu.memref_slice %arg4[%multiple_of3A_20] : memref<3200000xf32, #tpu.memory_space<hbm>> -> memref<50000xf32, #tpu.memory_space<hbm>>
      %dma_start3A_43 = tpu.memref_slice %arg4[%multiple_of3A_20] : memref<3200000xf32, #tpu.memory_space<hbm>> -> memref<50000xf32, #tpu.memory_space<hbm>>
      tpu.enqueue_dma source(%arg6 : memref<50000xf32, #tpu.memory_space<vmem>>) target(%dma_start3A_43 : memref<50000xf32, #tpu.memory_space<hbm>>) target_semaphore(%run_scoped3A : memref<!tpu.dma_semaphore, #tpu.memory_space<semaphore_mem>>)
      %dma_wait3A = tpu.memref_slice %arg4[%multiple_of3A_20] : memref<3200000xf32, #tpu.memory_space<hbm>> -> memref<50000xf32, #tpu.memory_space<hbm>>
      %dma_wait3A_44 = tpu.memref_slice %arg4[%multiple_of3A_20] : memref<3200000xf32, #tpu.memory_space<hbm>> -> memref<50000xf32, #tpu.memory_space<hbm>>
      tpu.wait_dma2 semaphore(%run_scoped3A : memref<!tpu.dma_semaphore, #tpu.memory_space<semaphore_mem>>) src(%arg6 : memref<50000xf32, #tpu.memory_space<vmem>>) dst(%dma_wait3A_44 : memref<50000xf32, #tpu.memory_space<hbm>>)
      tpu.yield
    }) : () -> ()
    %add3A_21 = arith.constant 32 : i32
    %add3A_22 = arith.addi %add3A_21, %add3A : i32
    %mul3A_23 = arith.constant 20000 : i32
    %mul3A_24 = arith.muli %add3A_22, %mul3A_23 : i32
    %multiple_of3A_25 = tpu.assume_multiple %mul3A_24, 8 : i32
    "tpu.region"() ({
      %run_scoped3A = tpu.sem_alloc : memref<!tpu.dma_semaphore, #tpu.memory_space<semaphore_mem>>
      %dma_start3A = tpu.memref_slice %arg2[%multiple_of3A_25] : memref<1280000xf32, #tpu.memory_space<hbm>> -> memref<20000xf32, #tpu.memory_space<hbm>>
      %dma_start3A_43 = tpu.memref_slice %arg2[%multiple_of3A_25] : memref<1280000xf32, #tpu.memory_space<hbm>> -> memref<20000xf32, #tpu.memory_space<hbm>>
      tpu.enqueue_dma source(%dma_start3A_43 : memref<20000xf32, #tpu.memory_space<hbm>>) target(%arg5 : memref<20000xf32, #tpu.memory_space<vmem>>) target_semaphore(%run_scoped3A : memref<!tpu.dma_semaphore, #tpu.memory_space<semaphore_mem>>)
      %dma_wait3A = tpu.memref_slice %arg2[%multiple_of3A_25] : memref<1280000xf32, #tpu.memory_space<hbm>> -> memref<20000xf32, #tpu.memory_space<hbm>>
      %dma_wait3A_44 = tpu.memref_slice %arg2[%multiple_of3A_25] : memref<1280000xf32, #tpu.memory_space<hbm>> -> memref<20000xf32, #tpu.memory_space<hbm>>
      tpu.wait_dma2 semaphore(%run_scoped3A : memref<!tpu.dma_semaphore, #tpu.memory_space<semaphore_mem>>) src(%dma_wait3A_44 : memref<20000xf32, #tpu.memory_space<hbm>>) dst(%arg5 : memref<20000xf32, #tpu.memory_space<vmem>>)
      tpu.yield
    }) : () -> ()
    %scan3A_26 = arith.constant 0 : i32
    %scan3A_27 = arith.constant 0 : i32
    %scan3A_28 = arith.constant 3125 : i32
    %scan3A_29 = arith.addi %scan3A_27, %scan3A_28 : i32
    %scan3A_30 = arith.constant 1 : i32
    %scan3A_31 = scf.for %scan3A_43 = %scan3A_27 to %scan3A_29 step %scan3A_30 iter_args(%scan3A_44 = %scan3A_26) -> (i32)  : i32 {
      %broadcast_in_dim3A = arith.constant 0.000000e+00 : f32
      %broadcast_in_dim3A_45 = vector.broadcast %broadcast_in_dim3A : f32 to vector<16xf32>
      %mul3A_46 = arith.constant 16 : i32
      %mul3A_47 = arith.muli %scan3A_43, %mul3A_46 : i32
      %multiple_of3A_48 = tpu.assume_multiple %mul3A_47, 8 : i32
      %swap3A = arith.index_cast %multiple_of3A_48 : i32 to index
      %swap3A_49 = tpu.vector_load %arg6[%swap3A] {strides = array<i32>} : memref<50000xf32, #tpu.memory_space<vmem>>, vector<16xf32>,
      tpu.vector_store %arg6[%swap3A], %broadcast_in_dim3A_45 {strides = array<i32>} : memref<50000xf32, #tpu.memory_space<vmem>>, vector<16xf32>,
      %scan3A_50 = arith.constant 0 : i32
      scf.yield %scan3A_50 : i32
    }
    %scan3A_32 = arith.constant 3125 : i32
    %scan3A_33 = arith.constant 0 : i32
    %scan3A_34 = arith.constant 0 : i32
    %scan3A_35 = arith.constant 20 : i32
    %scan3A_36 = arith.addi %scan3A_34, %scan3A_35 : i32
    %scan3A_37 = arith.constant 1 : i32
    %scan3A_38 = scf.for %scan3A_43 = %scan3A_34 to %scan3A_36 step %scan3A_37 iter_args(%scan3A_44 = %scan3A_33) -> (i32)  : i32 {
      %mul3A_45 = arith.constant 40000 : i32
      %mul3A_46 = arith.muli %scan3A_43, %mul3A_45 : i32
      %multiple_of3A_47 = tpu.assume_multiple %mul3A_46, 8 : i32
      "tpu.region"() ({
        %run_scoped3A = tpu.sem_alloc : memref<!tpu.dma_semaphore, #tpu.memory_space<semaphore_mem>>
        %dma_start3A = tpu.memref_slice %arg3[%multiple_of3A_47] : memref<800000xi32, #tpu.memory_space<hbm>> -> memref<40000xi32, #tpu.memory_space<hbm>>
        %dma_start3A_51 = tpu.memref_slice %arg3[%multiple_of3A_47] : memref<800000xi32, #tpu.memory_space<hbm>> -> memref<40000xi32, #tpu.memory_space<hbm>>
        tpu.enqueue_dma source(%dma_start3A_51 : memref<40000xi32, #tpu.memory_space<hbm>>) target(%arg7 : memref<40000xi32, #tpu.memory_space<vmem>>) target_semaphore(%run_scoped3A : memref<!tpu.dma_semaphore, #tpu.memory_space<semaphore_mem>>)
        %dma_wait3A = tpu.memref_slice %arg3[%multiple_of3A_47] : memref<800000xi32, #tpu.memory_space<hbm>> -> memref<40000xi32, #tpu.memory_space<hbm>>
        %dma_wait3A_52 = tpu.memref_slice %arg3[%multiple_of3A_47] : memref<800000xi32, #tpu.memory_space<hbm>> -> memref<40000xi32, #tpu.memory_space<hbm>>
        tpu.wait_dma2 semaphore(%run_scoped3A : memref<!tpu.dma_semaphore, #tpu.memory_space<semaphore_mem>>) src(%dma_wait3A_52 : memref<40000xi32, #tpu.memory_space<hbm>>) dst(%arg7 : memref<40000xi32, #tpu.memory_space<vmem>>)
        tpu.yield
      }) : () -> ()
      %parallel_loop3A = arith.constant 0 : i32
      %parallel_loop3A_48 = arith.constant 2500 : i32
      %parallel_loop3A_49 = arith.constant 1 : i32
      scf.for %parallel_loop3A_51 = %parallel_loop3A to %parallel_loop3A_48 step %parallel_loop3A_49  : i32 {
        %parallel_loop3A_52 = arith.constant 16 : i32
        %parallel_loop3A_53 = arith.muli %parallel_loop3A_51, %parallel_loop3A_52 : i32
        %parallel_loop3A_54 = tpu.assume_multiple %parallel_loop3A_53, 8 : i32
        %parallel_loop3A_55 = arith.index_cast %parallel_loop3A_54 : i32 to index
        %parallel_loop3A_56 = tpu.vector_load %arg7[%parallel_loop3A_55] {strides = array<i32>} : memref<40000xi32, #tpu.memory_space<vmem>>, vector<16xi32>,
        %parallel_loop3A_57 = arith.constant 15 : i32
        %parallel_loop3A_58 = vector.broadcast %parallel_loop3A_57 : i32 to vector<16xi32>
        %parallel_loop3A_59 = arith.shrui %parallel_loop3A_56, %parallel_loop3A_58 : vector<16xi32>
        %parallel_loop3A_60 = arith.constant 32767 : i32
        %parallel_loop3A_61 = vector.broadcast %parallel_loop3A_60 : i32 to vector<16xi32>
        %parallel_loop3A_62 = arith.andi %parallel_loop3A_56, %parallel_loop3A_61 : vector<16xi32>
        %parallel_loop3A_63 = tpu.vector_load_idx %arg5[%parallel_loop3A_62] : memref<20000xf32, #tpu.memory_space<vmem>>[vector<16xi32>], vector<16xf32>,
        tpu.vector_store_idx %arg6[%parallel_loop3A_59], %parallel_loop3A_63 {add = true} : memref<50000xf32, #tpu.memory_space<vmem>>[vector<16xi32>], vector<16xf32>,
      } {sc.loop_unroll_factor = 20 : i64, sc.parallel_access}
      %scan3A_50 = arith.constant 0 : i32
      scf.yield %scan3A_50 : i32
    }
    %scan3A_39 = arith.constant 20 : i32
    %mul3A_40 = arith.constant 50000 : i32
    %mul3A_41 = arith.muli %add3A_22, %mul3A_40 : i32
    %multiple_of3A_42 = tpu.assume_multiple %mul3A_41, 8 : i32
    "tpu.region"() ({
      %run_scoped3A = tpu.sem_alloc : memref<!tpu.dma_semaphore, #tpu.memory_space<semaphore_mem>>
      %dma_start3A = tpu.memref_slice %arg4[%multiple_of3A_42] : memref<3200000xf32, #tpu.memory_space<hbm>> -> memref<50000xf32, #tpu.memory_space<hbm>>
      %dma_start3A_43 = tpu.memref_slice %arg4[%multiple_of3A_42] : memref<3200000xf32, #tpu.memory_space<hbm>> -> memref<50000xf32, #tpu.memory_space<hbm>>
      tpu.enqueue_dma source(%arg6 : memref<50000xf32, #tpu.memory_space<vmem>>) target(%dma_start3A_43 : memref<50000xf32, #tpu.memory_space<hbm>>) target_semaphore(%run_scoped3A : memref<!tpu.dma_semaphore, #tpu.memory_space<semaphore_mem>>)
      %dma_wait3A = tpu.memref_slice %arg4[%multiple_of3A_42] : memref<3200000xf32, #tpu.memory_space<hbm>> -> memref<50000xf32, #tpu.memory_space<hbm>>
      %dma_wait3A_44 = tpu.memref_slice %arg4[%multiple_of3A_42] : memref<3200000xf32, #tpu.memory_space<hbm>> -> memref<50000xf32, #tpu.memory_space<hbm>>
      tpu.wait_dma2 semaphore(%run_scoped3A : memref<!tpu.dma_semaphore, #tpu.memory_space<semaphore_mem>>) src(%arg6 : memref<50000xf32, #tpu.memory_space<vmem>>) dst(%dma_wait3A_44 : memref<50000xf32, #tpu.memory_space<hbm>>)
      tpu.yield
    }) : () -> ()
    return
  }
}

#map = affine_map<(d0, d1) -> (0)>
module attributes {stable_mosaic.version = 14 : i64} {
  func.func @seg(%arg0: i32, %arg1: i32, %arg2: memref<1280000xf32, #tpu.memory_space<hbm>>, %arg3: memref<800000xi32, #tpu.memory_space<hbm>>, %arg4: memref<3200000xf32, #tpu.memory_space<hbm>>, %arg5: memref<20000xf32, #tpu.memory_space<vmem>>, %arg6: memref<50000xf32, #tpu.memory_space<vmem>>, %arg7: memref<40000xi32, #tpu.memory_space<vmem>>) attributes {dimension_semantics = [#tpu.dimension_semantics<core_parallel>, #tpu.dimension_semantics<subcore_parallel>], iteration_bounds = array<i64: 2, 16>, scalar_prefetch = 0 : i64, scratch_operands = 3 : i64, tpu.core_type = #tpu.core_type<sc_vector_subcore>, window_params = [{transform_indices = #map}, {transform_indices = #map}, {transform_indices = #map}]} {
    %mul3A = arith.constant 16 : i32
    %mul3A_0 = arith.muli %arg0, %mul3A : i32
    %add3A = arith.addi %mul3A_0, %arg1 : i32
    %add3A_1 = arith.constant 0 : i32
    %add3A_2 = arith.addi %add3A_1, %add3A : i32
    %mul3A_3 = arith.constant 20000 : i32
    %mul3A_4 = arith.muli %add3A_2, %mul3A_3 : i32
    %multiple_of3A = tpu.assume_multiple %mul3A_4, 8 : i32
    "tpu.region"() ({
      %run_scoped3A = tpu.sem_alloc : memref<!tpu.dma_semaphore, #tpu.memory_space<semaphore_mem>>
      %dma_start3A = tpu.memref_slice %arg2[%multiple_of3A] : memref<1280000xf32, #tpu.memory_space<hbm>> -> memref<20000xf32, #tpu.memory_space<hbm>>
      %dma_start3A_43 = tpu.memref_slice %arg2[%multiple_of3A] : memref<1280000xf32, #tpu.memory_space<hbm>> -> memref<20000xf32, #tpu.memory_space<hbm>>
      tpu.enqueue_dma source(%dma_start3A_43 : memref<20000xf32, #tpu.memory_space<hbm>>) target(%arg5 : memref<20000xf32, #tpu.memory_space<vmem>>) target_semaphore(%run_scoped3A : memref<!tpu.dma_semaphore, #tpu.memory_space<semaphore_mem>>)
      %dma_wait3A = tpu.memref_slice %arg2[%multiple_of3A] : memref<1280000xf32, #tpu.memory_space<hbm>> -> memref<20000xf32, #tpu.memory_space<hbm>>
      %dma_wait3A_44 = tpu.memref_slice %arg2[%multiple_of3A] : memref<1280000xf32, #tpu.memory_space<hbm>> -> memref<20000xf32, #tpu.memory_space<hbm>>
      tpu.wait_dma2 semaphore(%run_scoped3A : memref<!tpu.dma_semaphore, #tpu.memory_space<semaphore_mem>>) src(%dma_wait3A_44 : memref<20000xf32, #tpu.memory_space<hbm>>) dst(%arg5 : memref<20000xf32, #tpu.memory_space<vmem>>)
      tpu.yield
    }) : () -> ()
    %scan3A = arith.constant 0 : i32
    %scan3A_5 = arith.constant 0 : i32
    %scan3A_6 = arith.constant 3125 : i32
    %scan3A_7 = arith.addi %scan3A_5, %scan3A_6 : i32
    %scan3A_8 = arith.constant 1 : i32
    %scan3A_9 = scf.for %scan3A_43 = %scan3A_5 to %scan3A_7 step %scan3A_8 iter_args(%scan3A_44 = %scan3A) -> (i32)  : i32 {
      %broadcast_in_dim3A = arith.constant 0.000000e+00 : f32
      %broadcast_in_dim3A_45 = vector.broadcast %broadcast_in_dim3A : f32 to vector<16xf32>
      %mul3A_46 = arith.constant 16 : i32
      %mul3A_47 = arith.muli %scan3A_43, %mul3A_46 : i32
      %multiple_of3A_48 = tpu.assume_multiple %mul3A_47, 8 : i32
      %swap3A = arith.index_cast %multiple_of3A_48 : i32 to index
      %swap3A_49 = tpu.vector_load %arg6[%swap3A] {strides = array<i32>} : memref<50000xf32, #tpu.memory_space<vmem>>, vector<16xf32>,
      tpu.vector_store %arg6[%swap3A], %broadcast_in_dim3A_45 {strides = array<i32>} : memref<50000xf32, #tpu.memory_space<vmem>>, vector<16xf32>,
      %scan3A_50 = arith.constant 0 : i32
      scf.yield %scan3A_50 : i32
    }
    %scan3A_10 = arith.constant 3125 : i32
    %scan3A_11 = arith.constant 0 : i32
    %scan3A_12 = arith.constant 0 : i32
    %scan3A_13 = arith.constant 20 : i32
    %scan3A_14 = arith.addi %scan3A_12, %scan3A_13 : i32
    %scan3A_15 = arith.constant 1 : i32
    %scan3A_16 = scf.for %scan3A_43 = %scan3A_12 to %scan3A_14 step %scan3A_15 iter_args(%scan3A_44 = %scan3A_11) -> (i32)  : i32 {
      %mul3A_45 = arith.constant 40000 : i32
      %mul3A_46 = arith.muli %scan3A_43, %mul3A_45 : i32
      %multiple_of3A_47 = tpu.assume_multiple %mul3A_46, 8 : i32
      "tpu.region"() ({
        %run_scoped3A = tpu.sem_alloc : memref<!tpu.dma_semaphore, #tpu.memory_space<semaphore_mem>>
        %dma_start3A = tpu.memref_slice %arg3[%multiple_of3A_47] : memref<800000xi32, #tpu.memory_space<hbm>> -> memref<40000xi32, #tpu.memory_space<hbm>>
        %dma_start3A_51 = tpu.memref_slice %arg3[%multiple_of3A_47] : memref<800000xi32, #tpu.memory_space<hbm>> -> memref<40000xi32, #tpu.memory_space<hbm>>
        tpu.enqueue_dma source(%dma_start3A_51 : memref<40000xi32, #tpu.memory_space<hbm>>) target(%arg7 : memref<40000xi32, #tpu.memory_space<vmem>>) target_semaphore(%run_scoped3A : memref<!tpu.dma_semaphore, #tpu.memory_space<semaphore_mem>>)
        %dma_wait3A = tpu.memref_slice %arg3[%multiple_of3A_47] : memref<800000xi32, #tpu.memory_space<hbm>> -> memref<40000xi32, #tpu.memory_space<hbm>>
        %dma_wait3A_52 = tpu.memref_slice %arg3[%multiple_of3A_47] : memref<800000xi32, #tpu.memory_space<hbm>> -> memref<40000xi32, #tpu.memory_space<hbm>>
        tpu.wait_dma2 semaphore(%run_scoped3A : memref<!tpu.dma_semaphore, #tpu.memory_space<semaphore_mem>>) src(%dma_wait3A_52 : memref<40000xi32, #tpu.memory_space<hbm>>) dst(%arg7 : memref<40000xi32, #tpu.memory_space<vmem>>)
        tpu.yield
      }) : () -> ()
      %parallel_loop3A = arith.constant 0 : i32
      %parallel_loop3A_48 = arith.constant 2500 : i32
      %parallel_loop3A_49 = arith.constant 1 : i32
      scf.for %parallel_loop3A_51 = %parallel_loop3A to %parallel_loop3A_48 step %parallel_loop3A_49  : i32 {
        %parallel_loop3A_52 = arith.constant 16 : i32
        %parallel_loop3A_53 = arith.muli %parallel_loop3A_51, %parallel_loop3A_52 : i32
        %parallel_loop3A_54 = tpu.assume_multiple %parallel_loop3A_53, 8 : i32
        %parallel_loop3A_55 = arith.index_cast %parallel_loop3A_54 : i32 to index
        %parallel_loop3A_56 = tpu.vector_load %arg7[%parallel_loop3A_55] {strides = array<i32>} : memref<40000xi32, #tpu.memory_space<vmem>>, vector<16xi32>,
        %parallel_loop3A_57 = arith.constant 15 : i32
        %parallel_loop3A_58 = vector.broadcast %parallel_loop3A_57 : i32 to vector<16xi32>
        %parallel_loop3A_59 = arith.shrui %parallel_loop3A_56, %parallel_loop3A_58 : vector<16xi32>
        %parallel_loop3A_60 = arith.constant 32767 : i32
        %parallel_loop3A_61 = vector.broadcast %parallel_loop3A_60 : i32 to vector<16xi32>
        %parallel_loop3A_62 = arith.andi %parallel_loop3A_56, %parallel_loop3A_61 : vector<16xi32>
        %parallel_loop3A_63 = tpu.vector_load_idx %arg5[%parallel_loop3A_62] : memref<20000xf32, #tpu.memory_space<vmem>>[vector<16xi32>], vector<16xf32>,
        tpu.vector_store_idx %arg6[%parallel_loop3A_59], %parallel_loop3A_63 {add = true} : memref<50000xf32, #tpu.memory_space<vmem>>[vector<16xi32>], vector<16xf32>,
      } {sc.loop_unroll_factor = 20 : i64, sc.parallel_access}
      %scan3A_50 = arith.constant 0 : i32
      scf.yield %scan3A_50 : i32
    }
    %scan3A_17 = arith.constant 20 : i32
    %mul3A_18 = arith.constant 50000 : i32
    %mul3A_19 = arith.muli %add3A_2, %mul3A_18 : i32
    %multiple_of3A_20 = tpu.assume_multiple %mul3A_19, 8 : i32
    "tpu.region"() ({
      %run_scoped3A = tpu.sem_alloc : memref<!tpu.dma_semaphore, #tpu.memory_space<semaphore_mem>>
      %dma_start3A = tpu.memref_slice %arg4[%multiple_of3A_20] : memref<3200000xf32, #tpu.memory_space<hbm>> -> memref<50000xf32, #tpu.memory_space<hbm>>
      %dma_start3A_43 = tpu.memref_slice %arg4[%multiple_of3A_20] : memref<3200000xf32, #tpu.memory_space<hbm>> -> memref<50000xf32, #tpu.memory_space<hbm>>
      tpu.enqueue_dma source(%arg6 : memref<50000xf32, #tpu.memory_space<vmem>>) target(%dma_start3A_43 : memref<50000xf32, #tpu.memory_space<hbm>>) target_semaphore(%run_scoped3A : memref<!tpu.dma_semaphore, #tpu.memory_space<semaphore_mem>>)
      %dma_wait3A = tpu.memref_slice %arg4[%multiple_of3A_20] : memref<3200000xf32, #tpu.memory_space<hbm>> -> memref<50000xf32, #tpu.memory_space<hbm>>
      %dma_wait3A_44 = tpu.memref_slice %arg4[%multiple_of3A_20] : memref<3200000xf32, #tpu.memory_space<hbm>> -> memref<50000xf32, #tpu.memory_space<hbm>>
      tpu.wait_dma2 semaphore(%run_scoped3A : memref<!tpu.dma_semaphore, #tpu.memory_space<semaphore_mem>>) src(%arg6 : memref<50000xf32, #tpu.memory_space<vmem>>) dst(%dma_wait3A_44 : memref<50000xf32, #tpu.memory_space<hbm>>)
      tpu.yield
    }) : () -> ()
    %add3A_21 = arith.constant 32 : i32
    %add3A_22 = arith.addi %add3A_21, %add3A : i32
    %mul3A_23 = arith.constant 20000 : i32
    %mul3A_24 = arith.muli %add3A_22, %mul3A_23 : i32
    %multiple_of3A_25 = tpu.assume_multiple %mul3A_24, 8 : i32
    "tpu.region"() ({
      %run_scoped3A = tpu.sem_alloc : memref<!tpu.dma_semaphore, #tpu.memory_space<semaphore_mem>>
      %dma_start3A = tpu.memref_slice %arg2[%multiple_of3A_25] : memref<1280000xf32, #tpu.memory_space<hbm>> -> memref<20000xf32, #tpu.memory_space<hbm>>
      %dma_start3A_43 = tpu.memref_slice %arg2[%multiple_of3A_25] : memref<1280000xf32, #tpu.memory_space<hbm>> -> memref<20000xf32, #tpu.memory_space<hbm>>
      tpu.enqueue_dma source(%dma_start3A_43 : memref<20000xf32, #tpu.memory_space<hbm>>) target(%arg5 : memref<20000xf32, #tpu.memory_space<vmem>>) target_semaphore(%run_scoped3A : memref<!tpu.dma_semaphore, #tpu.memory_space<semaphore_mem>>)
      %dma_wait3A = tpu.memref_slice %arg2[%multiple_of3A_25] : memref<1280000xf32, #tpu.memory_space<hbm>> -> memref<20000xf32, #tpu.memory_space<hbm>>
      %dma_wait3A_44 = tpu.memref_slice %arg2[%multiple_of3A_25] : memref<1280000xf32, #tpu.memory_space<hbm>> -> memref<20000xf32, #tpu.memory_space<hbm>>
      tpu.wait_dma2 semaphore(%run_scoped3A : memref<!tpu.dma_semaphore, #tpu.memory_space<semaphore_mem>>) src(%dma_wait3A_44 : memref<20000xf32, #tpu.memory_space<hbm>>) dst(%arg5 : memref<20000xf32, #tpu.memory_space<vmem>>)
      tpu.yield
    }) : () -> ()
    %scan3A_26 = arith.constant 0 : i32
    %scan3A_27 = arith.constant 0 : i32
    %scan3A_28 = arith.constant 3125 : i32
    %scan3A_29 = arith.addi %scan3A_27, %scan3A_28 : i32
    %scan3A_30 = arith.constant 1 : i32
    %scan3A_31 = scf.for %scan3A_43 = %scan3A_27 to %scan3A_29 step %scan3A_30 iter_args(%scan3A_44 = %scan3A_26) -> (i32)  : i32 {
      %broadcast_in_dim3A = arith.constant 0.000000e+00 : f32
      %broadcast_in_dim3A_45 = vector.broadcast %broadcast_in_dim3A : f32 to vector<16xf32>
      %mul3A_46 = arith.constant 16 : i32
      %mul3A_47 = arith.muli %scan3A_43, %mul3A_46 : i32
      %multiple_of3A_48 = tpu.assume_multiple %mul3A_47, 8 : i32
      %swap3A = arith.index_cast %multiple_of3A_48 : i32 to index
      %swap3A_49 = tpu.vector_load %arg6[%swap3A] {strides = array<i32>} : memref<50000xf32, #tpu.memory_space<vmem>>, vector<16xf32>,
      tpu.vector_store %arg6[%swap3A], %broadcast_in_dim3A_45 {strides = array<i32>} : memref<50000xf32, #tpu.memory_space<vmem>>, vector<16xf32>,
      %scan3A_50 = arith.constant 0 : i32
      scf.yield %scan3A_50 : i32
    }
    %scan3A_32 = arith.constant 3125 : i32
    %scan3A_33 = arith.constant 0 : i32
    %scan3A_34 = arith.constant 0 : i32
    %scan3A_35 = arith.constant 20 : i32
    %scan3A_36 = arith.addi %scan3A_34, %scan3A_35 : i32
    %scan3A_37 = arith.constant 1 : i32
    %scan3A_38 = scf.for %scan3A_43 = %scan3A_34 to %scan3A_36 step %scan3A_37 iter_args(%scan3A_44 = %scan3A_33) -> (i32)  : i32 {
      %mul3A_45 = arith.constant 40000 : i32
      %mul3A_46 = arith.muli %scan3A_43, %mul3A_45 : i32
      %multiple_of3A_47 = tpu.assume_multiple %mul3A_46, 8 : i32
      "tpu.region"() ({
        %run_scoped3A = tpu.sem_alloc : memref<!tpu.dma_semaphore, #tpu.memory_space<semaphore_mem>>
        %dma_start3A = tpu.memref_slice %arg3[%multiple_of3A_47] : memref<800000xi32, #tpu.memory_space<hbm>> -> memref<40000xi32, #tpu.memory_space<hbm>>
        %dma_start3A_51 = tpu.memref_slice %arg3[%multiple_of3A_47] : memref<800000xi32, #tpu.memory_space<hbm>> -> memref<40000xi32, #tpu.memory_space<hbm>>
        tpu.enqueue_dma source(%dma_start3A_51 : memref<40000xi32, #tpu.memory_space<hbm>>) target(%arg7 : memref<40000xi32, #tpu.memory_space<vmem>>) target_semaphore(%run_scoped3A : memref<!tpu.dma_semaphore, #tpu.memory_space<semaphore_mem>>)
        %dma_wait3A = tpu.memref_slice %arg3[%multiple_of3A_47] : memref<800000xi32, #tpu.memory_space<hbm>> -> memref<40000xi32, #tpu.memory_space<hbm>>
        %dma_wait3A_52 = tpu.memref_slice %arg3[%multiple_of3A_47] : memref<800000xi32, #tpu.memory_space<hbm>> -> memref<40000xi32, #tpu.memory_space<hbm>>
        tpu.wait_dma2 semaphore(%run_scoped3A : memref<!tpu.dma_semaphore, #tpu.memory_space<semaphore_mem>>) src(%dma_wait3A_52 : memref<40000xi32, #tpu.memory_space<hbm>>) dst(%arg7 : memref<40000xi32, #tpu.memory_space<vmem>>)
        tpu.yield
      }) : () -> ()
      %parallel_loop3A = arith.constant 0 : i32
      %parallel_loop3A_48 = arith.constant 2500 : i32
      %parallel_loop3A_49 = arith.constant 1 : i32
      scf.for %parallel_loop3A_51 = %parallel_loop3A to %parallel_loop3A_48 step %parallel_loop3A_49  : i32 {
        %parallel_loop3A_52 = arith.constant 16 : i32
        %parallel_loop3A_53 = arith.muli %parallel_loop3A_51, %parallel_loop3A_52 : i32
        %parallel_loop3A_54 = tpu.assume_multiple %parallel_loop3A_53, 8 : i32
        %parallel_loop3A_55 = arith.index_cast %parallel_loop3A_54 : i32 to index
        %parallel_loop3A_56 = tpu.vector_load %arg7[%parallel_loop3A_55] {strides = array<i32>} : memref<40000xi32, #tpu.memory_space<vmem>>, vector<16xi32>,
        %parallel_loop3A_57 = arith.constant 15 : i32
        %parallel_loop3A_58 = vector.broadcast %parallel_loop3A_57 : i32 to vector<16xi32>
        %parallel_loop3A_59 = arith.shrui %parallel_loop3A_56, %parallel_loop3A_58 : vector<16xi32>
        %parallel_loop3A_60 = arith.constant 32767 : i32
        %parallel_loop3A_61 = vector.broadcast %parallel_loop3A_60 : i32 to vector<16xi32>
        %parallel_loop3A_62 = arith.andi %parallel_loop3A_56, %parallel_loop3A_61 : vector<16xi32>
        %parallel_loop3A_63 = tpu.vector_load_idx %arg5[%parallel_loop3A_62] : memref<20000xf32, #tpu.memory_space<vmem>>[vector<16xi32>], vector<16xf32>,
        tpu.vector_store_idx %arg6[%parallel_loop3A_59], %parallel_loop3A_63 {add = true} : memref<50000xf32, #tpu.memory_space<vmem>>[vector<16xi32>], vector<16xf32>,
      } {sc.loop_unroll_factor = 20 : i64, sc.parallel_access}
      %scan3A_50 = arith.constant 0 : i32
      scf.yield %scan3A_50 : i32
    }
    %scan3A_39 = arith.constant 20 : i32
    %mul3A_40 = arith.constant 50000 : i32
    %mul3A_41 = arith.muli %add3A_22, %mul3A_40 : i32
    %multiple_of3A_42 = tpu.assume_multiple %mul3A_41, 8 : i32
    "tpu.region"() ({
      %run_scoped3A = tpu.sem_alloc : memref<!tpu.dma_semaphore, #tpu.memory_space<semaphore_mem>>
      %dma_start3A = tpu.memref_slice %arg4[%multiple_of3A_42] : memref<3200000xf32, #tpu.memory_space<hbm>> -> memref<50000xf32, #tpu.memory_space<hbm>>
      %dma_start3A_43 = tpu.memref_slice %arg4[%multiple_of3A_42] : memref<3200000xf32, #tpu.memory_space<hbm>> -> memref<50000xf32, #tpu.memory_space<hbm>>
      tpu.enqueue_dma source(%arg6 : memref<50000xf32, #tpu.memory_space<vmem>>) target(%dma_start3A_43 : memref<50000xf32, #tpu.memory_space<hbm>>) target_semaphore(%run_scoped3A : memref<!tpu.dma_semaphore, #tpu.memory_space<semaphore_mem>>)
      %dma_wait3A = tpu.memref_slice %arg4[%multiple_of3A_42] : memref<3200000xf32, #tpu.memory_space<hbm>> -> memref<50000xf32, #tpu.memory_space<hbm>>
      %dma_wait3A_44 = tpu.memref_slice %arg4[%multiple_of3A_42] : memref<3200000xf32, #tpu.memory_space<hbm>> -> memref<50000xf32, #tpu.memory_space<hbm>>
      tpu.wait_dma2 semaphore(%run_scoped3A : memref<!tpu.dma_semaphore, #tpu.memory_space<semaphore_mem>>) src(%arg6 : memref<50000xf32, #tpu.memory_space<vmem>>) dst(%dma_wait3A_44 : memref<50000xf32, #tpu.memory_space<hbm>>)
      tpu.yield
    }) : () -> ()
    return
  }
}

module attributes {stable_mosaic.version = 14 : i64} {
  func.func @_tc0_body(%arg0: i32, %arg1: memref<1024x32xf32, #tpu.memory_space<vmem>>, %arg2: memref<32x64xf32, #tpu.memory_space<vmem>>, %arg3: memref<1x64xf32, #tpu.memory_space<vmem>>, %arg4: memref<64x64xf32, #tpu.memory_space<vmem>>, %arg5: memref<64x1xf32, #tpu.memory_space<vmem>>, %arg6: memref<64x1024xf32, #tpu.memory_space<vmem>>) attributes {dimension_semantics = [#tpu.dimension_semantics<arbitrary>], iteration_bounds = array<i64: 49>, scalar_prefetch = 0 : i64, scratch_operands = 0 : i64, tpu.core_type = #tpu.core_type<tc>, window_params = [{transform_indices = @transform_0, window_bounds = array<i64: 1024, 32>}, {pipeline_mode = #tpu.pipeline_mode<synchronous>, transform_indices = @transform_1, window_bounds = array<i64: 32, 64>}, {pipeline_mode = #tpu.pipeline_mode<synchronous>, transform_indices = @transform_2, window_bounds = array<i64: 1, 64>}, {pipeline_mode = #tpu.pipeline_mode<synchronous>, transform_indices = @transform_3, window_bounds = array<i64: 64, 64>}, {pipeline_mode = #tpu.pipeline_mode<synchronous>, transform_indices = @transform_4, window_bounds = array<i64: 64, 1>}, {transform_indices = @transform_5, window_bounds = array<i64: 64, 1024>}]} {
    %get3A = arith.constant 0 : index
    %get3A_0 = arith.constant 0 : index
    %get3A_1 = vector.load %arg1[%get3A, %get3A_0] : memref<1024x32xf32, #tpu.memory_space<vmem>>, vector<1024x32xf32>
    %get3A_2 = arith.constant 0 : index
    %get3A_3 = arith.constant 0 : index
    %get3A_4 = vector.load %arg2[%get3A_2, %get3A_3] : memref<32x64xf32, #tpu.memory_space<vmem>>, vector<32x64xf32>
    %dot_general3A = arith.constant dense<0.000000e+00> : vector<1024x64xf32>
    %dot_general3A_5 = tpu.matmul %get3A_1, %get3A_4, %dot_general3A {dimension_numbers = #tpu.dot_dimension_numbers<[1], [0], [0], [1], [0, 0, 1, 1], [], []>, transpose_lhs_hint = false} : vector<1024x32xf32>, vector<32x64xf32>, vector<1024x64xf32> -> vector<1024x64xf32>
    %get3A_6 = arith.constant 0 : index
    %get3A_7 = arith.constant 0 : index
    %get3A_8 = vector.load %arg3[%get3A_6, %get3A_7] : memref<1x64xf32, #tpu.memory_space<vmem>>, vector<1x64xf32>
    %add3A = vector.broadcast %get3A_8 : vector<1x64xf32> to vector<1024x64xf32>
    %add3A_9 = arith.addf %dot_general3A_5, %add3A : vector<1024x64xf32>
    %get3A_10 = arith.constant 0 : index
    %get3A_11 = arith.constant 0 : index
    %get3A_12 = vector.load %arg4[%get3A_10, %get3A_11] : memref<64x64xf32, #tpu.memory_space<vmem>>, vector<64x64xf32>
    %dot_general3A_13 = arith.constant dense<0.000000e+00> : vector<64x1024xf32>
    %dot_general3A_14 = tpu.matmul %get3A_12, %add3A_9, %dot_general3A_13 {dimension_numbers = #tpu.dot_dimension_numbers<[0], [1], [1], [0], [0, 1, 1, 0], [], []>, transpose_lhs_hint = false} : vector<64x64xf32>, vector<1024x64xf32>, vector<64x1024xf32> -> vector<64x1024xf32>
    %get3A_15 = arith.constant 0 : index
    %get3A_16 = arith.constant 0 : index
    %get3A_17 = vector.load %arg5[%get3A_15, %get3A_16] : memref<64x1xf32, #tpu.memory_space<vmem>>, vector<64x1xf32>
    %add3A_18 = vector.broadcast %get3A_17 : vector<64x1xf32> to vector<64x1024xf32>
    %add3A_19 = arith.addf %dot_general3A_14, %add3A_18 : vector<64x1024xf32>
    %swap3A = arith.constant 0 : index
    %swap3A_20 = arith.constant 0 : index
    %swap3A_21 = vector.load %arg6[%swap3A, %swap3A_20] : memref<64x1024xf32, #tpu.memory_space<vmem>>, vector<64x1024xf32>
    tpu.vector_store %arg6[%swap3A, %swap3A_20], %add3A_19 {strides = array<i32>} : memref<64x1024xf32, #tpu.memory_space<vmem>>, vector<64x1024xf32>,
    return
  }
  func.func @transform_0(%arg0: i32) -> (i32, i32) {
    %c0_i32 = arith.constant 0 : i32
    %c0_i32_0 = arith.constant 0 : i32
    return %arg0, %c0_i32 : i32, i32
  }
  func.func @transform_1(%arg0: i32) -> (i32, i32) {
    %c0_i32 = arith.constant 0 : i32
    %c0_i32_0 = arith.constant 0 : i32
    %c0_i32_1 = arith.constant 0 : i32
    return %c0_i32, %c0_i32_0 : i32, i32
  }
  func.func @transform_2(%arg0: i32) -> (i32, i32) {
    %c0_i32 = arith.constant 0 : i32
    %c0_i32_0 = arith.constant 0 : i32
    %c0_i32_1 = arith.constant 0 : i32
    return %c0_i32, %c0_i32_0 : i32, i32
  }
  func.func @transform_3(%arg0: i32) -> (i32, i32) {
    %c0_i32 = arith.constant 0 : i32
    %c0_i32_0 = arith.constant 0 : i32
    %c0_i32_1 = arith.constant 0 : i32
    return %c0_i32, %c0_i32_0 : i32, i32
  }
  func.func @transform_4(%arg0: i32) -> (i32, i32) {
    %c0_i32 = arith.constant 0 : i32
    %c0_i32_0 = arith.constant 0 : i32
    %c0_i32_1 = arith.constant 0 : i32
    return %c0_i32, %c0_i32_0 : i32, i32
  }
  func.func @transform_5(%arg0: i32) -> (i32, i32) {
    %c0_i32 = arith.constant 0 : i32
    %c0_i32_0 = arith.constant 0 : i32
    return %c0_i32, %arg0 : i32, i32
  }
}

module attributes {stable_mosaic.version = 14 : i64} {
  func.func @_pack_body(%arg0: memref<6250x128xi32, #tpu.memory_space<vmem>>, %arg1: memref<6250x128xi32, #tpu.memory_space<vmem>>, %arg2: memref<6250x128xi32, #tpu.memory_space<vmem>>) attributes {dimension_semantics = [], scalar_prefetch = 0 : i64, scratch_operands = 0 : i64, tpu.core_type = #tpu.core_type<tc>} {
    %get3A = arith.constant 0 : index
    %get3A_0 = arith.constant 0 : index
    %get3A_1 = vector.load %arg0[%get3A, %get3A_0] : memref<6250x128xi32, #tpu.memory_space<vmem>>, vector<6250x128xi32>
    %shift_left3A = arith.constant 15 : i32
    %shift_left3A_2 = vector.broadcast %shift_left3A : i32 to vector<6250x128xi32>
    %shift_left3A_3 = arith.shli %get3A_1, %shift_left3A_2 : vector<6250x128xi32>
    %get3A_4 = arith.constant 0 : index
    %get3A_5 = arith.constant 0 : index
    %get3A_6 = vector.load %arg1[%get3A_4, %get3A_5] : memref<6250x128xi32, #tpu.memory_space<vmem>>, vector<6250x128xi32>
    %or3A = arith.ori %shift_left3A_3, %get3A_6 : vector<6250x128xi32>
    %swap3A = arith.constant 0 : index
    %swap3A_7 = arith.constant 0 : index
    %swap3A_8 = vector.load %arg2[%swap3A, %swap3A_7] : memref<6250x128xi32, #tpu.memory_space<vmem>>, vector<6250x128xi32>
    tpu.vector_store %arg2[%swap3A, %swap3A_7], %or3A {strides = array<i32>} : memref<6250x128xi32, #tpu.memory_space<vmem>>, vector<6250x128xi32>,
    return
  }
}

module attributes {stable_mosaic.version = 14 : i64} {
  func.func @_tcd_body(%arg0: i32, %arg1: memref<32x1024xf32, #tpu.memory_space<vmem>>, %arg2: memref<1x1024xf32, #tpu.memory_space<vmem>>) attributes {dimension_semantics = [#tpu.dimension_semantics<arbitrary>], iteration_bounds = array<i64: 49>, scalar_prefetch = 0 : i64, scratch_operands = 0 : i64, tpu.core_type = #tpu.core_type<tc>, window_params = [{transform_indices = @transform_0, window_bounds = array<i64: 32, 1024>}, {transform_indices = @transform_1, window_bounds = array<i64: 1, 1024>}]} {
    %get3A = arith.constant 0 : index
    %get3A_0 = arith.constant 0 : index
    %get3A_1 = vector.load %arg1[%get3A, %get3A_0] : memref<32x1024xf32, #tpu.memory_space<vmem>>, vector<32x1024xf32>
    %reduce_sum3A = arith.constant dense<0.000000e+00> : vector<1024xf32>
    %reduce_sum3A_2 = vector.multi_reduction <add>, %get3A_1, %reduce_sum3A [0] : vector<32x1024xf32> to vector<1024xf32>
    %broadcast_in_dim3A = vector.shape_cast %reduce_sum3A_2 : vector<1024xf32> to vector<1x1024xf32>
    %max3A = arith.constant 1.000000e+00 : f32
    %max3A_3 = vector.broadcast %max3A : f32 to vector<1x1024xf32>
    %max3A_4 = arith.maximumf %broadcast_in_dim3A, %max3A_3 : vector<1x1024xf32>
    %swap3A = arith.constant 0 : index
    %swap3A_5 = arith.constant 0 : index
    %swap3A_6 = vector.load %arg2[%swap3A, %swap3A_5] : memref<1x1024xf32, #tpu.memory_space<vmem>>, vector<1x1024xf32>
    tpu.vector_store %arg2[%swap3A, %swap3A_5], %max3A_4 {strides = array<i32>} : memref<1x1024xf32, #tpu.memory_space<vmem>>, vector<1x1024xf32>,
    return
  }
  func.func @transform_0(%arg0: i32) -> (i32, i32) {
    %c0_i32 = arith.constant 0 : i32
    %c0_i32_0 = arith.constant 0 : i32
    return %c0_i32, %arg0 : i32, i32
  }
  func.func @transform_1(%arg0: i32) -> (i32, i32) {
    %c0_i32 = arith.constant 0 : i32
    %c0_i32_0 = arith.constant 0 : i32
    return %c0_i32, %arg0 : i32, i32
  }
}

module attributes {stable_mosaic.version = 14 : i64} {
  func.func @_tc1_body(%arg0: i32, %arg1: memref<64x1024xf32, #tpu.memory_space<vmem>>, %arg2: memref<64x1024xf32, #tpu.memory_space<vmem>>, %arg3: memref<1x1024xf32, #tpu.memory_space<vmem>>, %arg4: memref<64x64xf32, #tpu.memory_space<vmem>>, %arg5: memref<64x1xf32, #tpu.memory_space<vmem>>, %arg6: memref<64x1024xf32, #tpu.memory_space<vmem>>) attributes {dimension_semantics = [#tpu.dimension_semantics<arbitrary>], iteration_bounds = array<i64: 49>, scalar_prefetch = 0 : i64, scratch_operands = 0 : i64, tpu.core_type = #tpu.core_type<tc>, window_params = [{transform_indices = @transform_0, window_bounds = array<i64: 64, 1024>}, {transform_indices = @transform_1, window_bounds = array<i64: 64, 1024>}, {transform_indices = @transform_2, window_bounds = array<i64: 1, 1024>}, {pipeline_mode = #tpu.pipeline_mode<synchronous>, transform_indices = @transform_3, window_bounds = array<i64: 64, 64>}, {pipeline_mode = #tpu.pipeline_mode<synchronous>, transform_indices = @transform_4, window_bounds = array<i64: 64, 1>}, {transform_indices = @transform_5, window_bounds = array<i64: 64, 1024>}]} {
    %get3A = arith.constant 0 : index
    %get3A_0 = arith.constant 0 : index
    %get3A_1 = vector.load %arg1[%get3A, %get3A_0] : memref<64x1024xf32, #tpu.memory_space<vmem>>, vector<64x1024xf32>
    %get3A_2 = arith.constant 0 : index
    %get3A_3 = arith.constant 0 : index
    %get3A_4 = vector.load %arg2[%get3A_2, %get3A_3] : memref<64x1024xf32, #tpu.memory_space<vmem>>, vector<64x1024xf32>
    %get3A_5 = arith.constant 0 : index
    %get3A_6 = arith.constant 0 : index
    %get3A_7 = vector.load %arg3[%get3A_5, %get3A_6] : memref<1x1024xf32, #tpu.memory_space<vmem>>, vector<1x1024xf32>
    %div3A = vector.broadcast %get3A_7 : vector<1x1024xf32> to vector<64x1024xf32>
    %div3A_8 = arith.divf %get3A_4, %div3A : vector<64x1024xf32>
    %add3A = arith.addf %get3A_1, %div3A_8 : vector<64x1024xf32>
    %get3A_9 = arith.constant 0 : index
    %get3A_10 = arith.constant 0 : index
    %get3A_11 = vector.load %arg4[%get3A_9, %get3A_10] : memref<64x64xf32, #tpu.memory_space<vmem>>, vector<64x64xf32>
    %dot_general3A = arith.constant dense<0.000000e+00> : vector<64x1024xf32>
    %dot_general3A_12 = tpu.matmul %get3A_11, %add3A, %dot_general3A {dimension_numbers = #tpu.dot_dimension_numbers<[0], [0], [1], [1], [0, 1, 1, 1], [], []>, transpose_lhs_hint = false} : vector<64x64xf32>, vector<64x1024xf32>, vector<64x1024xf32> -> vector<64x1024xf32>
    %get3A_13 = arith.constant 0 : index
    %get3A_14 = arith.constant 0 : index
    %get3A_15 = vector.load %arg5[%get3A_13, %get3A_14] : memref<64x1xf32, #tpu.memory_space<vmem>>, vector<64x1xf32>
    %add3A_16 = vector.broadcast %get3A_15 : vector<64x1xf32> to vector<64x1024xf32>
    %add3A_17 = arith.addf %dot_general3A_12, %add3A_16 : vector<64x1024xf32>
    %swap3A = arith.constant 0 : index
    %swap3A_18 = arith.constant 0 : index
    %swap3A_19 = vector.load %arg6[%swap3A, %swap3A_18] : memref<64x1024xf32, #tpu.memory_space<vmem>>, vector<64x1024xf32>
    tpu.vector_store %arg6[%swap3A, %swap3A_18], %add3A_17 {strides = array<i32>} : memref<64x1024xf32, #tpu.memory_space<vmem>>, vector<64x1024xf32>,
    return
  }
  func.func @transform_0(%arg0: i32) -> (i32, i32) {
    %c0_i32 = arith.constant 0 : i32
    %c0_i32_0 = arith.constant 0 : i32
    return %c0_i32, %arg0 : i32, i32
  }
  func.func @transform_1(%arg0: i32) -> (i32, i32) {
    %c0_i32 = arith.constant 0 : i32
    %c0_i32_0 = arith.constant 0 : i32
    return %c0_i32, %arg0 : i32, i32
  }
  func.func @transform_2(%arg0: i32) -> (i32, i32) {
    %c0_i32 = arith.constant 0 : i32
    %c0_i32_0 = arith.constant 0 : i32
    return %c0_i32, %arg0 : i32, i32
  }
  func.func @transform_3(%arg0: i32) -> (i32, i32) {
    %c0_i32 = arith.constant 0 : i32
    %c0_i32_0 = arith.constant 0 : i32
    %c0_i32_1 = arith.constant 0 : i32
    return %c0_i32, %c0_i32_0 : i32, i32
  }
  func.func @transform_4(%arg0: i32) -> (i32, i32) {
    %c0_i32 = arith.constant 0 : i32
    %c0_i32_0 = arith.constant 0 : i32
    %c0_i32_1 = arith.constant 0 : i32
    return %c0_i32, %c0_i32_0 : i32, i32
  }
  func.func @transform_5(%arg0: i32) -> (i32, i32) {
    %c0_i32 = arith.constant 0 : i32
    %c0_i32_0 = arith.constant 0 : i32
    return %c0_i32, %arg0 : i32, i32
  }
}

module attributes {stable_mosaic.version = 14 : i64} {
  func.func @_tcf_body(%arg0: i32, %arg1: memref<64x1024xf32, #tpu.memory_space<vmem>>, %arg2: memref<64x1024xf32, #tpu.memory_space<vmem>>, %arg3: memref<1x1024xf32, #tpu.memory_space<vmem>>, %arg4: memref<64x1024xf32, #tpu.memory_space<vmem>>, %arg5: memref<64x1xf32, #tpu.memory_space<vmem>>, %arg6: memref<64x1xf32, #tpu.memory_space<vmem>>, %arg7: memref<1x1024xf32, #tpu.memory_space<vmem>>, %arg8: memref<1x1024xf32, #tpu.memory_space<vmem>>) attributes {dimension_semantics = [#tpu.dimension_semantics<arbitrary>], iteration_bounds = array<i64: 49>, scalar_prefetch = 0 : i64, scratch_operands = 0 : i64, tpu.core_type = #tpu.core_type<tc>, window_params = [{transform_indices = @transform_0, window_bounds = array<i64: 64, 1024>}, {transform_indices = @transform_1, window_bounds = array<i64: 64, 1024>}, {transform_indices = @transform_2, window_bounds = array<i64: 1, 1024>}, {transform_indices = @transform_3, window_bounds = array<i64: 64, 1024>}, {pipeline_mode = #tpu.pipeline_mode<synchronous>, transform_indices = @transform_4, window_bounds = array<i64: 64, 1>}, {pipeline_mode = #tpu.pipeline_mode<synchronous>, transform_indices = @transform_5, window_bounds = array<i64: 64, 1>}, {pipeline_mode = #tpu.pipeline_mode<synchronous>, transform_indices = @transform_6, window_bounds = array<i64: 1, 1024>}, {pipeline_mode = #tpu.pipeline_mode<synchronous>, transform_indices = @transform_7, window_bounds = array<i64: 1, 1024>}]} {
    %iota3A = tpu.iota {dimensions = array<i32: 1>} : vector<1x1024xi32>
    %get3A = arith.constant 0 : index
    %get3A_0 = arith.constant 0 : index
    %get3A_1 = vector.load %arg1[%get3A, %get3A_0] : memref<64x1024xf32, #tpu.memory_space<vmem>>, vector<64x1024xf32>
    %get3A_2 = arith.constant 0 : index
    %get3A_3 = arith.constant 0 : index
    %get3A_4 = vector.load %arg2[%get3A_2, %get3A_3] : memref<64x1024xf32, #tpu.memory_space<vmem>>, vector<64x1024xf32>
    %get3A_5 = arith.constant 0 : index
    %get3A_6 = arith.constant 0 : index
    %get3A_7 = vector.load %arg3[%get3A_5, %get3A_6] : memref<1x1024xf32, #tpu.memory_space<vmem>>, vector<1x1024xf32>
    %div3A = vector.broadcast %get3A_7 : vector<1x1024xf32> to vector<64x1024xf32>
    %div3A_8 = arith.divf %get3A_4, %div3A : vector<64x1024xf32>
    %add3A = arith.addf %get3A_1, %div3A_8 : vector<64x1024xf32>
    %get3A_9 = arith.constant 0 : index
    %get3A_10 = arith.constant 0 : index
    %get3A_11 = vector.load %arg5[%get3A_9, %get3A_10] : memref<64x1xf32, #tpu.memory_space<vmem>>, vector<64x1xf32>
    %dot_general3A = arith.constant dense<0.000000e+00> : vector<1x1024xf32>
    %dot_general3A_12 = tpu.matmul %get3A_11, %add3A, %dot_general3A {dimension_numbers = #tpu.dot_dimension_numbers<[0], [0], [1], [1], [0, 1, 1, 1], [], []>, transpose_lhs_hint = false} : vector<64x1xf32>, vector<64x1024xf32>, vector<1x1024xf32> -> vector<1x1024xf32>
    %eq3A = arith.constant 48 : i32
    %eq3A_13 = arith.cmpi eq, %arg0, %eq3A : i32
    %jit3A = arith.constant 848 : i32
    %jit3A_14 = arith.constant 1024 : i32
    %select_n3A = arith.select %eq3A_13, %jit3A, %jit3A_14 : i32
    %lt3A = vector.broadcast %select_n3A : i32 to vector<1x1024xi32>
    %lt3A_15 = arith.cmpi slt, %iota3A, %lt3A : vector<1x1024xi32>
    %jit3A_16 = arith.constant 0.000000e+00 : f32
    %broadcast_in_dim3A = vector.broadcast %jit3A_16 : f32 to vector<1x1024xf32>
    %select_n3A_17 = arith.select %lt3A_15, %dot_general3A_12, %broadcast_in_dim3A : vector<1x1024xi1>, vector<1x1024xf32>
    %eq3A_18 = arith.constant 0 : i32
    %eq3A_19 = arith.cmpi eq, %arg0, %eq3A_18 : i32
    %convert_element_type3A = arith.extui %eq3A_19 : i1 to i32
    %cond3A = arith.constant 0 : i32
    %cond3A_20 = arith.cmpi ne, %convert_element_type3A, %cond3A : i32
    scf.if %cond3A_20 {
      %swap3A = arith.constant 0 : index
      %swap3A_55 = arith.constant 0 : index
      %swap3A_56 = vector.load %arg7[%swap3A, %swap3A_55] : memref<1x1024xf32, #tpu.memory_space<vmem>>, vector<1x1024xf32>
      tpu.vector_store %arg7[%swap3A, %swap3A_55], %select_n3A_17 {strides = array<i32>} : memref<1x1024xf32, #tpu.memory_space<vmem>>, vector<1x1024xf32>,
    } else {
    }
    %ne3A = arith.constant 0 : i32
    %ne3A_21 = arith.cmpi ne, %arg0, %ne3A : i32
    %convert_element_type3A_22 = arith.extui %ne3A_21 : i1 to i32
    %cond3A_23 = arith.constant 0 : i32
    %cond3A_24 = arith.cmpi ne, %convert_element_type3A_22, %cond3A_23 : i32
    scf.if %cond3A_24 {
      %get3A_55 = arith.constant 0 : index
      %get3A_56 = arith.constant 0 : index
      %get3A_57 = vector.load %arg7[%get3A_55, %get3A_56] : memref<1x1024xf32, #tpu.memory_space<vmem>>, vector<1x1024xf32>
      %add3A_58 = arith.addf %get3A_57, %select_n3A_17 : vector<1x1024xf32>
      %swap3A = arith.constant 0 : index
      %swap3A_59 = arith.constant 0 : index
      %swap3A_60 = vector.load %arg7[%swap3A, %swap3A_59] : memref<1x1024xf32, #tpu.memory_space<vmem>>, vector<1x1024xf32>
      tpu.vector_store %arg7[%swap3A, %swap3A_59], %add3A_58 {strides = array<i32>} : memref<1x1024xf32, #tpu.memory_space<vmem>>, vector<1x1024xf32>,
    } else {
    }
    %get3A_25 = arith.constant 0 : index
    %get3A_26 = arith.constant 0 : index
    %get3A_27 = vector.load %arg6[%get3A_25, %get3A_26] : memref<64x1xf32, #tpu.memory_space<vmem>>, vector<64x1xf32>
    %get3A_28 = arith.constant 0 : index
    %get3A_29 = arith.constant 0 : index
    %get3A_30 = vector.load %arg4[%get3A_28, %get3A_29] : memref<64x1024xf32, #tpu.memory_space<vmem>>, vector<64x1024xf32>
    %dot_general3A_31 = arith.constant dense<0.000000e+00> : vector<1x1024xf32>
    %dot_general3A_32 = tpu.matmul %get3A_27, %get3A_30, %dot_general3A_31 {dimension_numbers = #tpu.dot_dimension_numbers<[0], [0], [1], [1], [0, 1, 1, 1], [], []>, transpose_lhs_hint = false} : vector<64x1xf32>, vector<64x1024xf32>, vector<1x1024xf32> -> vector<1x1024xf32>
    %eq3A_33 = arith.constant 19 : i32
    %eq3A_34 = arith.cmpi eq, %arg0, %eq3A_33 : i32
    %jit3A_35 = arith.constant 544 : i32
    %jit3A_36 = arith.constant 1024 : i32
    %select_n3A_37 = arith.select %eq3A_34, %jit3A_35, %jit3A_36 : i32
    %lt3A_38 = vector.broadcast %select_n3A_37 : i32 to vector<1x1024xi32>
    %lt3A_39 = arith.cmpi slt, %iota3A, %lt3A_38 : vector<1x1024xi32>
    %jit3A_40 = arith.constant 0.000000e+00 : f32
    %broadcast_in_dim3A_41 = vector.broadcast %jit3A_40 : f32 to vector<1x1024xf32>
    %select_n3A_42 = arith.select %lt3A_39, %dot_general3A_32, %broadcast_in_dim3A_41 : vector<1x1024xi1>, vector<1x1024xf32>
    %eq3A_43 = arith.constant 0 : i32
    %eq3A_44 = arith.cmpi eq, %arg0, %eq3A_43 : i32
    %convert_element_type3A_45 = arith.extui %eq3A_44 : i1 to i32
    %cond3A_46 = arith.constant 0 : i32
    %cond3A_47 = arith.cmpi ne, %convert_element_type3A_45, %cond3A_46 : i32
    scf.if %cond3A_47 {
      %swap3A = arith.constant 0 : index
      %swap3A_55 = arith.constant 0 : index
      %swap3A_56 = vector.load %arg8[%swap3A, %swap3A_55] : memref<1x1024xf32, #tpu.memory_space<vmem>>, vector<1x1024xf32>
      tpu.vector_store %arg8[%swap3A, %swap3A_55], %select_n3A_42 {strides = array<i32>} : memref<1x1024xf32, #tpu.memory_space<vmem>>, vector<1x1024xf32>,
    } else {
    }
    %ne3A_48 = arith.constant 0 : i32
    %ne3A_49 = arith.cmpi ne, %arg0, %ne3A_48 : i32
    %lt3A_50 = arith.constant 20 : i32
    %lt3A_51 = arith.cmpi slt, %arg0, %lt3A_50 : i32
    %and3A = arith.andi %ne3A_49, %lt3A_51 : i1
    %convert_element_type3A_52 = arith.extui %and3A : i1 to i32
    %cond3A_53 = arith.constant 0 : i32
    %cond3A_54 = arith.cmpi ne, %convert_element_type3A_52, %cond3A_53 : i32
    scf.if %cond3A_54 {
      %get3A_55 = arith.constant 0 : index
      %get3A_56 = arith.constant 0 : index
      %get3A_57 = vector.load %arg8[%get3A_55, %get3A_56] : memref<1x1024xf32, #tpu.memory_space<vmem>>, vector<1x1024xf32>
      %add3A_58 = arith.addf %get3A_57, %select_n3A_42 : vector<1x1024xf32>
      %swap3A = arith.constant 0 : index
      %swap3A_59 = arith.constant 0 : index
      %swap3A_60 = vector.load %arg8[%swap3A, %swap3A_59] : memref<1x1024xf32, #tpu.memory_space<vmem>>, vector<1x1024xf32>
      tpu.vector_store %arg8[%swap3A, %swap3A_59], %add3A_58 {strides = array<i32>} : memref<1x1024xf32, #tpu.memory_space<vmem>>, vector<1x1024xf32>,
    } else {
    }
    return
  }
  func.func @transform_0(%arg0: i32) -> (i32, i32) {
    %c0_i32 = arith.constant 0 : i32
    %c0_i32_0 = arith.constant 0 : i32
    return %c0_i32, %arg0 : i32, i32
  }
  func.func @transform_1(%arg0: i32) -> (i32, i32) {
    %c0_i32 = arith.constant 0 : i32
    %c0_i32_0 = arith.constant 0 : i32
    return %c0_i32, %arg0 : i32, i32
  }
  func.func @transform_2(%arg0: i32) -> (i32, i32) {
    %c0_i32 = arith.constant 0 : i32
    %c0_i32_0 = arith.constant 0 : i32
    return %c0_i32, %arg0 : i32, i32
  }
  func.func @transform_3(%arg0: i32) -> (i32, i32) {
    %min3A = arith.constant 19 : i32
    %min3A_0 = arith.minsi %arg0, %min3A : i32
    %c0_i32 = arith.constant 0 : i32
    %c0_i32_1 = arith.constant 0 : i32
    return %c0_i32, %min3A_0 : i32, i32
  }
  func.func @transform_4(%arg0: i32) -> (i32, i32) {
    %c0_i32 = arith.constant 0 : i32
    %c0_i32_0 = arith.constant 0 : i32
    %c0_i32_1 = arith.constant 0 : i32
    return %c0_i32, %c0_i32_0 : i32, i32
  }
  func.func @transform_5(%arg0: i32) -> (i32, i32) {
    %c0_i32 = arith.constant 0 : i32
    %c0_i32_0 = arith.constant 0 : i32
    %c0_i32_1 = arith.constant 0 : i32
    return %c0_i32, %c0_i32_0 : i32, i32
  }
  func.func @transform_6(%arg0: i32) -> (i32, i32) {
    %c0_i32 = arith.constant 0 : i32
    %c0_i32_0 = arith.constant 0 : i32
    %c0_i32_1 = arith.constant 0 : i32
    return %c0_i32, %c0_i32_0 : i32, i32
  }
  func.func @transform_7(%arg0: i32) -> (i32, i32) {
    %c0_i32 = arith.constant 0 : i32
    %c0_i32_0 = arith.constant 0 : i32
    %c0_i32_1 = arith.constant 0 : i32
    return %c0_i32, %c0_i32_0 : i32, i32
  }
}

module attributes {stable_mosaic.version = 14 : i64} {
  func.func @_tcs_body(%arg0: memref<1x1024xf32, #tpu.memory_space<vmem>>, %arg1: memref<1x1024xf32, #tpu.memory_space<vmem>>, %arg2: memref<1x1xf32, #tpu.memory_space<vmem>>, %arg3: memref<1x1xf32, #tpu.memory_space<vmem>>, %arg4: memref<1x128xf32, #tpu.memory_space<vmem>>) attributes {dimension_semantics = [], scalar_prefetch = 0 : i64, scratch_operands = 0 : i64, tpu.core_type = #tpu.core_type<tc>} {
    %get3A = arith.constant 0 : index
    %get3A_0 = arith.constant 0 : index
    %get3A_1 = vector.load %arg0[%get3A, %get3A_0] : memref<1x1024xf32, #tpu.memory_space<vmem>>, vector<1x1024xf32>
    %reduce_sum3A = vector.shape_cast %get3A_1 : vector<1x1024xf32> to vector<1x1x1024xf32>
    %reduce_sum3A_2 = arith.constant dense<0.000000e+00> : vector<1xf32>
    %reduce_sum3A_3 = vector.multi_reduction <add>, %reduce_sum3A, %reduce_sum3A_2 [1, 2] : vector<1x1x1024xf32> to vector<1xf32>
    %reduce_sum3A_4 = vector.shape_cast %reduce_sum3A_3 : vector<1xf32> to vector<1x1x1xf32>
    %reduce_sum3A_5 = vector.extract %reduce_sum3A_4[0, 0, 0] : f32 from vector<1x1x1xf32>
    %div3A = arith.constant 5.000000e+04 : f32
    %div3A_6 = arith.divf %reduce_sum3A_5, %div3A : f32
    %get3A_7 = arith.constant 0 : index
    %get3A_8 = arith.constant 0 : index
    %get3A_9 = vector.load %arg2[%get3A_7, %get3A_8] : memref<1x1xf32, #tpu.memory_space<vmem>>, vector<1x1xf32>
    %get3A_10 = vector.extract %get3A_9[0, 0] : f32 from vector<1x1xf32>
    %add3A = arith.addf %div3A_6, %get3A_10 : f32
    %get3A_11 = arith.constant 0 : index
    %get3A_12 = arith.constant 0 : index
    %get3A_13 = vector.load %arg1[%get3A_11, %get3A_12] : memref<1x1024xf32, #tpu.memory_space<vmem>>, vector<1x1024xf32>
    %reduce_sum3A_14 = vector.shape_cast %get3A_13 : vector<1x1024xf32> to vector<1x1x1024xf32>
    %reduce_sum3A_15 = arith.constant dense<0.000000e+00> : vector<1xf32>
    %reduce_sum3A_16 = vector.multi_reduction <add>, %reduce_sum3A_14, %reduce_sum3A_15 [1, 2] : vector<1x1x1024xf32> to vector<1xf32>
    %reduce_sum3A_17 = vector.shape_cast %reduce_sum3A_16 : vector<1xf32> to vector<1x1x1xf32>
    %reduce_sum3A_18 = vector.extract %reduce_sum3A_17[0, 0, 0] : f32 from vector<1x1x1xf32>
    %div3A_19 = arith.constant 2.000000e+04 : f32
    %div3A_20 = arith.divf %reduce_sum3A_18, %div3A_19 : f32
    %get3A_21 = arith.constant 0 : index
    %get3A_22 = arith.constant 0 : index
    %get3A_23 = vector.load %arg3[%get3A_21, %get3A_22] : memref<1x1xf32, #tpu.memory_space<vmem>>, vector<1x1xf32>
    %get3A_24 = vector.extract %get3A_23[0, 0] : f32 from vector<1x1xf32>
    %add3A_25 = arith.addf %div3A_20, %get3A_24 : f32
    %add3A_26 = arith.addf %add3A, %add3A_25 : f32
    %broadcast_in_dim3A = vector.broadcast %add3A_26 : f32 to vector<1x128xf32>
    %swap3A = arith.constant 0 : index
    %swap3A_27 = arith.constant 0 : index
    %swap3A_28 = vector.load %arg4[%swap3A, %swap3A_27] : memref<1x128xf32, #tpu.memory_space<vmem>>, vector<1x128xf32>
    tpu.vector_store %arg4[%swap3A, %swap3A_27], %broadcast_in_dim3A {strides = array<i32>} : memref<1x128xf32, #tpu.memory_space<vmem>>, vector<1x128xf32>,
    return
  }
}

</mosaic_0001>

<sc_bundles>
// kernel: kernel.13.cloned.1.call-start
scs
__scs_entry_jumppad:
0x0: {  	(pc) =	sbr.rel $0x88, $3  }
0x1: {  	(tag) =	ssettag $0x0;
	lr =	simm.s32 $0x1  }
0x2: {  	[smem:$0x3F96] =	sst lr;
	_ =	strace $0xD0000000  }
0x3: {  	_ = 	snop  }
0x4: {  	_ = 	snop  }
0x5: {  	_ = 	snop  }
0x6: {  	_ = 	snop  }
0x7: {  	_ = 	snop  }
__scs_overlays_trampoline_lowered:
0x8: {  	[smem:$0x3FA5] =	sst s0  }
0x9: {  	[smem:$0x3FA6] =	sst s1  }
0xa: {  	[smem:$0x3FA7] =	sst s2  }
0xb: {  	[smem:$0x3FA8] =	sst s3  }
0xc: {  	[smem:$0x3FA9] =	sst s4  }
0xd: {  	[smem:$0x3FAA] =	sst s5  }
0xe: {  	[smem:$0x3FAB] =	sst s6  }
0xf: {  	[smem:$0x3FAC] =	sst s7  }
0x10: {  	[smem:$0x3FAD] =	sst s8  }
0x11: {  	[smem:$0x3FAE] =	sst s9;
	s0 =	simm.s32 @!p0 $0x0  }
0x12: {  	s1 =	sld [smem:$0x3F94];
	s0 =	simm.s32 @p0 $0x1  }
0x13: {  	[smem:$0x3FAF] =	sst s0;
	s0 =	simm.s32 @!p1 $0x0  }
0x14: {  	s2 =	sld [smem:$0x3F93];
	s0 =	simm.s32 @p1 $0x1  }
0x15: {  	[smem:$0x3FB0] =	sst s0;
	s0 =	simm.s32 @!p2 $0x0  }
0x16: {  	s3 =	sld [smem:$0x3FDB];
	s0 =	simm.s32 @p2 $0x1  }
0x17: {  	s4 =	simm.s32 $0x1BF5;
	[smem:$0x3FB2] =	sst s0  }
0x18: {  	s0 =	sld [smem:$0x3F95];
	_ =	swait.ge [sflag:s4], $0x0  }
0x19: {  	s7 =	sld [smem:$0x3F96]  }
0x1a: {  	s8 =	sadd.s32 $0xFFFFE003, lr  }
0x1b: {  	s9 =	sadd.s32 $0xFFFFFEF7, lr;
	s5 =	simm.s32 $0xFFFFFFFF;
	p2 =	slt.u32 s8, $0xFFFFF086  }
0x1c: {  	p1 =	slt.u32 s9, $0xF7A;
	s5 =	simm.s32 @!p2 $0x0  }
0x1d: {  	s5 =	simm.s32 @p1 $0x1;
	p0 =	seq.s32 s7, s2  }
0x1e: {  	s7 =	smul.u32 @!p0 $0xF7A, s2;
	p2 =	seq.s32 @!p0 s5, $0x0  }
0x1f: {  	s9 =	smul.u32 $0xF7A, s1;
	s8 =	simm.s32 @!p0 $0x1BF5;
	p2 =	por !p2, p0  }
0x20: {  	[sflag:s8] =	ssyncset.s32 @!p0 $0xFFFFF086;
	s6 =	sadd.s32 @!p0 s3, s7;
	s7 =	simm.s32 @!p0 $0x108  }
0x21: {  	s3 =	sadd.s32 s3, s9;
	s6 =	sadd.s32 @!p0 $0x88, s6;
	s7 =	simm.s32 @p2 $0x1082  }
0x22: {  	[simem:s7], [sflag:s8] =	dma.local @!p0 [hbm:s6], $0xF7A  }
0x23: {  	s9 =	sor.u32 $0xD0000000, s2;
	s6 =	simm.s32 $0x108;
	_ =	swait.ge @!p0 [sflag:s8], $0x0  }
0x24: {  	s3 =	sadd.s32 $0x88, s3;
	s6 =	simm.s32 @!p1 $0x1082;
	[sflag:s4] =	ssyncset.s32 $0xFFFFF086  }
0x25: {  	[simem:s6], [sflag:s4] =	dma.local [hbm:s3], $0xF7A  }
0x26: {  	[smem:$0x3F96] =	sst s1;
	(tag) =	ssettag s2;
	_ =	strace s9  }
0x27: {  	s1 =	sld [smem:$0x3FA6]  }
0x28: {  	s2 =	sld [smem:$0x3FA7]  }
0x29: {  	s4 =	sld [smem:$0x3FA9]  }
0x2a: {  	p0 =	seq.s32 s5, $0x0;
	s5 =	sld [smem:$0x3FAA]  }
0x2b: {  	s6 =	sld [smem:$0x3FAB]  }
0x2c: {  	s7 =	sld [smem:$0x3FAC]  }
0x2d: {  	s3 =	simm.s32 $0x108;
	s8 =	sld [smem:$0x3FAD]  }
0x2e: {  	s3 =	simm.s32 @!p0 $0x1082;
	s9 =	sld [smem:$0x3FAE]  }
0x2f: {  	lr =	sadd.s32 s0, s3;
	s0 =	sld [smem:$0x3FA5]  }
0x30: {  	s3 =	sld [smem:$0x3FA8]  }
0x31: {  	[smem:$0x3FB1] =	sst s10  }
0x32: {  	s10 =	sld [smem:$0x3FAF];
	_ =	sdelay $0x3  }
0x33: {  	p0 =	seq.s32 s10, $0x1;
	s10 =	sld [smem:$0x3FB1];
	_ =	sdelay $0x3  }
0x34: {  	[smem:$0x3FB1] =	sst s10  }
0x35: {  	s10 =	sld [smem:$0x3FB0];
	_ =	sdelay $0x3  }
0x36: {  	p1 =	seq.s32 s10, $0x1;
	s10 =	sld [smem:$0x3FB1];
	_ =	sdelay $0x3  }
0x37: {  	[smem:$0x3FB1] =	sst s10  }
0x38: {  	s10 =	sld [smem:$0x3FB2]  }
0x39: {  	_ = 	snop;
	(pc) =	sbr.ind lr, $3  }
0x3a: {  	_ = 	snop  }
0x3b: {  	_ = 	snop  }
0x3c: {  	p2 =	seq.s32 s10, $0x1;
	s10 =	sld [smem:$0x3FB1]  }
0x3d: {  	_ =	shalt  }
0x3e: {  	_ =	shalt  }
0x3f: {  	_ =	shalt  }
0x40: {  	_ =	shalt  }
0x41: {  	_ =	shalt  }
0x42: {  	_ =	shalt  }
0x43: {  	_ =	shalt  }
0x44: {  	_ =	shalt  }
0x45: {  	_ =	shalt  }
0x46: {  	_ =	shalt  }
0x47: {  	_ =	shalt  }
0x48: {  	_ =	shalt  }
0x49: {  	_ =	shalt  }
0x4a: {  	_ =	shalt  }
0x4b: {  	_ =	shalt  }
0x4c: {  	_ =	shalt  }
0x4d: {  	_ =	shalt  }
0x4e: {  	_ =	shalt  }
0x4f: {  	_ =	shalt  }
0x50: {  	_ =	shalt  }
0x51: {  	_ =	shalt  }
0x52: {  	_ =	shalt  }
0x53: {  	_ =	shalt  }
0x54: {  	_ =	shalt  }
0x55: {  	_ =	shalt  }
0x56: {  	_ =	shalt  }
0x57: {  	_ =	shalt  }
0x58: {  	_ =	shalt  }
0x59: {  	_ =	shalt  }
0x5a: {  	_ =	shalt  }
0x5b: {  	_ =	shalt  }
0x5c: {  	_ =	shalt  }
0x5d: {  	_ =	shalt  }
0x5e: {  	_ =	shalt  }
0x5f: {  	_ =	shalt  }
0x60: {  	_ =	shalt  }
0x61: {  	_ =	shalt  }
0x62: {  	_ =	shalt  }
0x63: {  	_ =	shalt  }
0x64: {  	_ =	shalt  }
0x65: {  	_ =	shalt  }
0x66: {  	_ =	shalt  }
0x67: {  	_ =	shalt  }
0x68: {  	_ =	shalt  }
0x69: {  	_ =	shalt  }
0x6a: {  	_ =	shalt  }
0x6b: {  	_ =	shalt  }
0x6c: {  	_ =	shalt  }
0x6d: {  	_ =	shalt  }
0x6e: {  	_ =	shalt  }
0x6f: {  	_ =	shalt  }
0x70: {  	_ =	shalt  }
0x71: {  	_ =	shalt  }
0x72: {  	_ =	shalt  }
0x73: {  	_ =	shalt  }
0x74: {  	_ =	shalt  }
0x75: {  	_ =	shalt  }
0x76: {  	_ =	shalt  }
0x77: {  	_ =	shalt  }
0x78: {  	_ =	shalt  }
0x79: {  	_ =	shalt  }
0x7a: {  	_ =	shalt  }
0x7b: {  	_ =	shalt  }
0x7c: {  	_ =	shalt  }
0x7d: {  	_ =	shalt  }
0x7e: {  	_ =	shalt  }
0x7f: {  	_ =	shalt  }
0x80: {  	_ =	shalt  }
0x81: {  	_ =	shalt  }
0x82: {  	_ =	shalt  }
0x83: {  	_ =	shalt  }
0x84: {  	_ =	shalt  }
0x85: {  	_ =	shalt  }
0x86: {  	_ =	shalt  }
0x87: {  	_ =	shalt  }
.Lfunc_end0:
.L_simem_size_0:
called_computation_lowered:
.L_overlay_start_0:
0x88: {  	s2 =	sld [smem:$0x3FD9]  }
0x89: {  	s3 =	sld [smem:$0x3FFE];
	_ =	sdelay $0x1  }
0x8a: {  	s1 =	srdreg.scid  }
0x8b: {  	s0 =	sand.u32 $0x1, s1  }
0x8c: {  	s17 =	sshll.u32 s0, $0xA;
	s2 =	sadd.s32 s3, s2  }
0x8d: {  	s2 =	sadd.s32 s2, s17  }
0x8e: {  	[smem:$0x3FBD] =	sst s2  }
0x8f: {  	_ = 	snop  }
0x90: {  	(tm) =	ssettm $0x1  }
0x91: {  	s18 =	sld [smem:$0x3FFB];
	_ =	sdelay $0x3  }
0x92: {  	_ =	strace s18  }
0x93: {  	s2 =	sld [smem:$0x3FFC];
	_ =	sdelay $0x3  }
0x94: {  	_ =	strace s2  }
0x95: {  	s2 =	sld [smem:$0x3FFD];
	_ =	sdelay $0x3  }
0x96: {  	_ =	strace s2  }
0x97: {  	_ =	strace $0x8FFFFFFF  }
0x98: {  	s19 =	sld [smem:$0x3FDB];
	_ =	sdelay $0x1  }
0x99: {  	s20 =	simm.s32 $_scs_section_size  }
0x9a: {  	s4 =	simm.s32 $_size__tile_overlayer_lowered;
	s5 =	simm.s32 $_tile_overlayer_lowered  }
0x9b: {  	s6 =	simm.s32 $0x1BFF;
	s21 =	sshll.u32 s5, $0x1;
	s3 =	sadd.s32 s20, s19  }
0x9c: {  	s22 =	simm.s32 $0x0;
	s4 =	sshll.u32 s4, $0x1;
	s5 =	sadd.s32 s21, s3  }
0x9d: {  	[timem:s22], [sflag:s6] =	dma.local [hbm:s5], s4  }
0x9e: {  	_ =	swait.ge [sflag:s6], s4  }
0x9f: {  	s4 =	ssub.s32 $0x0, s4;
	[sflag:s6] =	ssyncset.done $0x0  }
0xa0: {  	[sflag:s6] =	ssyncadd.s32 s4;
	_ =	sdelay $0x1  }
0xa1: {  	s23 =	simm.s32 $0x1B8B  }
0xa2: {  	_ =	swait.ge [sflag:s23], $0x1  }
0xa3: {  	[sflag:s23] =	ssyncset.done $0x0  }
0xa4: {  	[sflag:s23] =	ssyncadd.s32 $0xFFFFFFFF  }
0xa5: {  	s4 =	sld [smem:$0x0]  }
0xa6: {  	s5 =	sand.u32 $0xFFFFFFFE, s1  }
0xa7: {  	p0 =	sne.s32 s1, s5  }
0xa8: {  	s5 =	sshll.u32 @p0 s5, $0xE  }
0xa9: {  	s5 =	sadd.s32 @p0 $0x11B8D, s5;
	s6 =	sshll.u32 @p0 s4, $0x11  }
0xaa: {  	s5 =	sor.u32 @p0 s6, s5  }
0xab: {  	[sflag:s5] =	ssyncadd.remote.s32 @p0 $0x1;
	_ =	sdelay $0x1  }
0xac: {  	s5 =	simm.s32 @p0 $0x1B8D  }
0xad: {  	_ =	swait.eq @p0 [sflag:s5], $0x1  }
0xae: {  	[sflag:s5] =	ssyncadd.s32 @p0 $0xFFFFFFFF  }
0xaf: {  	s6 =	sshll.u32 @!p0 s1, $0xE  }
0xb0: {  	s6 =	sor.u32 @!p0 $0x4000, s6;
	s5 =	simm.s32 @!p0 $0x1B8D  }
0xb1: {  	s4 =	sshll.u32 @!p0 s4, $0x11;
	s6 =	sadd.s32 @!p0 $0x11B8D, s6;
	_ =	swait.eq @!p0 [sflag:s5], $0x1  }
0xb2: {  	s4 =	sor.u32 @!p0 s4, s6;
	[sflag:s5] =	ssyncadd.s32 @!p0 $0xFFFFFFFF  }
0xb3: {  	s25 =	simm.s32 $0x1B8E;
	s24 =	sld [smem:$0x3FFE];
	[sflag:s4] =	ssyncadd.remote.s32 @!p0 $0x1  }
0xb4: {  	s26 =	simm.s32 $execute0_lowered;
	[smem:$0x3FD2] =	sst s25  }
0xb5: {  	s5 =	sshll.u32 s26, $0x1;
	_ =	strace $0x80000049;
	[dreg:$0x1] =	wrdreg $0xFFFFFFFF  }
0xb6: {  	s28 =	simm.s32 $_size_execute0_lowered;
	s3 =	sadd.s32 s3, s5;
	[dreg:$0x0] =	wrdreg $0x0  }
0xb7: {  	s5 =	sshll.u32 s28, $0x1;
	[dreg:$0x2] =	wrdreg s3  }
0xb8: {  	[dreg:$0x3] =	wrdreg s5  }
0xb9: {  	[dreg:$0x4] =	wrdreg $0xC0  }
0xba: {  	_ =	task [dreg:s22], $0x5FFFF  }
0xbb: {  	[dreg:$0x1] =	wrdreg $0xFFFFFFFF  }
0xbc: {  	[dreg:$0x0] =	wrdreg $0x60  }
0xbd: {  	[dreg:$0x2] =	wrdreg s24  }
0xbe: {  	[dreg:$0x3] =	wrdreg $0x9  }
0xbf: {  	_ =	task.clear_ibuf [dreg:s22], $0x4FFFF;
	_ =	strace $0x90000049  }
0xc0: {  	s29 =	simm.s32 $0x9;
	_ =	strace $0x8000004B  }
0xc1: {  	_ =	swait.ge [sflag:s29], $0x1  }
0xc2: {  	[sflag:s29] =	ssyncadd.s32 $0xFFFFFFFF  }
0xc3: {  	_ =	strace $0x9000004B  }
0xc4: {  	_ =	sfence  }
0xc5: {  	s30 =	sld [smem:$0x0];
	_ =	sdelay $0x2  }
0xc6: {  	s31 =	sshll.u32 s1, $0xD;
	s1 =	sshrl.u32 s1, $0x2  }
0xc7: {  	s4 =	sand.u32 $0x4000, s31;
	s1 =	sadd.s32 s1, s30  }
0xc8: {  	s0 =	sor.u32 s4, s0;
	s1 =	sshll.u32 s1, $0x11  }
0xc9: {  	s0 =	sor.u32 s1, s0  }
0xca: {  	s0 =	sadd.s32 $0x8F2B, s0  }
0xcb: {  	[sflag:s0] =	ssyncadd.remote.s32 $0x1  }
0xcc: {  	_ =	sfence.sel $0xFFFF  }
0xcd: {  	[dreg:$0x0] =	wrdreg $0xFFFFFFFF;
	(pc) =	sbr.abs _section_cstart, $3  }
0xce: {  	[dreg:$0x1] =	wrdreg $0xFFFFFFFF  }
0xcf: {  	_ =	task.clear_ibuf [dreg:s22], $0x2FFFF;
	_ =	strace $0x9FFFFFFF  }
0xd0: {  	(tm) =	ssettm $0x7FFFFFFF  }
0xd1: {  	_ =	shalt  }
tec
execute0_lowered:
.L_overlay_start_1:
0x0: {  	(tag) =	ssettag $0x1  }
0x1: {  	s0 =	srdreg.scid  }
0x2: {  	s3 =	sand.u32 $0x1, s0  }
0x3: {  	s4 =	rddreg [dreg:$0x0];
	s0 =	stileid.u32;
	s1 =	sshll.u32 s3, $0x4  }
0x4: {  	s2 =	simm.s32 $0x0;
	s8 =	simm.s32 $0x0;
	s5 =	sor.u32 s0, s1  }
0x5: {  	[smem:$0x7FF] =	sst s2;
	s3 =	ssub.s32 $0x2, s3;
	s6 =	smul.u32 $0xC35, s5  }
0x6: {  	s1 =	rddreg [dreg:$0x1];
	s7 =	sshrl.u32 s3, $0x1;
	s5 =	smul.u32 $0x186A, s5  }
0x7: {  	_ =	strace $0x8000004A;
	s31 =	ssub.s32 s3, s7;
	s7 =	simm.s32 $0x1  }
0x8: {  	s6 =	sadd.s32 s6, s4;
	s4 =	sadd.s32 s5, s4;
	s5 =	smax.u32 s31, $0x1  }
0x9: {  	v0 =	vimm.f32 $0.0e+00;
	v1 =	vimm.f32 $1.000000000e+00;
	s3 =	sadd.s32 $0xC6400, s6;
	s4 =	sadd.s32 $0x105E00, s4;
	s6 =	simm.s32 $0xC380  }
.LBB2_1:
0xa: {  	s9 =	simm.s32 $0x40;
	s10 =	simm.s32 $0x0  }
.LBB2_2:
0xb: {  	p0 =	sne.s32 s9, $0x30D00;
	[tilespmem:s10+$0x0] =	vst v0;
	s10 =	smov.u32 s9;
	s9 =	sadd.s32 $0x40, s9  }
.Ltmp0:
0xc: {  	(pc) =	sbr.rel @p0 .LBB2_2-.Ltmp0, $2  }
0xd: {  	_ =	sdelay $0x2  }
0xe: {  	s10 =	sshra.s32 s10, $0x2  }
0xf: {  	[tilespmem:s10+$0x0] =	vst v0;
	s9 =	simm.s32 $0x0  }
0x10: {  	[tilespmem:s6], [sflag:$0x1] =	stream.linear.gather [hbm4b:s3+s9], $0x61A8, $0x38;
	[tilespmem:$0x12580] =	vst v63  }
0x11: {  	_ =	swait.ge [sflag:s7], $0x61A8  }
0x12: {  	[sflag:s7] =	ssyncset.done $0x0  }
0x13: {  	s10 =	simm.s32 $0x0;
	s9 =	simm.s32 $0x40;
	[sflag:s7] =	ssyncadd.s32 $0xFFFF9E58  }
.LBB2_4:
0x14: {  	p0 =	sne.s32 s9, $0x18640;
	v2 =	vld [tilespmem:s10+$0xC380];
	_ =	sdelay $0x4  }
0x15: {  	v2 =	vshrl.u32 v2, $0xF  }
.Ltmp1:
0x16: {  	(pc) =	sbr.rel @p0 .LBB2_4-.Ltmp1, $2  }
0x17: {  	_ =	sdelay $0x2  }
0x18: {  	s10 =	sshra.s32 s9, $0x2;
	s9 =	sadd.s32 $0x40, s9;
	[tilespmem:v2+s2+$0x0] =	vst.idx.add.f32.msk $0xffff, v1  }
0x19: {  	v2 =	vld [tilespmem:s10+$0xC380];
	_ =	sdelay $0x4  }
0x1a: {  	v2 =	vshrl.u32 v2, $0xF;
	_ =	sdelay $0x4  }
0x1b: {  	[tilespmem:v2+s2+$0x0] =	vst.idx.add.f32.msk $0xffff, v1  }
0x1c: {  	v2 =	vld [tilespmem:$0x12520];
	_ =	sdelay $0x4  }
0x1d: {  	v2 =	vshrl.u32 v2, $0xF;
	_ =	sdelay $0x2  }
0x1e: {  	s8 =	sadd.s32 $0x1, s8  }
0x1f: {  	p0 =	sne.s32 s8, s5  }
.Ltmp2:
0x20: {  	[tilespmem:v2+s2+$0x0] =	vst.idx.add.f32.msk $0xff, v1;
	(pc) =	sbr.rel @p0 .LBB2_1-.Ltmp2, $4  }
0x21: {  	[hbm4b:s4+s2] =	stream.linear.scatter [tilespmem:s2], [sflag:$0x1], $0xC350, $0x38;
	[tilespmem:$0x12580] =	vst v63  }
0x22: {  	_ =	swait.ge [sflag:s7], $0xC350  }
0x23: {  	[sflag:s7] =	ssyncset.done $0x0  }
0x24: {  	[sflag:s7] =	ssyncadd.s32 $0xFFFF3CB0  }
0x25: {  	_ =	sfence.sel $0x180000  }
0x26: {  	[bflag:$0x0] =	sbarrier.arrive $0xFFFF  }
0x27: {  	p0 =	sne.s32 s0, $0x0;
	_ =	strace $0x9000004A  }
0x28: {  	s0 =	sadd.s32 @!p0 $0x100000, s1;
	[bflag:$0x2] =	sbarrier.arrive $0xFFFF  }
0x29: {  	[sflag:s0] =	ssyncadd.tile.s32 @!p0 $0x1;
	_ =	shalt  }
.Lfunc_end2:
_tile_overlayer_lowered:
.L_overlay_start_2:
0x2a: {  	(tag) =	ssettag $0x2  }
0x2b: {  	s0 =	rddreg [dreg:$0x0];
	s2 =	stileid.u32  }
0x2c: {  	s1 =	rddreg [dreg:$0x1];
	p0 =	sne.s32 s2, $0x0  }
0x2d: {  	s3 =	rddreg [dreg:$0x2];
	[bflag:$0x3] =	sbarrier.arrive $0xFFFF;
	s2 =	simm.s32 @!p0 $0x1C01  }
0x2e: {  	[timem:s3], [sflag:s2] =	dma.local @!p0 [hbm:s0], s1  }
0x2f: {  	s0 =	simm.s32 @!p0 $0x1  }
0x30: {  	_ =	swait.ge @!p0 [sflag:s0], s1  }
0x31: {  	s1 =	ssub.s32 @!p0 $0x0, s1;
	[sflag:s0] =	ssyncset.done @!p0 $0x0  }
0x32: {  	[sflag:s0] =	ssyncadd.s32 @!p0 s1  }
0x33: {  	[bflag:$0x3] =	sbarrier.arrive $0xFFFF  }
0x34: {  	_ =	shalt  }

// kernel: kernel.16.cloned.1.call-start
scs
__scs_entry_jumppad:
0x0: {  	(pc) =	sbr.rel $0x88, $3  }
0x1: {  	(tag) =	ssettag $0x0;
	lr =	simm.s32 $0x1  }
0x2: {  	[smem:$0x3F96] =	sst lr;
	_ =	strace $0xD0000000  }
0x3: {  	_ = 	snop  }
0x4: {  	_ = 	snop  }
0x5: {  	_ = 	snop  }
0x6: {  	_ = 	snop  }
0x7: {  	_ = 	snop  }
__scs_overlays_trampoline_lowered:
0x8: {  	[smem:$0x3FA5] =	sst s0  }
0x9: {  	[smem:$0x3FA6] =	sst s1  }
0xa: {  	[smem:$0x3FA7] =	sst s2  }
0xb: {  	[smem:$0x3FA8] =	sst s3  }
0xc: {  	[smem:$0x3FA9] =	sst s4  }
0xd: {  	[smem:$0x3FAA] =	sst s5  }
0xe: {  	[smem:$0x3FAB] =	sst s6  }
0xf: {  	[smem:$0x3FAC] =	sst s7  }
0x10: {  	[smem:$0x3FAD] =	sst s8  }
0x11: {  	[smem:$0x3FAE] =	sst s9;
	s0 =	simm.s32 @!p0 $0x0  }
0x12: {  	s1 =	sld [smem:$0x3F94];
	s0 =	simm.s32 @p0 $0x1  }
0x13: {  	[smem:$0x3FAF] =	sst s0;
	s0 =	simm.s32 @!p1 $0x0  }
0x14: {  	s2 =	sld [smem:$0x3F93];
	s0 =	simm.s32 @p1 $0x1  }
0x15: {  	[smem:$0x3FB0] =	sst s0;
	s0 =	simm.s32 @!p2 $0x0  }
0x16: {  	s3 =	sld [smem:$0x3FDB];
	s0 =	simm.s32 @p2 $0x1  }
0x17: {  	s4 =	simm.s32 $0x1BF5;
	[smem:$0x3FB2] =	sst s0  }
0x18: {  	s0 =	sld [smem:$0x3F95];
	_ =	swait.ge [sflag:s4], $0x0  }
0x19: {  	s7 =	sld [smem:$0x3F96]  }
0x1a: {  	s8 =	sadd.s32 $0xFFFFE003, lr  }
0x1b: {  	s9 =	sadd.s32 $0xFFFFFEF7, lr;
	s5 =	simm.s32 $0xFFFFFFFF;
	p2 =	slt.u32 s8, $0xFFFFF086  }
0x1c: {  	p1 =	slt.u32 s9, $0xF7A;
	s5 =	simm.s32 @!p2 $0x0  }
0x1d: {  	s5 =	simm.s32 @p1 $0x1;
	p0 =	seq.s32 s7, s2  }
0x1e: {  	s7 =	smul.u32 @!p0 $0xF7A, s2;
	p2 =	seq.s32 @!p0 s5, $0x0  }
0x1f: {  	s9 =	smul.u32 $0xF7A, s1;
	s8 =	simm.s32 @!p0 $0x1BF5;
	p2 =	por !p2, p0  }
0x20: {  	[sflag:s8] =	ssyncset.s32 @!p0 $0xFFFFF086;
	s6 =	sadd.s32 @!p0 s3, s7;
	s7 =	simm.s32 @!p0 $0x108  }
0x21: {  	s3 =	sadd.s32 s3, s9;
	s6 =	sadd.s32 @!p0 $0x88, s6;
	s7 =	simm.s32 @p2 $0x1082  }
0x22: {  	[simem:s7], [sflag:s8] =	dma.local @!p0 [hbm:s6], $0xF7A  }
0x23: {  	s9 =	sor.u32 $0xD0000000, s2;
	s6 =	simm.s32 $0x108;
	_ =	swait.ge @!p0 [sflag:s8], $0x0  }
0x24: {  	s3 =	sadd.s32 $0x88, s3;
	s6 =	simm.s32 @!p1 $0x1082;
	[sflag:s4] =	ssyncset.s32 $0xFFFFF086  }
0x25: {  	[simem:s6], [sflag:s4] =	dma.local [hbm:s3], $0xF7A  }
0x26: {  	[smem:$0x3F96] =	sst s1;
	(tag) =	ssettag s2;
	_ =	strace s9  }
0x27: {  	s1 =	sld [smem:$0x3FA6]  }
0x28: {  	s2 =	sld [smem:$0x3FA7]  }
0x29: {  	s4 =	sld [smem:$0x3FA9]  }
0x2a: {  	p0 =	seq.s32 s5, $0x0;
	s5 =	sld [smem:$0x3FAA]  }
0x2b: {  	s6 =	sld [smem:$0x3FAB]  }
0x2c: {  	s7 =	sld [smem:$0x3FAC]  }
0x2d: {  	s3 =	simm.s32 $0x108;
	s8 =	sld [smem:$0x3FAD]  }
0x2e: {  	s3 =	simm.s32 @!p0 $0x1082;
	s9 =	sld [smem:$0x3FAE]  }
0x2f: {  	lr =	sadd.s32 s0, s3;
	s0 =	sld [smem:$0x3FA5]  }
0x30: {  	s3 =	sld [smem:$0x3FA8]  }
0x31: {  	[smem:$0x3FB1] =	sst s10  }
0x32: {  	s10 =	sld [smem:$0x3FAF];
	_ =	sdelay $0x3  }
0x33: {  	p0 =	seq.s32 s10, $0x1;
	s10 =	sld [smem:$0x3FB1];
	_ =	sdelay $0x3  }
0x34: {  	[smem:$0x3FB1] =	sst s10  }
0x35: {  	s10 =	sld [smem:$0x3FB0];
	_ =	sdelay $0x3  }
0x36: {  	p1 =	seq.s32 s10, $0x1;
	s10 =	sld [smem:$0x3FB1];
	_ =	sdelay $0x3  }
0x37: {  	[smem:$0x3FB1] =	sst s10  }
0x38: {  	s10 =	sld [smem:$0x3FB2]  }
0x39: {  	_ = 	snop;
	(pc) =	sbr.ind lr, $3  }
0x3a: {  	_ = 	snop  }
0x3b: {  	_ = 	snop  }
0x3c: {  	p2 =	seq.s32 s10, $0x1;
	s10 =	sld [smem:$0x3FB1]  }
0x3d: {  	_ =	shalt  }
0x3e: {  	_ =	shalt  }
0x3f: {  	_ =	shalt  }
0x40: {  	_ =	shalt  }
0x41: {  	_ =	shalt  }
0x42: {  	_ =	shalt  }
0x43: {  	_ =	shalt  }
0x44: {  	_ =	shalt  }
0x45: {  	_ =	shalt  }
0x46: {  	_ =	shalt  }
0x47: {  	_ =	shalt  }
0x48: {  	_ =	shalt  }
0x49: {  	_ =	shalt  }
0x4a: {  	_ =	shalt  }
0x4b: {  	_ =	shalt  }
0x4c: {  	_ =	shalt  }
0x4d: {  	_ =	shalt  }
0x4e: {  	_ =	shalt  }
0x4f: {  	_ =	shalt  }
0x50: {  	_ =	shalt  }
0x51: {  	_ =	shalt  }
0x52: {  	_ =	shalt  }
0x53: {  	_ =	shalt  }
0x54: {  	_ =	shalt  }
0x55: {  	_ =	shalt  }
0x56: {  	_ =	shalt  }
0x57: {  	_ =	shalt  }
0x58: {  	_ =	shalt  }
0x59: {  	_ =	shalt  }
0x5a: {  	_ =	shalt  }
0x5b: {  	_ =	shalt  }
0x5c: {  	_ =	shalt  }
0x5d: {  	_ =	shalt  }
0x5e: {  	_ =	shalt  }
0x5f: {  	_ =	shalt  }
0x60: {  	_ =	shalt  }
0x61: {  	_ =	shalt  }
0x62: {  	_ =	shalt  }
0x63: {  	_ =	shalt  }
0x64: {  	_ =	shalt  }
0x65: {  	_ =	shalt  }
0x66: {  	_ =	shalt  }
0x67: {  	_ =	shalt  }
0x68: {  	_ =	shalt  }
0x69: {  	_ =	shalt  }
0x6a: {  	_ =	shalt  }
0x6b: {  	_ =	shalt  }
0x6c: {  	_ =	shalt  }
0x6d: {  	_ =	shalt  }
0x6e: {  	_ =	shalt  }
0x6f: {  	_ =	shalt  }
0x70: {  	_ =	shalt  }
0x71: {  	_ =	shalt  }
0x72: {  	_ =	shalt  }
0x73: {  	_ =	shalt  }
0x74: {  	_ =	shalt  }
0x75: {  	_ =	shalt  }
0x76: {  	_ =	shalt  }
0x77: {  	_ =	shalt  }
0x78: {  	_ =	shalt  }
0x79: {  	_ =	shalt  }
0x7a: {  	_ =	shalt  }
0x7b: {  	_ =	shalt  }
0x7c: {  	_ =	shalt  }
0x7d: {  	_ =	shalt  }
0x7e: {  	_ =	shalt  }
0x7f: {  	_ =	shalt  }
0x80: {  	_ =	shalt  }
0x81: {  	_ =	shalt  }
0x82: {  	_ =	shalt  }
0x83: {  	_ =	shalt  }
0x84: {  	_ =	shalt  }
0x85: {  	_ =	shalt  }
0x86: {  	_ =	shalt  }
0x87: {  	_ =	shalt  }
.Lfunc_end0:
.L_simem_size_0:
called_computation.1_lowered:
.L_overlay_start_0:
0x88: {  	s2 =	sld [smem:$0x3FD9]  }
0x89: {  	s3 =	sld [smem:$0x3FFE];
	_ =	sdelay $0x1  }
0x8a: {  	s1 =	srdreg.scid  }
0x8b: {  	s0 =	sand.u32 $0x1, s1  }
0x8c: {  	s16 =	sshll.u32 s0, $0xA;
	s2 =	sadd.s32 s3, s2  }
0x8d: {  	s2 =	sadd.s32 s2, s16  }
0x8e: {  	[smem:$0x3FBD] =	sst s2  }
0x8f: {  	_ = 	snop  }
0x90: {  	(tm) =	ssettm $0x1  }
0x91: {  	s17 =	sld [smem:$0x3FFB];
	_ =	sdelay $0x3  }
0x92: {  	_ =	strace s17  }
0x93: {  	s2 =	sld [smem:$0x3FFC];
	_ =	sdelay $0x3  }
0x94: {  	_ =	strace s2  }
0x95: {  	s2 =	sld [smem:$0x3FFD];
	_ =	sdelay $0x3  }
0x96: {  	_ =	strace s2  }
0x97: {  	_ =	strace $0x8FFFFFFF  }
0x98: {  	s18 =	sld [smem:$0x3FDB];
	_ =	sdelay $0x1  }
0x99: {  	s19 =	simm.s32 $_scs_section_size  }
0x9a: {  	s4 =	simm.s32 $_size__tile_overlayer_lowered;
	s5 =	simm.s32 $_tile_overlayer_lowered  }
0x9b: {  	s22 =	simm.s32 $0x1BFF;
	s21 =	sshll.u32 s5, $0x1;
	s2 =	sadd.s32 s19, s18  }
0x9c: {  	s6 =	simm.s32 $0x0;
	s20 =	sshll.u32 s4, $0x1;
	s4 =	sadd.s32 s21, s2  }
0x9d: {  	[timem:s6], [sflag:s22] =	dma.local [hbm:s4], s20  }
0x9e: {  	_ =	swait.ge [sflag:s22], s20  }
0x9f: {  	s3 =	ssub.s32 $0x0, s20;
	[sflag:s22] =	ssyncset.done $0x0  }
0xa0: {  	[sflag:s22] =	ssyncadd.s32 s3;
	_ =	sdelay $0x1  }
0xa1: {  	s23 =	simm.s32 $0x1B8B  }
0xa2: {  	_ =	swait.ge [sflag:s23], $0x1  }
0xa3: {  	[sflag:s23] =	ssyncset.done $0x0  }
0xa4: {  	s25 =	simm.s32 $0x1B8E;
	s24 =	sld [smem:$0x3FFE];
	[sflag:s23] =	ssyncadd.s32 $0xFFFFFFFF  }
0xa5: {  	s26 =	simm.s32 $execute0_lowered;
	[smem:$0x3FD2] =	sst s25  }
0xa6: {  	s4 =	sshll.u32 s26, $0x1;
	_ =	strace $0x80000046;
	[dreg:$0x1] =	wrdreg $0xFFFFFFFF  }
0xa7: {  	s28 =	simm.s32 $_size_execute0_lowered;
	s2 =	sadd.s32 s2, s4;
	[dreg:$0x0] =	wrdreg $0x0  }
0xa8: {  	s4 =	sshll.u32 s28, $0x1;
	[dreg:$0x2] =	wrdreg s2  }
0xa9: {  	[dreg:$0x3] =	wrdreg s4  }
0xaa: {  	[dreg:$0x4] =	wrdreg $0xC0  }
0xab: {  	_ =	task [dreg:s6], $0x5FFFF  }
0xac: {  	[dreg:$0x1] =	wrdreg $0xFFFFFFFF  }
0xad: {  	[dreg:$0x0] =	wrdreg $0x60  }
0xae: {  	[dreg:$0x2] =	wrdreg s24  }
0xaf: {  	[dreg:$0x3] =	wrdreg $0xA  }
0xb0: {  	_ =	task.clear_ibuf [dreg:s6], $0x4FFFF;
	_ =	strace $0x90000046  }
0xb1: {  	s29 =	simm.s32 $0xA;
	_ =	strace $0x80000048  }
0xb2: {  	_ =	swait.ge [sflag:s29], $0x1  }
0xb3: {  	[sflag:s29] =	ssyncadd.s32 $0xFFFFFFFF  }
0xb4: {  	_ =	strace $0x90000048  }
0xb5: {  	_ =	sfence  }
0xb6: {  	s30 =	sld [smem:$0x0];
	_ =	sdelay $0x2  }
0xb7: {  	s31 =	sshll.u32 s1, $0xD;
	s1 =	sshrl.u32 s1, $0x2  }
0xb8: {  	s3 =	sand.u32 $0x4000, s31;
	s1 =	sadd.s32 s1, s30  }
0xb9: {  	s0 =	sor.u32 s3, s0;
	s1 =	sshll.u32 s1, $0x11  }
0xba: {  	s0 =	sor.u32 s1, s0  }
0xbb: {  	s0 =	sadd.s32 $0x8F2B, s0  }
0xbc: {  	[sflag:s0] =	ssyncadd.remote.s32 $0x1  }
0xbd: {  	_ =	sfence.sel $0xFFFF  }
0xbe: {  	[dreg:$0x0] =	wrdreg $0xFFFFFFFF;
	(pc) =	sbr.abs _section_cstart, $3  }
0xbf: {  	[dreg:$0x1] =	wrdreg $0xFFFFFFFF  }
0xc0: {  	_ =	task.clear_ibuf [dreg:s6], $0x2FFFF;
	_ =	strace $0x9FFFFFFF  }
0xc1: {  	(tm) =	ssettm $0x7FFFFFFF  }
tec
execute0_lowered:
.L_overlay_start_1:
0x0: {  	(tag) =	ssettag $0x1  }
0x1: {  	s4 =	rddreg [dreg:$0x0]  }
0x2: {  	s1 =	srdreg.scid;
	s0 =	rddreg [dreg:$0x1]  }
0x3: {  	s2 =	simm.s32 $0x0;
	s3 =	sand.u32 $0x1, s1;
	s1 =	stileid.u32  }
0x4: {  	[smem:$0x7FF] =	sst s2;
	s6 =	sadd.s32 $0x64800, s4;
	s5 =	sshll.u32 s3, $0x4  }
0x5: {  	s12 =	sadd.s32 $0xDEC00, s4;
	_ =	strace $0x80000047;
	s5 =	sor.u32 s1, s5  }
0x6: {  	s8 =	ssub.s32 $0x2, s3;
	s3 =	sadd.s32 $0xC6400, s4;
	s7 =	smul.u32 $0x186A, s5  }
0x7: {  	s10 =	sshrl.u32 s8, $0x1;
	s9 =	smul.u32 $0x9C4, s5;
	s5 =	sor.u32 $0x20, s5  }
0x8: {  	s8 =	ssub.s32 s8, s10;
	s10 =	simm.s32 $0x11200;
	s11 =	smul.u32 $0x186A, s5  }
0x9: {  	s31 =	smul.u32 $0x9C4, s5;
	s8 =	smax.u32 s8, $0x1;
	s4 =	sadd.s32 s6, s7  }
0xa: {  	s5 =	sadd.s32 s12, s9;
	s9 =	simm.s32 $0x1;
	s6 =	sadd.s32 s6, s11  }
0xb: {  	v0 =	vimm.f32 $0.0e+00;
	s7 =	sadd.s32 s12, s31;
	s11 =	simm.s32 $0xC380;
	s12 =	simm.s32 $0x0  }
.LBB2_1:
0xc: {  	[tilespmem:s2], [sflag:$0x1] =	stream.linear.gather [hbm4b:s4+s2], $0xC350, $0x38;
	[tilespmem:$0x1AE80] =	vst v63  }
0xd: {  	_ =	swait.ge [sflag:s9], $0xC350  }
0xe: {  	[sflag:s9] =	ssyncset.done $0x0  }
0xf: {  	s13 =	simm.s32 $0x40;
	s14 =	simm.s32 $0x0;
	[sflag:s9] =	ssyncadd.s32 $0xFFFF3CB0  }
.LBB2_2:
0x10: {  	p0 =	sne.s32 s13, $0x13840;
	[tilespmem:s14+$0xC380] =	vst v0;
	s14 =	smov.u32 s13;
	s13 =	sadd.s32 $0x40, s13  }
.Ltmp0:
0x11: {  	(pc) =	sbr.rel @p0 .LBB2_2-.Ltmp0, $2  }
0x12: {  	_ =	sdelay $0x2  }
0x13: {  	s14 =	sshra.s32 s14, $0x2  }
0x14: {  	[tilespmem:s14+$0xC380] =	vst v0;
	s13 =	simm.s32 $0x0;
	s14 =	simm.s32 $0x0  }
.LBB2_4:
0x15: {  	s15 =	smul.u32 $0x1388, s14;
	_ =	sdelay $0x1  }
0x16: {  	s15 =	sadd.s32 s3, s15  }
0x17: {  	[tilespmem:s10], [sflag:$0x1] =	stream.linear.gather [hbm4b:s15+s13], $0x9C40, $0x38;
	[tilespmem:$0x1AE80] =	vst v63  }
0x18: {  	_ =	swait.ge [sflag:s9], $0x9C40  }
0x19: {  	[sflag:s9] =	ssyncset.done $0x0  }
0x1a: {  	s31 =	sand.u32 $0xFFC0, s13;
	[sflag:s9] =	ssyncadd.s32 $0xFFFF63C0  }
0x1b: {  	v1 =	vld [tilespmem:s31+$0x11280];
	_ =	sdelay $0x3  }
0x1c: {  	s15 =	simm.s32 $0x112A0;
	v3 =	vld [tilespmem:s31+$0x11300]  }
0x1d: {  	v14 =	vld [tilespmem:s15+$0xFFFFFF80];
	v2 =	vshrl.u32 v1, $0xF  }
0x1e: {  	v4 =	vld [tilespmem:s15+$0x10]  }
0x1f: {  	v5 =	vld [tilespmem:s15+$0xFFFFFF60]  }
0x20: {  	v6 =	vld [tilespmem:s15+$0xFFFFFF90]  }
0x21: {  	v8 =	vld [tilespmem:s15+$0xFFFFFFF0]  }
0x22: {  	v1 =	vand.u32 $0x7FFF, v1;
	v2 =	vld.idx.msk [tilespmem:v2+s2+$0x0], $0xffff  }
0x23: {  	v11 =	vld [tilespmem:s15+$0xFFFFFFB0];
	v7 =	vshrl.u32 v3, $0xF  }
0x24: {  	v10 =	vld [tilespmem:s15+$0x90]  }
0x25: {  	v12 =	vld [tilespmem:s15+$0x80]  }
0x26: {  	v13 =	vld [tilespmem:s15+$0x70]  }
0x27: {  	[tilespmem:v1+s11+$0x0] =	vst.idx.add.f32.msk $0xffff, v2  }
0x28: {  	v3 =	vand.u32 $0x7FFF, v3;
	v2 =	vld.idx.msk [tilespmem:v7+s2+$0x0], $0xffff  }
0x29: {  	v15 =	vld [tilespmem:s15+$0xFFFFFF70];
	v9 =	vshrl.u32 v5, $0xF  }
0x2a: {  	v16 =	vld [tilespmem:s15+$0xFFFFFFA0]  }
0x2b: {  	v17 =	vld [tilespmem:s15+$0x50]  }
0x2c: {  	v19 =	vld [tilespmem:s15+$0x40]  }
0x2d: {  	[tilespmem:v3+s11+$0x0] =	vst.idx.add.f32.msk $0xffff, v2;
	v3 =	vshrl.u32 v10, $0xF  }
0x2e: {  	v5 =	vand.u32 $0x7FFF, v5;
	v2 =	vld.idx.msk [tilespmem:v9+s2+$0x0], $0xffff  }
0x2f: {  	v20 =	vld [tilespmem:s15+$0x30]  }
0x30: {  	v22 =	vld [tilespmem:s15+$0xFFFFFFC0];
	v9 =	vshrl.u32 v12, $0xF  }
0x31: {  	v18 =	vshrl.u32 v13, $0xF;
	v1 =	vld [tilespmem:s15+$0x0]  }
0x32: {  	v3 =	vld.idx.msk [tilespmem:v3+s2+$0x0], $0xffff  }
0x33: {  	[tilespmem:v5+s11+$0x0] =	vst.idx.add.f32.msk $0xffff, v2;
	v2 =	vand.u32 $0x7FFF, v10  }
0x34: {  	v7 =	vld [tilespmem:s15+$0x20];
	v5 =	vshrl.u32 v17, $0xF  }
0x35: {  	v9 =	vld.idx.msk [tilespmem:v9+s2+$0x0], $0xffff;
	v10 =	vand.u32 $0x7FFF, v12  }
0x36: {  	v13 =	vand.u32 $0x7FFF, v13;
	v12 =	vld.idx.msk [tilespmem:v18+s2+$0x0], $0xffff  }
0x37: {  	v21 =	vshrl.u32 v19, $0xF;
	v18 =	vld [tilespmem:s15+$0xFFFFFFD0]  }
0x38: {  	v23 =	vshrl.u32 v20, $0xF;
	[tilespmem:v2+s11+$0x0] =	vst.idx.add.f32.msk $0xffff, v3  }
0x39: {  	v2 =	vshrl.u32 v4, $0xF;
	v3 =	vld.idx.msk [tilespmem:v5+s2+$0x0], $0xffff  }
0x3a: {  	v5 =	vshrl.u32 v7, $0xF;
	[tilespmem:v10+s11+$0x0] =	vst.idx.add.f32.msk $0xffff, v9  }
0x3b: {  	v9 =	vshrl.u32 v1, $0xF;
	[tilespmem:v13+s11+$0x0] =	vst.idx.add.f32.msk $0xffff, v12  }
0x3c: {  	v10 =	vand.u32 $0x7FFF, v17;
	v12 =	vld.idx.msk [tilespmem:v21+s2+$0x0], $0xffff  }
0x3d: {  	v13 =	vshrl.u32 v8, $0xF;
	v17 =	vld.idx.msk [tilespmem:v23+s2+$0x0], $0xffff  }
0x3e: {  	v19 =	vand.u32 $0x7FFF, v19;
	v62 =	vld.idx.msk [tilespmem:v2+s2+$0x0], $0xffff  }
0x3f: {  	v20 =	vand.u32 $0x7FFF, v20;
	v5 =	vld.idx.msk [tilespmem:v5+s2+$0x0], $0xffff  }
0x40: {  	v2 =	vshrl.u32 v18, $0xF;
	v63 =	vld.idx.msk [tilespmem:v9+s2+$0x0], $0xffff  }
0x41: {  	v9 =	vshrl.u32 v22, $0xF;
	[tilespmem:v10+s11+$0x0] =	vst.idx.add.f32.msk $0xffff, v3  }
0x42: {  	v10 =	vld.idx.msk [tilespmem:v13+s2+$0x0], $0xffff;
	v13 =	vand.u32 $0x7FFF, v4  }
0x43: {  	v3 =	vand.u32 $0x7FFF, v7;
	[tilespmem:v19+s11+$0x0] =	vst.idx.add.f32.msk $0xffff, v12  }
0x44: {  	v12 =	vshrl.u32 v11, $0xF;
	[tilespmem:v20+s11+$0x0] =	vst.idx.add.f32.msk $0xffff, v17  }
0x45: {  	v19 =	vand.u32 $0x7FFF, v1;
	v7 =	vld.idx.msk [tilespmem:v2+s2+$0x0], $0xffff  }
0x46: {  	v17 =	vshrl.u32 v16, $0xF;
	v9 =	vld.idx.msk [tilespmem:v9+s2+$0x0], $0xffff  }
0x47: {  	[tilespmem:v13+s11+$0x0] =	vst.idx.add.f32.msk $0xffff, v62;
	v13 =	vshrl.u32 v6, $0xF  }
0x48: {  	v4 =	vand.u32 $0x7FFF, v8;
	[tilespmem:v3+s11+$0x0] =	vst.idx.add.f32.msk $0xffff, v5  }
0x49: {  	v1 =	vand.u32 $0x7FFF, v22;
	v3 =	vand.u32 $0x7FFF, v16;
	v16 =	vld.idx.msk [tilespmem:v12+s2+$0x0], $0xffff;
	v12 =	vshrl.u32 v14, $0xF  }
0x4a: {  	v8 =	vand.u32 $0x7FFF, v6;
	v2 =	vand.u32 $0x7FFF, v18;
	v5 =	vand.u32 $0x7FFF, v11;
	[tilespmem:v19+s11+$0x0] =	vst.idx.add.f32.msk $0xffff, v63  }
0x4b: {  	s16 =	simm.s32 $0x0;
	s17 =	simm.s32 $0x140;
	v11 =	vshrl.u32 v15, $0xF;
	v6 =	vand.u32 $0x7FFF, v15;
	v14 =	vand.u32 $0x7FFF, v14;
	v15 =	vld.idx.msk [tilespmem:v17+s2+$0x0], $0xffff  }
.LBB2_5:
0x4c: {  	s18 =	sand.u32 $0xFFC0, s17;
	s16 =	sadd.s32 $0x14, s16;
	v13 =	vld.idx.msk [tilespmem:v13+s2+$0x0], $0xffff;
	s15 =	sadd.s32 $0x140, s15  }
0x4d: {  	p0 =	slt.u32 s16, $0x9B0;
	[tilespmem:v4+s11+$0x0] =	vst.idx.add.f32.msk $0xffff, v10  }
0x4e: {  	v4 =	vld.idx.msk [tilespmem:v12+s2+$0x0], $0xffff  }
0x4f: {  	v10 =	vld [tilespmem:s18+$0x11280]  }
0x50: {  	[tilespmem:v5+s11+$0x0] =	vst.idx.add.f32.msk $0xffff, v16  }
0x51: {  	v5 =	vld.idx.msk [tilespmem:v11+s2+$0x0], $0xffff  }
0x52: {  	[tilespmem:v8+s11+$0x0] =	vst.idx.add.f32.msk $0xffff, v13  }
0x53: {  	[tilespmem:v2+s11+$0x0] =	vst.idx.add.f32.msk $0xffff, v7  }
0x54: {  	v2 =	vshrl.u32 v10, $0xF;
	[tilespmem:v14+s11+$0x0] =	vst.idx.add.f32.msk $0xffff, v4  }
0x55: {  	[tilespmem:v1+s11+$0x0] =	vst.idx.add.f32.msk $0xffff, v9  }
0x56: {  	[tilespmem:v3+s11+$0x0] =	vst.idx.add.f32.msk $0xffff, v15  }
0x57: {  	[tilespmem:v6+s11+$0x0] =	vst.idx.add.f32.msk $0xffff, v5  }
0x58: {  	v1 =	vld [tilespmem:s18+$0x11300]  }
0x59: {  	v2 =	vld.idx.msk [tilespmem:v2+s2+$0x0], $0xffff  }
0x5a: {  	v3 =	vand.u32 $0x7FFF, v10;
	v9 =	vld [tilespmem:s15+$0xFFFFFF80]  }
0x5b: {  	v6 =	vld [tilespmem:s15+$0x10]  }
0x5c: {  	v4 =	vld [tilespmem:s15+$0xFFFFFF60]  }
0x5d: {  	v7 =	vld [tilespmem:s15+$0xFFFFFF90];
	v5 =	vshrl.u32 v1, $0xF  }
0x5e: {  	v8 =	vld [tilespmem:s15+$0xFFFFFFF0]  }
0x5f: {  	[tilespmem:v3+s11+$0x0] =	vst.idx.add.f32.msk $0xffff, v2  }
0x60: {  	v3 =	vld [tilespmem:s15+$0xFFFFFFB0]  }
0x61: {  	v10 =	vld [tilespmem:s15+$0x0]  }
0x62: {  	v2 =	vld.idx.msk [tilespmem:v5+s2+$0x0], $0xffff  }
0x63: {  	v1 =	vand.u32 $0x7FFF, v1;
	v5 =	vld [tilespmem:s15+$0x20]  }
0x64: {  	v11 =	vshrl.u32 v4, $0xF;
	v12 =	vld [tilespmem:s15+$0x90]  }
0x65: {  	v13 =	vld [tilespmem:s15+$0x80]  }
0x66: {  	v14 =	vld [tilespmem:s15+$0x70]  }
0x67: {  	v15 =	vld [tilespmem:s15+$0xFFFFFF70]  }
0x68: {  	[tilespmem:v1+s11+$0x0] =	vst.idx.add.f32.msk $0xffff, v2  }
0x69: {  	v1 =	vld.idx.msk [tilespmem:v11+s2+$0x0], $0xffff;
	v2 =	vshrl.u32 v12, $0xF  }
0x6a: {  	v4 =	vand.u32 $0x7FFF, v4;
	v11 =	vld [tilespmem:s15+$0xFFFFFFA0];
	v16 =	vshrl.u32 v13, $0xF  }
0x6b: {  	v17 =	vld [tilespmem:s15+$0x50];
	v18 =	vshrl.u32 v14, $0xF  }
0x6c: {  	v19 =	vld [tilespmem:s15+$0x40]  }
0x6d: {  	v20 =	vld [tilespmem:s15+$0x30]  }
0x6e: {  	v2 =	vld.idx.msk [tilespmem:v2+s2+$0x0], $0xffff  }
0x6f: {  	[tilespmem:v4+s11+$0x0] =	vst.idx.add.f32.msk $0xffff, v1;
	v1 =	vand.u32 $0x7FFF, v12  }
0x70: {  	v13 =	vand.u32 $0x7FFF, v13;
	v4 =	vshrl.u32 v17, $0xF;
	v12 =	vld.idx.msk [tilespmem:v16+s2+$0x0], $0xffff  }
0x71: {  	v14 =	vand.u32 $0x7FFF, v14;
	v16 =	vshrl.u32 v19, $0xF;
	v18 =	vld.idx.msk [tilespmem:v18+s2+$0x0], $0xffff  }
0x72: {  	v21 =	vld [tilespmem:s15+$0xFFFFFFD0];
	v22 =	vshrl.u32 v20, $0xF  }
0x73: {  	v24 =	vshrl.u32 v5, $0xF;
	v25 =	vand.u32 $0x7FFF, v5;
	v23 =	vld [tilespmem:s15+$0xFFFFFFC0]  }
0x74: {  	v26 =	vshrl.u32 v6, $0xF;
	[tilespmem:v1+s11+$0x0] =	vst.idx.add.f32.msk $0xffff, v2  }
0x75: {  	v27 =	vshrl.u32 v10, $0xF;
	v28 =	vld.idx.msk [tilespmem:v4+s2+$0x0], $0xffff  }
0x76: {  	v29 =	vshrl.u32 v8, $0xF;
	v17 =	vand.u32 $0x7FFF, v17;
	v4 =	vand.u32 $0x7FFF, v8;
	[tilespmem:v13+s11+$0x0] =	vst.idx.add.f32.msk $0xffff, v12  }
0x77: {  	v30 =	vshrl.u32 v21, $0xF;
	v2 =	vand.u32 $0x7FFF, v21;
	[tilespmem:v14+s11+$0x0] =	vst.idx.add.f32.msk $0xffff, v18  }
0x78: {  	v18 =	vshrl.u32 v23, $0xF;
	v1 =	vand.u32 $0x7FFF, v23;
	v14 =	vld.idx.msk [tilespmem:v16+s2+$0x0], $0xffff;
	v16 =	vand.u32 $0x7FFF, v19  }
0x79: {  	v5 =	vand.u32 $0x7FFF, v3;
	v20 =	vand.u32 $0x7FFF, v20;
	v19 =	vshrl.u32 v3, $0xF;
	v21 =	vld.idx.msk [tilespmem:v22+s2+$0x0], $0xffff  }
0x7a: {  	v3 =	vand.u32 $0x7FFF, v11;
	v22 =	vshrl.u32 v11, $0xF;
	v23 =	vld.idx.msk [tilespmem:v26+s2+$0x0], $0xffff;
	v26 =	vand.u32 $0x7FFF, v6  }
0x7b: {  	v31 =	vand.u32 $0x7FFF, v10;
	v8 =	vand.u32 $0x7FFF, v7;
	v13 =	vshrl.u32 v7, $0xF;
	v24 =	vld.idx.msk [tilespmem:v24+s2+$0x0], $0xffff  }
0x7c: {  	v12 =	vshrl.u32 v9, $0xF;
	v27 =	vld.idx.msk [tilespmem:v27+s2+$0x0], $0xffff  }
0x7d: {  	v11 =	vshrl.u32 v15, $0xF;
	v6 =	vand.u32 $0x7FFF, v15;
	[tilespmem:v17+s11+$0x0] =	vst.idx.add.f32.msk $0xffff, v28  }
0x7e: {  	v10 =	vld.idx.msk [tilespmem:v29+s2+$0x0], $0xffff  }
0x7f: {  	[tilespmem:v16+s11+$0x0] =	vst.idx.add.f32.msk $0xffff, v14  }
0x80: {  	v7 =	vld.idx.msk [tilespmem:v30+s2+$0x0], $0xffff  }
0x81: {  	[tilespmem:v20+s11+$0x0] =	vst.idx.add.f32.msk $0xffff, v21  }
0x82: {  	v14 =	vand.u32 $0x7FFF, v9;
	v9 =	vld.idx.msk [tilespmem:v18+s2+$0x0], $0xffff  }
.Ltmp1:
0x83: {  	[tilespmem:v25+s11+$0x0] =	vst.idx.add.f32.msk $0xffff, v24;
	(pc) =	sbr.rel @p0 .LBB2_5-.Ltmp1, $4  }
0x84: {  	[tilespmem:v26+s11+$0x0] =	vst.idx.add.f32.msk $0xffff, v23  }
0x85: {  	v16 =	vld.idx.msk [tilespmem:v19+s2+$0x0], $0xffff  }
0x86: {  	[tilespmem:v31+s11+$0x0] =	vst.idx.add.f32.msk $0xffff, v27  }
0x87: {  	s17 =	sadd.s32 $0x140, s17;
	v15 =	vld.idx.msk [tilespmem:v22+s2+$0x0], $0xffff  }
0x88: {  	_ =	sdelay $0x3  }
0x89: {  	v13 =	vld.idx.msk [tilespmem:v13+s2+$0x0], $0xffff  }
0x8a: {  	[tilespmem:v4+s11+$0x0] =	vst.idx.add.f32.msk $0xffff, v10  }
0x8b: {  	v62 =	vld.idx.msk [tilespmem:v12+s2+$0x0], $0xffff  }
0x8c: {  	v63 =	vld.idx.msk [tilespmem:v11+s2+$0x0], $0xffff  }
0x8d: {  	[tilespmem:v2+s11+$0x0] =	vst.idx.add.f32.msk $0xffff, v7;
	s14 =	sadd.s32 $0x1, s14  }
0x8e: {  	[tilespmem:v1+s11+$0x0] =	vst.idx.add.f32.msk $0xffff, v9;
	p0 =	sne.s32 s14, $0x14  }
.Ltmp2:
0x8f: {  	[tilespmem:v5+s11+$0x0] =	vst.idx.add.f32.msk $0xffff, v16;
	(pc) =	sbr.rel @p0 .LBB2_4-.Ltmp2, $4  }
0x90: {  	[tilespmem:v3+s11+$0x0] =	vst.idx.add.f32.msk $0xffff, v15  }
0x91: {  	[tilespmem:v8+s11+$0x0] =	vst.idx.add.f32.msk $0xffff, v13  }
0x92: {  	[tilespmem:v14+s11+$0x0] =	vst.idx.add.f32.msk $0xffff, v62  }
0x93: {  	[tilespmem:v6+s11+$0x0] =	vst.idx.add.f32.msk $0xffff, v63  }
0x94: {  	s13 =	simm.s32 $0x0  }
0x95: {  	[hbm4b:s5+s13] =	stream.linear.scatter [tilespmem:s11], [sflag:$0x1], $0x4E20, $0x38;
	[tilespmem:$0x1AE80] =	vst v63  }
0x96: {  	_ =	swait.ge [sflag:s9], $0x4E20  }
0x97: {  	[sflag:s9] =	ssyncset.done $0x0  }
0x98: {  	[sflag:s9] =	ssyncadd.s32 $0xFFFFB1E0  }
0x99: {  	[tilespmem:s13], [sflag:$0x1] =	stream.linear.gather [hbm4b:s6+s13], $0xC350, $0x38;
	[tilespmem:$0x1AE80] =	vst v63  }
0x9a: {  	_ =	swait.ge [sflag:s9], $0xC350  }
0x9b: {  	[sflag:s9] =	ssyncset.done $0x0  }
0x9c: {  	s14 =	simm.s32 $0x40;
	s15 =	simm.s32 $0x0;
	[sflag:s9] =	ssyncadd.s32 $0xFFFF3CB0  }
.LBB2_8:
0x9d: {  	p0 =	sne.s32 s14, $0x13840;
	[tilespmem:s15+$0xC380] =	vst v0;
	s15 =	smov.u32 s14;
	s14 =	sadd.s32 $0x40, s14  }
.Ltmp3:
0x9e: {  	(pc) =	sbr.rel @p0 .LBB2_8-.Ltmp3, $2  }
0x9f: {  	_ =	sdelay $0x2  }
0xa0: {  	s15 =	sshra.s32 s15, $0x2  }
0xa1: {  	[tilespmem:s15+$0xC380] =	vst v0  }
.LBB2_10:
0xa2: {  	s14 =	smul.u32 $0x1388, s13;
	_ =	sdelay $0x1  }
0xa3: {  	s15 =	simm.s32 $0x0;
	s14 =	sadd.s32 s3, s14  }
0xa4: {  	[tilespmem:s10], [sflag:$0x1] =	stream.linear.gather [hbm4b:s14+s15], $0x9C40, $0x38;
	[tilespmem:$0x1AE80] =	vst v63  }
0xa5: {  	_ =	swait.ge [sflag:s9], $0x9C40  }
0xa6: {  	[sflag:s9] =	ssyncset.done $0x0  }
0xa7: {  	s31 =	sand.u32 $0xFFC0, s15;
	[sflag:s9] =	ssyncadd.s32 $0xFFFF63C0  }
0xa8: {  	v1 =	vld [tilespmem:s31+$0x11280];
	_ =	sdelay $0x3  }
0xa9: {  	s14 =	simm.s32 $0x112A0;
	v3 =	vld [tilespmem:s31+$0x11300]  }
0xaa: {  	v14 =	vld [tilespmem:s14+$0xFFFFFF80];
	v2 =	vshrl.u32 v1, $0xF  }
0xab: {  	v4 =	vld [tilespmem:s14+$0x10]  }
0xac: {  	v5 =	vld [tilespmem:s14+$0xFFFFFF60]  }
0xad: {  	v6 =	vld [tilespmem:s14+$0xFFFFFF90]  }
0xae: {  	v8 =	vld [tilespmem:s14+$0xFFFFFFF0]  }
0xaf: {  	v1 =	vand.u32 $0x7FFF, v1;
	v2 =	vld.idx.msk [tilespmem:v2+s2+$0x0], $0xffff  }
0xb0: {  	v11 =	vld [tilespmem:s14+$0xFFFFFFB0];
	v7 =	vshrl.u32 v3, $0xF  }
0xb1: {  	v10 =	vld [tilespmem:s14+$0x90]  }
0xb2: {  	v12 =	vld [tilespmem:s14+$0x80]  }
0xb3: {  	v13 =	vld [tilespmem:s14+$0x70]  }
0xb4: {  	[tilespmem:v1+s11+$0x0] =	vst.idx.add.f32.msk $0xffff, v2  }
0xb5: {  	v3 =	vand.u32 $0x7FFF, v3;
	v2 =	vld.idx.msk [tilespmem:v7+s2+$0x0], $0xffff  }
0xb6: {  	v15 =	vld [tilespmem:s14+$0xFFFFFF70];
	v9 =	vshrl.u32 v5, $0xF  }
0xb7: {  	v16 =	vld [tilespmem:s14+$0xFFFFFFA0]  }
0xb8: {  	v17 =	vld [tilespmem:s14+$0x50]  }
0xb9: {  	v19 =	vld [tilespmem:s14+$0x40]  }
0xba: {  	[tilespmem:v3+s11+$0x0] =	vst.idx.add.f32.msk $0xffff, v2;
	v3 =	vshrl.u32 v10, $0xF  }
0xbb: {  	v5 =	vand.u32 $0x7FFF, v5;
	v2 =	vld.idx.msk [tilespmem:v9+s2+$0x0], $0xffff  }
0xbc: {  	v20 =	vld [tilespmem:s14+$0x30]  }
0xbd: {  	v22 =	vld [tilespmem:s14+$0xFFFFFFC0];
	v9 =	vshrl.u32 v12, $0xF  }
0xbe: {  	v18 =	vshrl.u32 v13, $0xF;
	v1 =	vld [tilespmem:s14+$0x0]  }
0xbf: {  	v3 =	vld.idx.msk [tilespmem:v3+s2+$0x0], $0xffff  }
0xc0: {  	[tilespmem:v5+s11+$0x0] =	vst.idx.add.f32.msk $0xffff, v2;
	v2 =	vand.u32 $0x7FFF, v10  }
0xc1: {  	v7 =	vld [tilespmem:s14+$0x20];
	v5 =	vshrl.u32 v17, $0xF  }
0xc2: {  	v9 =	vld.idx.msk [tilespmem:v9+s2+$0x0], $0xffff;
	v10 =	vand.u32 $0x7FFF, v12  }
0xc3: {  	v13 =	vand.u32 $0x7FFF, v13;
	v12 =	vld.idx.msk [tilespmem:v18+s2+$0x0], $0xffff  }
0xc4: {  	v21 =	vshrl.u32 v19, $0xF;
	v18 =	vld [tilespmem:s14+$0xFFFFFFD0]  }
0xc5: {  	v23 =	vshrl.u32 v20, $0xF;
	[tilespmem:v2+s11+$0x0] =	vst.idx.add.f32.msk $0xffff, v3  }
0xc6: {  	v2 =	vshrl.u32 v4, $0xF;
	v3 =	vld.idx.msk [tilespmem:v5+s2+$0x0], $0xffff  }
0xc7: {  	v5 =	vshrl.u32 v7, $0xF;
	[tilespmem:v10+s11+$0x0] =	vst.idx.add.f32.msk $0xffff, v9  }
0xc8: {  	v9 =	vshrl.u32 v1, $0xF;
	[tilespmem:v13+s11+$0x0] =	vst.idx.add.f32.msk $0xffff, v12  }
0xc9: {  	v10 =	vand.u32 $0x7FFF, v17;
	v12 =	vld.idx.msk [tilespmem:v21+s2+$0x0], $0xffff  }
0xca: {  	v13 =	vshrl.u32 v8, $0xF;
	v17 =	vld.idx.msk [tilespmem:v23+s2+$0x0], $0xffff  }
0xcb: {  	v19 =	vand.u32 $0x7FFF, v19;
	v62 =	vld.idx.msk [tilespmem:v2+s2+$0x0], $0xffff  }
0xcc: {  	v20 =	vand.u32 $0x7FFF, v20;
	v5 =	vld.idx.msk [tilespmem:v5+s2+$0x0], $0xffff  }
0xcd: {  	v2 =	vshrl.u32 v18, $0xF;
	v63 =	vld.idx.msk [tilespmem:v9+s2+$0x0], $0xffff  }
0xce: {  	v9 =	vshrl.u32 v22, $0xF;
	[tilespmem:v10+s11+$0x0] =	vst.idx.add.f32.msk $0xffff, v3  }
0xcf: {  	v10 =	vld.idx.msk [tilespmem:v13+s2+$0x0], $0xffff;
	v13 =	vand.u32 $0x7FFF, v4  }
0xd0: {  	v3 =	vand.u32 $0x7FFF, v7;
	[tilespmem:v19+s11+$0x0] =	vst.idx.add.f32.msk $0xffff, v12  }
0xd1: {  	v12 =	vshrl.u32 v11, $0xF;
	[tilespmem:v20+s11+$0x0] =	vst.idx.add.f32.msk $0xffff, v17  }
0xd2: {  	v19 =	vand.u32 $0x7FFF, v1;
	v7 =	vld.idx.msk [tilespmem:v2+s2+$0x0], $0xffff  }
0xd3: {  	v17 =	vshrl.u32 v16, $0xF;
	v9 =	vld.idx.msk [tilespmem:v9+s2+$0x0], $0xffff  }
0xd4: {  	[tilespmem:v13+s11+$0x0] =	vst.idx.add.f32.msk $0xffff, v62;
	v13 =	vshrl.u32 v6, $0xF  }
0xd5: {  	v4 =	vand.u32 $0x7FFF, v8;
	[tilespmem:v3+s11+$0x0] =	vst.idx.add.f32.msk $0xffff, v5  }
0xd6: {  	v1 =	vand.u32 $0x7FFF, v22;
	v3 =	vand.u32 $0x7FFF, v16;
	v16 =	vld.idx.msk [tilespmem:v12+s2+$0x0], $0xffff;
	v12 =	vshrl.u32 v14, $0xF  }
0xd7: {  	v8 =	vand.u32 $0x7FFF, v6;
	v2 =	vand.u32 $0x7FFF, v18;
	v5 =	vand.u32 $0x7FFF, v11;
	[tilespmem:v19+s11+$0x0] =	vst.idx.add.f32.msk $0xffff, v63  }
0xd8: {  	s16 =	simm.s32 $0x140;
	s15 =	simm.s32 $0x0;
	v11 =	vshrl.u32 v15, $0xF;
	v6 =	vand.u32 $0x7FFF, v15;
	v14 =	vand.u32 $0x7FFF, v14;
	v15 =	vld.idx.msk [tilespmem:v17+s2+$0x0], $0xffff  }
.LBB2_11:
0xd9: {  	s17 =	sand.u32 $0xFFC0, s16;
	s15 =	sadd.s32 $0x14, s15;
	v13 =	vld.idx.msk [tilespmem:v13+s2+$0x0], $0xffff;
	s14 =	sadd.s32 $0x140, s14  }
0xda: {  	p0 =	slt.u32 s15, $0x9B0;
	[tilespmem:v4+s11+$0x0] =	vst.idx.add.f32.msk $0xffff, v10  }
0xdb: {  	v4 =	vld.idx.msk [tilespmem:v12+s2+$0x0], $0xffff  }
0xdc: {  	v10 =	vld [tilespmem:s17+$0x11280]  }
0xdd: {  	[tilespmem:v5+s11+$0x0] =	vst.idx.add.f32.msk $0xffff, v16  }
0xde: {  	v5 =	vld.idx.msk [tilespmem:v11+s2+$0x0], $0xffff  }
0xdf: {  	[tilespmem:v8+s11+$0x0] =	vst.idx.add.f32.msk $0xffff, v13  }
0xe0: {  	[tilespmem:v2+s11+$0x0] =	vst.idx.add.f32.msk $0xffff, v7  }
0xe1: {  	v2 =	vshrl.u32 v10, $0xF;
	[tilespmem:v14+s11+$0x0] =	vst.idx.add.f32.msk $0xffff, v4  }
0xe2: {  	[tilespmem:v1+s11+$0x0] =	vst.idx.add.f32.msk $0xffff, v9  }
0xe3: {  	[tilespmem:v3+s11+$0x0] =	vst.idx.add.f32.msk $0xffff, v15  }
0xe4: {  	[tilespmem:v6+s11+$0x0] =	vst.idx.add.f32.msk $0xffff, v5  }
0xe5: {  	v1 =	vld [tilespmem:s17+$0x11300]  }
0xe6: {  	v2 =	vld.idx.msk [tilespmem:v2+s2+$0x0], $0xffff  }
0xe7: {  	v3 =	vand.u32 $0x7FFF, v10;
	v9 =	vld [tilespmem:s14+$0xFFFFFF80]  }
0xe8: {  	v6 =	vld [tilespmem:s14+$0x10]  }
0xe9: {  	v4 =	vld [tilespmem:s14+$0xFFFFFF60]  }
0xea: {  	v7 =	vld [tilespmem:s14+$0xFFFFFF90];
	v5 =	vshrl.u32 v1, $0xF  }
0xeb: {  	v8 =	vld [tilespmem:s14+$0xFFFFFFF0]  }
0xec: {  	[tilespmem:v3+s11+$0x0] =	vst.idx.add.f32.msk $0xffff, v2  }
0xed: {  	v3 =	vld [tilespmem:s14+$0xFFFFFFB0]  }
0xee: {  	v10 =	vld [tilespmem:s14+$0x0]  }
0xef: {  	v2 =	vld.idx.msk [tilespmem:v5+s2+$0x0], $0xffff  }
0xf0: {  	v1 =	vand.u32 $0x7FFF, v1;
	v5 =	vld [tilespmem:s14+$0x20]  }
0xf1: {  	v11 =	vshrl.u32 v4, $0xF;
	v12 =	vld [tilespmem:s14+$0x90]  }
0xf2: {  	v13 =	vld [tilespmem:s14+$0x80]  }
0xf3: {  	v14 =	vld [tilespmem:s14+$0x70]  }
0xf4: {  	v15 =	vld [tilespmem:s14+$0xFFFFFF70]  }
0xf5: {  	[tilespmem:v1+s11+$0x0] =	vst.idx.add.f32.msk $0xffff, v2  }
0xf6: {  	v1 =	vld.idx.msk [tilespmem:v11+s2+$0x0], $0xffff;
	v2 =	vshrl.u32 v12, $0xF  }
0xf7: {  	v4 =	vand.u32 $0x7FFF, v4;
	v11 =	vld [tilespmem:s14+$0xFFFFFFA0];
	v16 =	vshrl.u32 v13, $0xF  }
0xf8: {  	v17 =	vld [tilespmem:s14+$0x50];
	v18 =	vshrl.u32 v14, $0xF  }
0xf9: {  	v19 =	vld [tilespmem:s14+$0x40]  }
0xfa: {  	v20 =	vld [tilespmem:s14+$0x30]  }
0xfb: {  	v2 =	vld.idx.msk [tilespmem:v2+s2+$0x0], $0xffff  }
0xfc: {  	[tilespmem:v4+s11+$0x0] =	vst.idx.add.f32.msk $0xffff, v1;
	v1 =	vand.u32 $0x7FFF, v12  }
0xfd: {  	v13 =	vand.u32 $0x7FFF, v13;
	v4 =	vshrl.u32 v17, $0xF;
	v12 =	vld.idx.msk [tilespmem:v16+s2+$0x0], $0xffff  }
0xfe: {  	v14 =	vand.u32 $0x7FFF, v14;
	v16 =	vshrl.u32 v19, $0xF;
	v18 =	vld.idx.msk [tilespmem:v18+s2+$0x0], $0xffff  }
0xff: {  	v21 =	vld [tilespmem:s14+$0xFFFFFFD0];
	v22 =	vshrl.u32 v20, $0xF  }
0x100: {  	v24 =	vshrl.u32 v5, $0xF;
	v25 =	vand.u32 $0x7FFF, v5;
	v23 =	vld [tilespmem:s14+$0xFFFFFFC0]  }
0x101: {  	v26 =	vshrl.u32 v6, $0xF;
	[tilespmem:v1+s11+$0x0] =	vst.idx.add.f32.msk $0xffff, v2  }
0x102: {  	v27 =	vshrl.u32 v10, $0xF;
	v28 =	vld.idx.msk [tilespmem:v4+s2+$0x0], $0xffff  }
0x103: {  	v29 =	vshrl.u32 v8, $0xF;
	v17 =	vand.u32 $0x7FFF, v17;
	v4 =	vand.u32 $0x7FFF, v8;
	[tilespmem:v13+s11+$0x0] =	vst.idx.add.f32.msk $0xffff, v12  }
0x104: {  	v30 =	vshrl.u32 v21, $0xF;
	v2 =	vand.u32 $0x7FFF, v21;
	[tilespmem:v14+s11+$0x0] =	vst.idx.add.f32.msk $0xffff, v18  }
0x105: {  	v18 =	vshrl.u32 v23, $0xF;
	v1 =	vand.u32 $0x7FFF, v23;
	v14 =	vld.idx.msk [tilespmem:v16+s2+$0x0], $0xffff;
	v16 =	vand.u32 $0x7FFF, v19  }
0x106: {  	v5 =	vand.u32 $0x7FFF, v3;
	v20 =	vand.u32 $0x7FFF, v20;
	v19 =	vshrl.u32 v3, $0xF;
	v21 =	vld.idx.msk [tilespmem:v22+s2+$0x0], $0xffff  }
0x107: {  	v3 =	vand.u32 $0x7FFF, v11;
	v22 =	vshrl.u32 v11, $0xF;
	v23 =	vld.idx.msk [tilespmem:v26+s2+$0x0], $0xffff;
	v26 =	vand.u32 $0x7FFF, v6  }
0x108: {  	v31 =	vand.u32 $0x7FFF, v10;
	v8 =	vand.u32 $0x7FFF, v7;
	v13 =	vshrl.u32 v7, $0xF;
	v24 =	vld.idx.msk [tilespmem:v24+s2+$0x0], $0xffff  }
0x109: {  	v12 =	vshrl.u32 v9, $0xF;
	v27 =	vld.idx.msk [tilespmem:v27+s2+$0x0], $0xffff  }
0x10a: {  	v11 =	vshrl.u32 v15, $0xF;
	v6 =	vand.u32 $0x7FFF, v15;
	[tilespmem:v17+s11+$0x0] =	vst.idx.add.f32.msk $0xffff, v28  }
0x10b: {  	v10 =	vld.idx.msk [tilespmem:v29+s2+$0x0], $0xffff  }
0x10c: {  	[tilespmem:v16+s11+$0x0] =	vst.idx.add.f32.msk $0xffff, v14  }
0x10d: {  	v7 =	vld.idx.msk [tilespmem:v30+s2+$0x0], $0xffff  }
0x10e: {  	[tilespmem:v20+s11+$0x0] =	vst.idx.add.f32.msk $0xffff, v21  }
0x10f: {  	v14 =	vand.u32 $0x7FFF, v9;
	v9 =	vld.idx.msk [tilespmem:v18+s2+$0x0], $0xffff  }
.Ltmp4:
0x110: {  	[tilespmem:v25+s11+$0x0] =	vst.idx.add.f32.msk $0xffff, v24;
	(pc) =	sbr.rel @p0 .LBB2_11-.Ltmp4, $4  }
0x111: {  	[tilespmem:v26+s11+$0x0] =	vst.idx.add.f32.msk $0xffff, v23  }
0x112: {  	v16 =	vld.idx.msk [tilespmem:v19+s2+$0x0], $0xffff  }
0x113: {  	[tilespmem:v31+s11+$0x0] =	vst.idx.add.f32.msk $0xffff, v27  }
0x114: {  	s16 =	sadd.s32 $0x140, s16;
	v15 =	vld.idx.msk [tilespmem:v22+s2+$0x0], $0xffff  }
0x115: {  	_ =	sdelay $0x3  }
0x116: {  	v13 =	vld.idx.msk [tilespmem:v13+s2+$0x0], $0xffff  }
0x117: {  	[tilespmem:v4+s11+$0x0] =	vst.idx.add.f32.msk $0xffff, v10  }
0x118: {  	v62 =	vld.idx.msk [tilespmem:v12+s2+$0x0], $0xffff  }
0x119: {  	v63 =	vld.idx.msk [tilespmem:v11+s2+$0x0], $0xffff  }
0x11a: {  	[tilespmem:v2+s11+$0x0] =	vst.idx.add.f32.msk $0xffff, v7;
	s13 =	sadd.s32 $0x1, s13  }
0x11b: {  	[tilespmem:v1+s11+$0x0] =	vst.idx.add.f32.msk $0xffff, v9;
	p0 =	sne.s32 s13, $0x14  }
.Ltmp5:
0x11c: {  	[tilespmem:v5+s11+$0x0] =	vst.idx.add.f32.msk $0xffff, v16;
	(pc) =	sbr.rel @p0 .LBB2_10-.Ltmp5, $4  }
0x11d: {  	[tilespmem:v3+s11+$0x0] =	vst.idx.add.f32.msk $0xffff, v15  }
0x11e: {  	[tilespmem:v8+s11+$0x0] =	vst.idx.add.f32.msk $0xffff, v13  }
0x11f: {  	[tilespmem:v14+s11+$0x0] =	vst.idx.add.f32.msk $0xffff, v62  }
0x120: {  	[tilespmem:v6+s11+$0x0] =	vst.idx.add.f32.msk $0xffff, v63  }
0x121: {  	s12 =	sadd.s32 $0x1, s12  }
0x122: {  	p0 =	sne.s32 s12, s8  }
.Ltmp6:
0x123: {  	_ = 	snop;
	(pc) =	sbr.rel @p0 .LBB2_1-.Ltmp6, $4  }
0x124: {  	[hbm4b:s7+s2] =	stream.linear.scatter [tilespmem:s11], [sflag:$0x1], $0x4E20, $0x38;
	[tilespmem:$0x1AE80] =	vst v63  }
0x125: {  	_ =	swait.ge [sflag:s9], $0x4E20  }
0x126: {  	[sflag:s9] =	ssyncset.done $0x0  }
0x127: {  	[sflag:s9] =	ssyncadd.s32 $0xFFFFB1E0  }
0x128: {  	_ =	sfence.sel $0x180000  }
0x129: {  	[bflag:$0x0] =	sbarrier.arrive $0xFFFF  }
0x12a: {  	p0 =	sne.s32 s1, $0x0;
	_ =	strace $0x90000047  }
0x12b: {  	s0 =	sadd.s32 @!p0 $0x100000, s0;
	[bflag:$0x2] =	sbarrier.arrive $0xFFFF  }
0x12c: {  	[sflag:s0] =	ssyncadd.tile.s32 @!p0 $0x1;
	_ =	shalt  }
.Lfunc_end2:
_tile_overlayer_lowered:
.L_overlay_start_2:
0x12d: {  	(tag) =	ssettag $0x2  }
0x12e: {  	s0 =	rddreg [dreg:$0x0];
	s2 =	stileid.u32  }
0x12f: {  	s1 =	rddreg [dreg:$0x1];
	p0 =	sne.s32 s2, $0x0  }
0x130: {  	s3 =	rddreg [dreg:$0x2];
	[bflag:$0x3] =	sbarrier.arrive $0xFFFF;
	s2 =	simm.s32 @!p0 $0x1C01  }
0x131: {  	[timem:s3], [sflag:s2] =	dma.local @!p0 [hbm:s0], s1  }
0x132: {  	s0 =	simm.s32 @!p0 $0x1  }
0x133: {  	_ =	swait.ge @!p0 [sflag:s0], s1  }
0x134: {  	s1 =	ssub.s32 @!p0 $0x0, s1;
	[sflag:s0] =	ssyncset.done @!p0 $0x0  }
0x135: {  	[sflag:s0] =	ssyncadd.s32 @!p0 s1  }
0x136: {  	[bflag:$0x3] =	sbarrier.arrive $0xFFFF  }
0x137: {  	_ =	shalt  }

// kernel: kernel.19.cloned.1.call-start
scs
__scs_entry_jumppad:
0x0: {  	(pc) =	sbr.rel $0x88, $3  }
0x1: {  	(tag) =	ssettag $0x0;
	lr =	simm.s32 $0x1  }
0x2: {  	[smem:$0x3F96] =	sst lr;
	_ =	strace $0xD0000000  }
0x3: {  	_ = 	snop  }
0x4: {  	_ = 	snop  }
0x5: {  	_ = 	snop  }
0x6: {  	_ = 	snop  }
0x7: {  	_ = 	snop  }
__scs_overlays_trampoline_lowered:
0x8: {  	[smem:$0x3FA5] =	sst s0  }
0x9: {  	[smem:$0x3FA6] =	sst s1  }
0xa: {  	[smem:$0x3FA7] =	sst s2  }
0xb: {  	[smem:$0x3FA8] =	sst s3  }
0xc: {  	[smem:$0x3FA9] =	sst s4  }
0xd: {  	[smem:$0x3FAA] =	sst s5  }
0xe: {  	[smem:$0x3FAB] =	sst s6  }
0xf: {  	[smem:$0x3FAC] =	sst s7  }
0x10: {  	[smem:$0x3FAD] =	sst s8  }
0x11: {  	[smem:$0x3FAE] =	sst s9;
	s0 =	simm.s32 @!p0 $0x0  }
0x12: {  	s1 =	sld [smem:$0x3F94];
	s0 =	simm.s32 @p0 $0x1  }
0x13: {  	[smem:$0x3FAF] =	sst s0;
	s0 =	simm.s32 @!p1 $0x0  }
0x14: {  	s2 =	sld [smem:$0x3F93];
	s0 =	simm.s32 @p1 $0x1  }
0x15: {  	[smem:$0x3FB0] =	sst s0;
	s0 =	simm.s32 @!p2 $0x0  }
0x16: {  	s3 =	sld [smem:$0x3FDB];
	s0 =	simm.s32 @p2 $0x1  }
0x17: {  	s4 =	simm.s32 $0x1BF5;
	[smem:$0x3FB2] =	sst s0  }
0x18: {  	s0 =	sld [smem:$0x3F95];
	_ =	swait.ge [sflag:s4], $0x0  }
0x19: {  	s7 =	sld [smem:$0x3F96]  }
0x1a: {  	s8 =	sadd.s32 $0xFFFFE003, lr  }
0x1b: {  	s9 =	sadd.s32 $0xFFFFFEF7, lr;
	s5 =	simm.s32 $0xFFFFFFFF;
	p2 =	slt.u32 s8, $0xFFFFF086  }
0x1c: {  	p1 =	slt.u32 s9, $0xF7A;
	s5 =	simm.s32 @!p2 $0x0  }
0x1d: {  	s5 =	simm.s32 @p1 $0x1;
	p0 =	seq.s32 s7, s2  }
0x1e: {  	s7 =	smul.u32 @!p0 $0xF7A, s2;
	p2 =	seq.s32 @!p0 s5, $0x0  }
0x1f: {  	s9 =	smul.u32 $0xF7A, s1;
	s8 =	simm.s32 @!p0 $0x1BF5;
	p2 =	por !p2, p0  }
0x20: {  	[sflag:s8] =	ssyncset.s32 @!p0 $0xFFFFF086;
	s6 =	sadd.s32 @!p0 s3, s7;
	s7 =	simm.s32 @!p0 $0x108  }
0x21: {  	s3 =	sadd.s32 s3, s9;
	s6 =	sadd.s32 @!p0 $0x88, s6;
	s7 =	simm.s32 @p2 $0x1082  }
0x22: {  	[simem:s7], [sflag:s8] =	dma.local @!p0 [hbm:s6], $0xF7A  }
0x23: {  	s9 =	sor.u32 $0xD0000000, s2;
	s6 =	simm.s32 $0x108;
	_ =	swait.ge @!p0 [sflag:s8], $0x0  }
0x24: {  	s3 =	sadd.s32 $0x88, s3;
	s6 =	simm.s32 @!p1 $0x1082;
	[sflag:s4] =	ssyncset.s32 $0xFFFFF086  }
0x25: {  	[simem:s6], [sflag:s4] =	dma.local [hbm:s3], $0xF7A  }
0x26: {  	[smem:$0x3F96] =	sst s1;
	(tag) =	ssettag s2;
	_ =	strace s9  }
0x27: {  	s1 =	sld [smem:$0x3FA6]  }
0x28: {  	s2 =	sld [smem:$0x3FA7]  }
0x29: {  	s4 =	sld [smem:$0x3FA9]  }
0x2a: {  	p0 =	seq.s32 s5, $0x0;
	s5 =	sld [smem:$0x3FAA]  }
0x2b: {  	s6 =	sld [smem:$0x3FAB]  }
0x2c: {  	s7 =	sld [smem:$0x3FAC]  }
0x2d: {  	s3 =	simm.s32 $0x108;
	s8 =	sld [smem:$0x3FAD]  }
0x2e: {  	s3 =	simm.s32 @!p0 $0x1082;
	s9 =	sld [smem:$0x3FAE]  }
0x2f: {  	lr =	sadd.s32 s0, s3;
	s0 =	sld [smem:$0x3FA5]  }
0x30: {  	s3 =	sld [smem:$0x3FA8]  }
0x31: {  	[smem:$0x3FB1] =	sst s10  }
0x32: {  	s10 =	sld [smem:$0x3FAF];
	_ =	sdelay $0x3  }
0x33: {  	p0 =	seq.s32 s10, $0x1;
	s10 =	sld [smem:$0x3FB1];
	_ =	sdelay $0x3  }
0x34: {  	[smem:$0x3FB1] =	sst s10  }
0x35: {  	s10 =	sld [smem:$0x3FB0];
	_ =	sdelay $0x3  }
0x36: {  	p1 =	seq.s32 s10, $0x1;
	s10 =	sld [smem:$0x3FB1];
	_ =	sdelay $0x3  }
0x37: {  	[smem:$0x3FB1] =	sst s10  }
0x38: {  	s10 =	sld [smem:$0x3FB2]  }
0x39: {  	_ = 	snop;
	(pc) =	sbr.ind lr, $3  }
0x3a: {  	_ = 	snop  }
0x3b: {  	_ = 	snop  }
0x3c: {  	p2 =	seq.s32 s10, $0x1;
	s10 =	sld [smem:$0x3FB1]  }
0x3d: {  	_ =	shalt  }
0x3e: {  	_ =	shalt  }
0x3f: {  	_ =	shalt  }
0x40: {  	_ =	shalt  }
0x41: {  	_ =	shalt  }
0x42: {  	_ =	shalt  }
0x43: {  	_ =	shalt  }
0x44: {  	_ =	shalt  }
0x45: {  	_ =	shalt  }
0x46: {  	_ =	shalt  }
0x47: {  	_ =	shalt  }
0x48: {  	_ =	shalt  }
0x49: {  	_ =	shalt  }
0x4a: {  	_ =	shalt  }
0x4b: {  	_ =	shalt  }
0x4c: {  	_ =	shalt  }
0x4d: {  	_ =	shalt  }
0x4e: {  	_ =	shalt  }
0x4f: {  	_ =	shalt  }
0x50: {  	_ =	shalt  }
0x51: {  	_ =	shalt  }
0x52: {  	_ =	shalt  }
0x53: {  	_ =	shalt  }
0x54: {  	_ =	shalt  }
0x55: {  	_ =	shalt  }
0x56: {  	_ =	shalt  }
0x57: {  	_ =	shalt  }
0x58: {  	_ =	shalt  }
0x59: {  	_ =	shalt  }
0x5a: {  	_ =	shalt  }
0x5b: {  	_ =	shalt  }
0x5c: {  	_ =	shalt  }
0x5d: {  	_ =	shalt  }
0x5e: {  	_ =	shalt  }
0x5f: {  	_ =	shalt  }
0x60: {  	_ =	shalt  }
0x61: {  	_ =	shalt  }
0x62: {  	_ =	shalt  }
0x63: {  	_ =	shalt  }
0x64: {  	_ =	shalt  }
0x65: {  	_ =	shalt  }
0x66: {  	_ =	shalt  }
0x67: {  	_ =	shalt  }
0x68: {  	_ =	shalt  }
0x69: {  	_ =	shalt  }
0x6a: {  	_ =	shalt  }
0x6b: {  	_ =	shalt  }
0x6c: {  	_ =	shalt  }
0x6d: {  	_ =	shalt  }
0x6e: {  	_ =	shalt  }
0x6f: {  	_ =	shalt  }
0x70: {  	_ =	shalt  }
0x71: {  	_ =	shalt  }
0x72: {  	_ =	shalt  }
0x73: {  	_ =	shalt  }
0x74: {  	_ =	shalt  }
0x75: {  	_ =	shalt  }
0x76: {  	_ =	shalt  }
0x77: {  	_ =	shalt  }
0x78: {  	_ =	shalt  }
0x79: {  	_ =	shalt  }
0x7a: {  	_ =	shalt  }
0x7b: {  	_ =	shalt  }
0x7c: {  	_ =	shalt  }
0x7d: {  	_ =	shalt  }
0x7e: {  	_ =	shalt  }
0x7f: {  	_ =	shalt  }
0x80: {  	_ =	shalt  }
0x81: {  	_ =	shalt  }
0x82: {  	_ =	shalt  }
0x83: {  	_ =	shalt  }
0x84: {  	_ =	shalt  }
0x85: {  	_ =	shalt  }
0x86: {  	_ =	shalt  }
0x87: {  	_ =	shalt  }
.Lfunc_end0:
.L_simem_size_0:
called_computation.2_lowered:
.L_overlay_start_0:
0x88: {  	s2 =	sld [smem:$0x3FD9]  }
0x89: {  	s3 =	sld [smem:$0x3FFE];
	_ =	sdelay $0x1  }
0x8a: {  	s1 =	srdreg.scid  }
0x8b: {  	s0 =	sand.u32 $0x1, s1  }
0x8c: {  	s17 =	sshll.u32 s0, $0xA;
	s2 =	sadd.s32 s3, s2  }
0x8d: {  	s2 =	sadd.s32 s2, s17  }
0x8e: {  	[smem:$0x3FBD] =	sst s2  }
0x8f: {  	_ = 	snop  }
0x90: {  	(tm) =	ssettm $0x1  }
0x91: {  	s18 =	sld [smem:$0x3FFB];
	_ =	sdelay $0x3  }
0x92: {  	_ =	strace s18  }
0x93: {  	s2 =	sld [smem:$0x3FFC];
	_ =	sdelay $0x3  }
0x94: {  	_ =	strace s2  }
0x95: {  	s2 =	sld [smem:$0x3FFD];
	_ =	sdelay $0x3  }
0x96: {  	_ =	strace s2  }
0x97: {  	_ =	strace $0x8FFFFFFF  }
0x98: {  	s19 =	sld [smem:$0x3FDB];
	_ =	sdelay $0x1  }
0x99: {  	s20 =	simm.s32 $_scs_section_size  }
0x9a: {  	s4 =	simm.s32 $_size__tile_overlayer_lowered;
	s5 =	simm.s32 $_tile_overlayer_lowered  }
0x9b: {  	s6 =	simm.s32 $0x1BFF;
	s21 =	sshll.u32 s5, $0x1;
	s3 =	sadd.s32 s20, s19  }
0x9c: {  	s22 =	simm.s32 $0x0;
	s4 =	sshll.u32 s4, $0x1;
	s5 =	sadd.s32 s21, s3  }
0x9d: {  	[timem:s22], [sflag:s6] =	dma.local [hbm:s5], s4  }
0x9e: {  	_ =	swait.ge [sflag:s6], s4  }
0x9f: {  	s4 =	ssub.s32 $0x0, s4;
	[sflag:s6] =	ssyncset.done $0x0  }
0xa0: {  	[sflag:s6] =	ssyncadd.s32 s4;
	_ =	sdelay $0x1  }
0xa1: {  	s23 =	simm.s32 $0x1B8B  }
0xa2: {  	_ =	swait.ge [sflag:s23], $0x1  }
0xa3: {  	[sflag:s23] =	ssyncset.done $0x0  }
0xa4: {  	[sflag:s23] =	ssyncadd.s32 $0xFFFFFFFF  }
0xa5: {  	s4 =	sld [smem:$0x0]  }
0xa6: {  	s5 =	sand.u32 $0xFFFFFFFE, s1  }
0xa7: {  	p0 =	sne.s32 s1, s5  }
0xa8: {  	s5 =	sshll.u32 @p0 s5, $0xE  }
0xa9: {  	s5 =	sadd.s32 @p0 $0x11B8D, s5;
	s6 =	sshll.u32 @p0 s4, $0x11  }
0xaa: {  	s5 =	sor.u32 @p0 s6, s5  }
0xab: {  	[sflag:s5] =	ssyncadd.remote.s32 @p0 $0x1;
	_ =	sdelay $0x1  }
0xac: {  	s5 =	simm.s32 @p0 $0x1B8D  }
0xad: {  	_ =	swait.eq @p0 [sflag:s5], $0x1  }
0xae: {  	[sflag:s5] =	ssyncadd.s32 @p0 $0xFFFFFFFF  }
0xaf: {  	s6 =	sshll.u32 @!p0 s1, $0xE  }
0xb0: {  	s6 =	sor.u32 @!p0 $0x4000, s6;
	s5 =	simm.s32 @!p0 $0x1B8D  }
0xb1: {  	s4 =	sshll.u32 @!p0 s4, $0x11;
	s6 =	sadd.s32 @!p0 $0x11B8D, s6;
	_ =	swait.eq @!p0 [sflag:s5], $0x1  }
0xb2: {  	s4 =	sor.u32 @!p0 s4, s6;
	[sflag:s5] =	ssyncadd.s32 @!p0 $0xFFFFFFFF  }
0xb3: {  	s25 =	simm.s32 $0x1B8E;
	s24 =	sld [smem:$0x3FFE];
	[sflag:s4] =	ssyncadd.remote.s32 @!p0 $0x1  }
0xb4: {  	s26 =	simm.s32 $execute0_lowered;
	[smem:$0x3FD2] =	sst s25  }
0xb5: {  	s5 =	sshll.u32 s26, $0x1;
	_ =	strace $0x8000004C;
	[dreg:$0x1] =	wrdreg $0xFFFFFFFF  }
0xb6: {  	s28 =	simm.s32 $_size_execute0_lowered;
	s3 =	sadd.s32 s3, s5;
	[dreg:$0x0] =	wrdreg $0x0  }
0xb7: {  	s5 =	sshll.u32 s28, $0x1;
	[dreg:$0x2] =	wrdreg s3  }
0xb8: {  	[dreg:$0x3] =	wrdreg s5  }
0xb9: {  	[dreg:$0x4] =	wrdreg $0xC0  }
0xba: {  	_ =	task [dreg:s22], $0x5FFFF  }
0xbb: {  	[dreg:$0x1] =	wrdreg $0xFFFFFFFF  }
0xbc: {  	[dreg:$0x0] =	wrdreg $0x60  }
0xbd: {  	[dreg:$0x2] =	wrdreg s24  }
0xbe: {  	[dreg:$0x3] =	wrdreg $0xA  }
0xbf: {  	_ =	task.clear_ibuf [dreg:s22], $0x4FFFF;
	_ =	strace $0x9000004C  }
0xc0: {  	s29 =	simm.s32 $0xA;
	_ =	strace $0x8000004E  }
0xc1: {  	_ =	swait.ge [sflag:s29], $0x1  }
0xc2: {  	[sflag:s29] =	ssyncadd.s32 $0xFFFFFFFF  }
0xc3: {  	_ =	strace $0x9000004E  }
0xc4: {  	_ =	sfence  }
0xc5: {  	s30 =	sld [smem:$0x0];
	_ =	sdelay $0x2  }
0xc6: {  	s31 =	sshll.u32 s1, $0xD;
	s1 =	sshrl.u32 s1, $0x2  }
0xc7: {  	s4 =	sand.u32 $0x4000, s31;
	s1 =	sadd.s32 s1, s30  }
0xc8: {  	s0 =	sor.u32 s4, s0;
	s1 =	sshll.u32 s1, $0x11  }
0xc9: {  	s0 =	sor.u32 s1, s0  }
0xca: {  	s0 =	sadd.s32 $0x8F2B, s0  }
0xcb: {  	[sflag:s0] =	ssyncadd.remote.s32 $0x1  }
0xcc: {  	_ =	sfence.sel $0xFFFF  }
0xcd: {  	[dreg:$0x0] =	wrdreg $0xFFFFFFFF;
	(pc) =	sbr.abs _section_cstart, $3  }
0xce: {  	[dreg:$0x1] =	wrdreg $0xFFFFFFFF  }
0xcf: {  	_ =	task.clear_ibuf [dreg:s22], $0x2FFFF;
	_ =	strace $0x9FFFFFFF  }
0xd0: {  	(tm) =	ssettm $0x7FFFFFFF  }
0xd1: {  	_ =	shalt  }
tec
execute0_lowered:
.L_overlay_start_1:
0x0: {  	(tag) =	ssettag $0x1  }
0x1: {  	s4 =	rddreg [dreg:$0x0]  }
0x2: {  	s1 =	srdreg.scid;
	s0 =	rddreg [dreg:$0x1]  }
0x3: {  	s2 =	simm.s32 $0x0;
	s3 =	sand.u32 $0x1, s1;
	s1 =	stileid.u32  }
0x4: {  	[smem:$0x7FF] =	sst s2;
	s6 =	sadd.s32 $0xDEC00, s4;
	s5 =	sshll.u32 s3, $0x4  }
0x5: {  	s12 =	sadd.s32 $0x64800, s4;
	_ =	strace $0x8000004D;
	s5 =	sor.u32 s1, s5  }
0x6: {  	s8 =	ssub.s32 $0x2, s3;
	s3 =	sadd.s32 $0xC6400, s4;
	s7 =	smul.u32 $0x9C4, s5  }
0x7: {  	s10 =	sshrl.u32 s8, $0x1;
	s9 =	smul.u32 $0x186A, s5;
	s5 =	sor.u32 $0x20, s5  }
0x8: {  	s8 =	ssub.s32 s8, s10;
	s10 =	simm.s32 $0x11200;
	s11 =	smul.u32 $0x9C4, s5  }
0x9: {  	s31 =	smul.u32 $0x186A, s5;
	s8 =	smax.u32 s8, $0x1;
	s4 =	sadd.s32 s6, s7  }
0xa: {  	s5 =	sadd.s32 s12, s9;
	s9 =	simm.s32 $0x1;
	s6 =	sadd.s32 s6, s11  }
0xb: {  	v0 =	vimm.f32 $0.0e+00;
	s7 =	sadd.s32 s12, s31;
	s11 =	simm.s32 $0x4E80;
	s12 =	simm.s32 $0x0  }
.LBB2_1:
0xc: {  	[tilespmem:s2], [sflag:$0x1] =	stream.linear.gather [hbm4b:s4+s2], $0x4E20, $0x38;
	[tilespmem:$0x1AE80] =	vst v63  }
0xd: {  	_ =	swait.ge [sflag:s9], $0x4E20  }
0xe: {  	[sflag:s9] =	ssyncset.done $0x0  }
0xf: {  	s13 =	simm.s32 $0x40;
	s14 =	simm.s32 $0x0;
	[sflag:s9] =	ssyncadd.s32 $0xFFFFB1E0  }
.LBB2_2:
0x10: {  	p0 =	sne.s32 s13, $0x30D00;
	[tilespmem:s14+$0x4E80] =	vst v0;
	s14 =	smov.u32 s13;
	s13 =	sadd.s32 $0x40, s13  }
.Ltmp0:
0x11: {  	(pc) =	sbr.rel @p0 .LBB2_2-.Ltmp0, $2  }
0x12: {  	_ =	sdelay $0x2  }
0x13: {  	s14 =	sshra.s32 s14, $0x2  }
0x14: {  	[tilespmem:s14+$0x4E80] =	vst v0;
	s13 =	simm.s32 $0x0;
	s14 =	simm.s32 $0x0  }
.LBB2_4:
0x15: {  	s15 =	smul.u32 $0x1388, s14;
	_ =	sdelay $0x1  }
0x16: {  	s15 =	sadd.s32 s3, s15  }
0x17: {  	[tilespmem:s10], [sflag:$0x1] =	stream.linear.gather [hbm4b:s15+s13], $0x9C40, $0x38;
	[tilespmem:$0x1AE80] =	vst v63  }
0x18: {  	_ =	swait.ge [sflag:s9], $0x9C40  }
0x19: {  	[sflag:s9] =	ssyncset.done $0x0  }
0x1a: {  	s31 =	sand.u32 $0xFFC0, s13;
	[sflag:s9] =	ssyncadd.s32 $0xFFFF63C0  }
0x1b: {  	v1 =	vld [tilespmem:s31+$0x11280];
	_ =	sdelay $0x2  }
0x1c: {  	s15 =	simm.s32 $0x112A0;
	v3 =	vld [tilespmem:s31+$0x11300]  }
0x1d: {  	v15 =	vld [tilespmem:s15+$0xFFFFFFC0]  }
0x1e: {  	v4 =	vld [tilespmem:s15+$0x70];
	v2 =	vand.u32 $0x7FFF, v1  }
0x1f: {  	v5 =	vld [tilespmem:s15+$0xFFFFFF60]  }
0x20: {  	v6 =	vld [tilespmem:s15+$0x10]  }
0x21: {  	v8 =	vld [tilespmem:s15+$0x50]  }
0x22: {  	v14 =	vld [tilespmem:s15+$0xFFFFFF90]  }
0x23: {  	v1 =	vshrl.u32 v1, $0xF;
	v2 =	vld.idx.msk [tilespmem:v2+s2+$0x0], $0xffff  }
0x24: {  	v11 =	vld [tilespmem:s15+$0xFFFFFFB0];
	v7 =	vand.u32 $0x7FFF, v3  }
0x25: {  	v9 =	vld [tilespmem:s15+$0xFFFFFFF0]  }
0x26: {  	v10 =	vld [tilespmem:s15+$0x0]  }
0x27: {  	v12 =	vld [tilespmem:s15+$0x90]  }
0x28: {  	[tilespmem:v1+s11+$0x0] =	vst.idx.add.f32.msk $0xffff, v2  }
0x29: {  	v3 =	vshrl.u32 v3, $0xF;
	v1 =	vld.idx.msk [tilespmem:v7+s2+$0x0], $0xffff  }
0x2a: {  	v13 =	vld [tilespmem:s15+$0x80];
	v7 =	vand.u32 $0x7FFF, v5  }
0x2b: {  	v16 =	vld [tilespmem:s15+$0xFFFFFF70]  }
0x2c: {  	v17 =	vld [tilespmem:s15+$0xFFFFFF80]  }
0x2d: {  	v19 =	vld [tilespmem:s15+$0x30]  }
0x2e: {  	v22 =	vand.u32 $0x7FFF, v8;
	[tilespmem:v3+s11+$0x0] =	vst.idx.add.f32.msk $0xffff, v1  }
0x2f: {  	v1 =	vld.idx.msk [tilespmem:v7+s2+$0x0], $0xffff  }
0x30: {  	v3 =	vshrl.u32 v5, $0xF;
	v5 =	vld [tilespmem:s15+$0x40]  }
0x31: {  	v21 =	vld [tilespmem:s15+$0x20];
	v7 =	vand.u32 $0x7FFF, v12  }
0x32: {  	v24 =	vld [tilespmem:s15+$0xFFFFFFA0];
	v18 =	vand.u32 $0x7FFF, v13  }
0x33: {  	v8 =	vshrl.u32 v8, $0xF;
	v22 =	vld.idx.msk [tilespmem:v22+s2+$0x0], $0xffff  }
0x34: {  	v20 =	vand.u32 $0x7FFF, v4;
	v2 =	vld [tilespmem:s15+$0xFFFFFFD0]  }
0x35: {  	[tilespmem:v3+s11+$0x0] =	vst.idx.add.f32.msk $0xffff, v1;
	v1 =	vand.u32 $0x7FFF, v5  }
0x36: {  	v12 =	vshrl.u32 v12, $0xF;
	v3 =	vld.idx.msk [tilespmem:v7+s2+$0x0], $0xffff  }
0x37: {  	v13 =	vshrl.u32 v13, $0xF;
	v7 =	vld.idx.msk [tilespmem:v18+s2+$0x0], $0xffff  }
0x38: {  	v58 =	vand.u32 $0x7FFF, v19;
	[tilespmem:v8+s11+$0x0] =	vst.idx.add.f32.msk $0xffff, v22  }
0x39: {  	v4 =	vshrl.u32 v4, $0xF;
	v18 =	vld.idx.msk [tilespmem:v20+s2+$0x0], $0xffff  }
0x3a: {  	v23 =	vand.u32 $0x7FFF, v21;
	v1 =	vld.idx.msk [tilespmem:v1+s2+$0x0], $0xffff  }
0x3b: {  	v8 =	vand.u32 $0x7FFF, v15;
	[tilespmem:v12+s11+$0x0] =	vst.idx.add.f32.msk $0xffff, v3  }
0x3c: {  	v3 =	vand.u32 $0x7FFF, v6;
	[tilespmem:v13+s11+$0x0] =	vst.idx.add.f32.msk $0xffff, v7  }
0x3d: {  	v5 =	vshrl.u32 v5, $0xF;
	v7 =	vld.idx.msk [tilespmem:v58+s2+$0x0], $0xffff  }
0x3e: {  	v12 =	vand.u32 $0x7FFF, v9;
	[tilespmem:v4+s11+$0x0] =	vst.idx.add.f32.msk $0xffff, v18  }
0x3f: {  	v13 =	vand.u32 $0x7FFF, v2;
	v18 =	vld.idx.msk [tilespmem:v23+s2+$0x0], $0xffff  }
0x40: {  	v59 =	vand.u32 $0x7FFF, v10;
	v61 =	vshrl.u32 v6, $0xF;
	v6 =	vld.idx.msk [tilespmem:v8+s2+$0x0], $0xffff  }
0x41: {  	v19 =	vshrl.u32 v19, $0xF;
	v3 =	vld.idx.msk [tilespmem:v3+s2+$0x0], $0xffff  }
0x42: {  	[tilespmem:v5+s11+$0x0] =	vst.idx.add.f32.msk $0xffff, v1;
	v1 =	vand.u32 $0x7FFF, v11  }
0x43: {  	v4 =	vld.idx.msk [tilespmem:v12+s2+$0x0], $0xffff;
	v5 =	vshrl.u32 v21, $0xF  }
0x44: {  	v60 =	vld.idx.msk [tilespmem:v13+s2+$0x0], $0xffff  }
0x45: {  	v62 =	vshrl.u32 v2, $0xF;
	v13 =	vld.idx.msk [tilespmem:v59+s2+$0x0], $0xffff  }
0x46: {  	v63 =	vand.u32 $0x7FFF, v24;
	[tilespmem:v19+s11+$0x0] =	vst.idx.add.f32.msk $0xffff, v7  }
0x47: {  	v12 =	vshrl.u32 v10, $0xF;
	v7 =	vld.idx.msk [tilespmem:v1+s2+$0x0], $0xffff  }
0x48: {  	v2 =	vshrl.u32 v9, $0xF;
	v9 =	vand.u32 $0x7FFF, v14;
	[tilespmem:v5+s11+$0x0] =	vst.idx.add.f32.msk $0xffff, v18  }
0x49: {  	v8 =	vshrl.u32 v11, $0xF;
	v14 =	vshrl.u32 v14, $0xF;
	[tilespmem:v61+s11+$0x0] =	vst.idx.add.f32.msk $0xffff, v3  }
0x4a: {  	v10 =	vand.u32 $0x7FFF, v16;
	v11 =	vshrl.u32 v17, $0xF;
	v1 =	vshrl.u32 v24, $0xF;
	[tilespmem:v62+s11+$0x0] =	vst.idx.add.f32.msk $0xffff, v60  }
0x4b: {  	s16 =	simm.s32 $0x0;
	s17 =	simm.s32 $0x140;
	v5 =	vand.u32 $0x7FFF, v17;
	v3 =	vshrl.u32 v16, $0xF;
	v16 =	vshrl.u32 v15, $0xF;
	v15 =	vld.idx.msk [tilespmem:v63+s2+$0x0], $0xffff  }
.LBB2_5:
0x4c: {  	s18 =	sand.u32 $0xFFC0, s17;
	s16 =	sadd.s32 $0x14, s16;
	[tilespmem:v12+s11+$0x0] =	vst.idx.add.f32.msk $0xffff, v13;
	s15 =	sadd.s32 $0x140, s15  }
0x4d: {  	p0 =	slt.u32 s16, $0x9B0;
	v9 =	vld.idx.msk [tilespmem:v9+s2+$0x0], $0xffff  }
0x4e: {  	[tilespmem:v2+s11+$0x0] =	vst.idx.add.f32.msk $0xffff, v4  }
0x4f: {  	v2 =	vld [tilespmem:s18+$0x11280]  }
0x50: {  	v4 =	vld.idx.msk [tilespmem:v5+s2+$0x0], $0xffff  }
0x51: {  	v5 =	vld.idx.msk [tilespmem:v10+s2+$0x0], $0xffff  }
0x52: {  	[tilespmem:v16+s11+$0x0] =	vst.idx.add.f32.msk $0xffff, v6  }
0x53: {  	[tilespmem:v14+s11+$0x0] =	vst.idx.add.f32.msk $0xffff, v9  }
0x54: {  	v6 =	vand.u32 $0x7FFF, v2;
	[tilespmem:v8+s11+$0x0] =	vst.idx.add.f32.msk $0xffff, v7  }
0x55: {  	[tilespmem:v1+s11+$0x0] =	vst.idx.add.f32.msk $0xffff, v15  }
0x56: {  	[tilespmem:v11+s11+$0x0] =	vst.idx.add.f32.msk $0xffff, v4  }
0x57: {  	[tilespmem:v3+s11+$0x0] =	vst.idx.add.f32.msk $0xffff, v5  }
0x58: {  	v1 =	vld [tilespmem:s18+$0x11300]  }
0x59: {  	v3 =	vld.idx.msk [tilespmem:v6+s2+$0x0], $0xffff  }
0x5a: {  	v2 =	vshrl.u32 v2, $0xF;
	v15 =	vld [tilespmem:s15+$0xFFFFFFC0]  }
0x5b: {  	v4 =	vld [tilespmem:s15+$0x70]  }
0x5c: {  	v5 =	vld [tilespmem:s15+$0xFFFFFF60]  }
0x5d: {  	v6 =	vld [tilespmem:s15+$0x10];
	v7 =	vand.u32 $0x7FFF, v1  }
0x5e: {  	v8 =	vld [tilespmem:s15+$0x50]  }
0x5f: {  	[tilespmem:v2+s11+$0x0] =	vst.idx.add.f32.msk $0xffff, v3  }
0x60: {  	v14 =	vld [tilespmem:s15+$0xFFFFFF90]  }
0x61: {  	v11 =	vld [tilespmem:s15+$0xFFFFFFB0]  }
0x62: {  	v2 =	vld.idx.msk [tilespmem:v7+s2+$0x0], $0xffff  }
0x63: {  	v1 =	vshrl.u32 v1, $0xF;
	v7 =	vld [tilespmem:s15+$0xFFFFFFD0]  }
0x64: {  	v3 =	vand.u32 $0x7FFF, v5;
	v9 =	vld [tilespmem:s15+$0xFFFFFFF0]  }
0x65: {  	v10 =	vld [tilespmem:s15+$0x0]  }
0x66: {  	v12 =	vld [tilespmem:s15+$0x90]  }
0x67: {  	v13 =	vld [tilespmem:s15+$0x80]  }
0x68: {  	[tilespmem:v1+s11+$0x0] =	vst.idx.add.f32.msk $0xffff, v2  }
0x69: {  	v1 =	vld.idx.msk [tilespmem:v3+s2+$0x0], $0xffff  }
0x6a: {  	v2 =	vshrl.u32 v5, $0xF;
	v3 =	vld [tilespmem:s15+$0x40]  }
0x6b: {  	v16 =	vld [tilespmem:s15+$0xFFFFFF70];
	v5 =	vand.u32 $0x7FFF, v12  }
0x6c: {  	v17 =	vld [tilespmem:s15+$0xFFFFFF80];
	v18 =	vand.u32 $0x7FFF, v13  }
0x6d: {  	v20 =	vand.u32 $0x7FFF, v4;
	v19 =	vld [tilespmem:s15+$0x30]  }
0x6e: {  	v22 =	vand.u32 $0x7FFF, v8;
	v21 =	vld [tilespmem:s15+$0x20]  }
0x6f: {  	[tilespmem:v2+s11+$0x0] =	vst.idx.add.f32.msk $0xffff, v1;
	v23 =	vshrl.u32 v3, $0xF;
	v1 =	vand.u32 $0x7FFF, v3  }
0x70: {  	v3 =	vld.idx.msk [tilespmem:v5+s2+$0x0], $0xffff  }
0x71: {  	v12 =	vshrl.u32 v12, $0xF;
	v5 =	vld.idx.msk [tilespmem:v18+s2+$0x0], $0xffff  }
0x72: {  	v13 =	vshrl.u32 v13, $0xF;
	v18 =	vand.u32 $0x7FFF, v19;
	v20 =	vld.idx.msk [tilespmem:v20+s2+$0x0], $0xffff  }
0x73: {  	v4 =	vshrl.u32 v4, $0xF;
	v24 =	vshrl.u32 v21, $0xF;
	v21 =	vand.u32 $0x7FFF, v21;
	v22 =	vld.idx.msk [tilespmem:v22+s2+$0x0], $0xffff  }
0x74: {  	v25 =	vand.u32 $0x7FFF, v6;
	v26 =	vld.idx.msk [tilespmem:v1+s2+$0x0], $0xffff  }
0x75: {  	v8 =	vshrl.u32 v8, $0xF;
	v28 =	vand.u32 $0x7FFF, v10;
	v27 =	vld [tilespmem:s15+$0xFFFFFFA0]  }
0x76: {  	v29 =	vand.u32 $0x7FFF, v9;
	v2 =	vshrl.u32 v9, $0xF;
	[tilespmem:v12+s11+$0x0] =	vst.idx.add.f32.msk $0xffff, v3  }
0x77: {  	v30 =	vand.u32 $0x7FFF, v7;
	[tilespmem:v13+s11+$0x0] =	vst.idx.add.f32.msk $0xffff, v5  }
0x78: {  	v31 =	vand.u32 $0x7FFF, v15;
	v18 =	vld.idx.msk [tilespmem:v18+s2+$0x0], $0xffff  }
0x79: {  	v32 =	vand.u32 $0x7FFF, v11;
	v19 =	vshrl.u32 v19, $0xF;
	[tilespmem:v4+s11+$0x0] =	vst.idx.add.f32.msk $0xffff, v20  }
0x7a: {  	v1 =	vshrl.u32 v27, $0xF;
	v20 =	vand.u32 $0x7FFF, v27;
	v27 =	vshrl.u32 v6, $0xF;
	v21 =	vld.idx.msk [tilespmem:v21+s2+$0x0], $0xffff  }
0x7b: {  	v9 =	vand.u32 $0x7FFF, v14;
	v12 =	vshrl.u32 v10, $0xF;
	[tilespmem:v8+s11+$0x0] =	vst.idx.add.f32.msk $0xffff, v22  }
0x7c: {  	v5 =	vand.u32 $0x7FFF, v17;
	v22 =	vld.idx.msk [tilespmem:v25+s2+$0x0], $0xffff  }
0x7d: {  	v3 =	vshrl.u32 v16, $0xF;
	v10 =	vand.u32 $0x7FFF, v16;
	v25 =	vshrl.u32 v7, $0xF;
	[tilespmem:v23+s11+$0x0] =	vst.idx.add.f32.msk $0xffff, v26  }
0x7e: {  	v4 =	vld.idx.msk [tilespmem:v29+s2+$0x0], $0xffff  }
0x7f: {  	v8 =	vshrl.u32 v11, $0xF;
	v23 =	vld.idx.msk [tilespmem:v30+s2+$0x0], $0xffff  }
0x80: {  	v13 =	vld.idx.msk [tilespmem:v28+s2+$0x0], $0xffff  }
0x81: {  	v6 =	vld.idx.msk [tilespmem:v31+s2+$0x0], $0xffff  }
0x82: {  	v11 =	vshrl.u32 v17, $0xF;
	[tilespmem:v19+s11+$0x0] =	vst.idx.add.f32.msk $0xffff, v18  }
.Ltmp1:
0x83: {  	v7 =	vld.idx.msk [tilespmem:v32+s2+$0x0], $0xffff;
	(pc) =	sbr.rel @p0 .LBB2_5-.Ltmp1, $4  }
0x84: {  	[tilespmem:v24+s11+$0x0] =	vst.idx.add.f32.msk $0xffff, v21  }
0x85: {  	v14 =	vshrl.u32 v14, $0xF;
	[tilespmem:v27+s11+$0x0] =	vst.idx.add.f32.msk $0xffff, v22  }
0x86: {  	v16 =	vshrl.u32 v15, $0xF;
	[tilespmem:v25+s11+$0x0] =	vst.idx.add.f32.msk $0xffff, v23  }
0x87: {  	s17 =	sadd.s32 $0x140, s17;
	v15 =	vld.idx.msk [tilespmem:v20+s2+$0x0], $0xffff  }
0x88: {  	_ =	sdelay $0x3  }
0x89: {  	[tilespmem:v12+s11+$0x0] =	vst.idx.add.f32.msk $0xffff, v13  }
0x8a: {  	v9 =	vld.idx.msk [tilespmem:v9+s2+$0x0], $0xffff  }
0x8b: {  	[tilespmem:v2+s11+$0x0] =	vst.idx.add.f32.msk $0xffff, v4  }
0x8c: {  	v2 =	vld.idx.msk [tilespmem:v5+s2+$0x0], $0xffff  }
0x8d: {  	v63 =	vld.idx.msk [tilespmem:v10+s2+$0x0], $0xffff;
	s14 =	sadd.s32 $0x1, s14  }
0x8e: {  	[tilespmem:v16+s11+$0x0] =	vst.idx.add.f32.msk $0xffff, v6;
	p0 =	sne.s32 s14, $0x14  }
.Ltmp2:
0x8f: {  	[tilespmem:v8+s11+$0x0] =	vst.idx.add.f32.msk $0xffff, v7;
	(pc) =	sbr.rel @p0 .LBB2_4-.Ltmp2, $4  }
0x90: {  	[tilespmem:v1+s11+$0x0] =	vst.idx.add.f32.msk $0xffff, v15  }
0x91: {  	[tilespmem:v14+s11+$0x0] =	vst.idx.add.f32.msk $0xffff, v9  }
0x92: {  	[tilespmem:v11+s11+$0x0] =	vst.idx.add.f32.msk $0xffff, v2  }
0x93: {  	[tilespmem:v3+s11+$0x0] =	vst.idx.add.f32.msk $0xffff, v63  }
0x94: {  	s13 =	simm.s32 $0x0  }
0x95: {  	[hbm4b:s5+s13] =	stream.linear.scatter [tilespmem:s11], [sflag:$0x1], $0xC350, $0x38;
	[tilespmem:$0x1AE80] =	vst v63  }
0x96: {  	_ =	swait.ge [sflag:s9], $0xC350  }
0x97: {  	[sflag:s9] =	ssyncset.done $0x0  }
0x98: {  	[sflag:s9] =	ssyncadd.s32 $0xFFFF3CB0  }
0x99: {  	[tilespmem:s13], [sflag:$0x1] =	stream.linear.gather [hbm4b:s6+s13], $0x4E20, $0x38;
	[tilespmem:$0x1AE80] =	vst v63  }
0x9a: {  	_ =	swait.ge [sflag:s9], $0x4E20  }
0x9b: {  	[sflag:s9] =	ssyncset.done $0x0  }
0x9c: {  	s14 =	simm.s32 $0x40;
	s15 =	simm.s32 $0x0;
	[sflag:s9] =	ssyncadd.s32 $0xFFFFB1E0  }
.LBB2_8:
0x9d: {  	p0 =	sne.s32 s14, $0x30D00;
	[tilespmem:s15+$0x4E80] =	vst v0;
	s15 =	smov.u32 s14;
	s14 =	sadd.s32 $0x40, s14  }
.Ltmp3:
0x9e: {  	(pc) =	sbr.rel @p0 .LBB2_8-.Ltmp3, $2  }
0x9f: {  	_ =	sdelay $0x2  }
0xa0: {  	s15 =	sshra.s32 s15, $0x2  }
0xa1: {  	[tilespmem:s15+$0x4E80] =	vst v0  }
.LBB2_10:
0xa2: {  	s14 =	smul.u32 $0x1388, s13;
	_ =	sdelay $0x1  }
0xa3: {  	s15 =	simm.s32 $0x0;
	s14 =	sadd.s32 s3, s14  }
0xa4: {  	[tilespmem:s10], [sflag:$0x1] =	stream.linear.gather [hbm4b:s14+s15], $0x9C40, $0x38;
	[tilespmem:$0x1AE80] =	vst v63  }
0xa5: {  	_ =	swait.ge [sflag:s9], $0x9C40  }
0xa6: {  	[sflag:s9] =	ssyncset.done $0x0  }
0xa7: {  	s31 =	sand.u32 $0xFFC0, s15;
	[sflag:s9] =	ssyncadd.s32 $0xFFFF63C0  }
0xa8: {  	v1 =	vld [tilespmem:s31+$0x11280];
	_ =	sdelay $0x2  }
0xa9: {  	s14 =	simm.s32 $0x112A0;
	v3 =	vld [tilespmem:s31+$0x11300]  }
0xaa: {  	v15 =	vld [tilespmem:s14+$0xFFFFFFC0]  }
0xab: {  	v4 =	vld [tilespmem:s14+$0x70];
	v2 =	vand.u32 $0x7FFF, v1  }
0xac: {  	v5 =	vld [tilespmem:s14+$0xFFFFFF60]  }
0xad: {  	v6 =	vld [tilespmem:s14+$0x10]  }
0xae: {  	v8 =	vld [tilespmem:s14+$0x50]  }
0xaf: {  	v14 =	vld [tilespmem:s14+$0xFFFFFF90]  }
0xb0: {  	v1 =	vshrl.u32 v1, $0xF;
	v2 =	vld.idx.msk [tilespmem:v2+s2+$0x0], $0xffff  }
0xb1: {  	v11 =	vld [tilespmem:s14+$0xFFFFFFB0];
	v7 =	vand.u32 $0x7FFF, v3  }
0xb2: {  	v9 =	vld [tilespmem:s14+$0xFFFFFFF0]  }
0xb3: {  	v10 =	vld [tilespmem:s14+$0x0]  }
0xb4: {  	v12 =	vld [tilespmem:s14+$0x90]  }
0xb5: {  	[tilespmem:v1+s11+$0x0] =	vst.idx.add.f32.msk $0xffff, v2  }
0xb6: {  	v3 =	vshrl.u32 v3, $0xF;
	v1 =	vld.idx.msk [tilespmem:v7+s2+$0x0], $0xffff  }
0xb7: {  	v13 =	vld [tilespmem:s14+$0x80];
	v7 =	vand.u32 $0x7FFF, v5  }
0xb8: {  	v16 =	vld [tilespmem:s14+$0xFFFFFF70]  }
0xb9: {  	v17 =	vld [tilespmem:s14+$0xFFFFFF80]  }
0xba: {  	v19 =	vld [tilespmem:s14+$0x30]  }
0xbb: {  	v22 =	vand.u32 $0x7FFF, v8;
	[tilespmem:v3+s11+$0x0] =	vst.idx.add.f32.msk $0xffff, v1  }
0xbc: {  	v1 =	vld.idx.msk [tilespmem:v7+s2+$0x0], $0xffff  }
0xbd: {  	v3 =	vshrl.u32 v5, $0xF;
	v5 =	vld [tilespmem:s14+$0x40]  }
0xbe: {  	v21 =	vld [tilespmem:s14+$0x20];
	v7 =	vand.u32 $0x7FFF, v12  }
0xbf: {  	v24 =	vld [tilespmem:s14+$0xFFFFFFA0];
	v18 =	vand.u32 $0x7FFF, v13  }
0xc0: {  	v8 =	vshrl.u32 v8, $0xF;
	v22 =	vld.idx.msk [tilespmem:v22+s2+$0x0], $0xffff  }
0xc1: {  	v20 =	vand.u32 $0x7FFF, v4;
	v2 =	vld [tilespmem:s14+$0xFFFFFFD0]  }
0xc2: {  	[tilespmem:v3+s11+$0x0] =	vst.idx.add.f32.msk $0xffff, v1;
	v1 =	vand.u32 $0x7FFF, v5  }
0xc3: {  	v12 =	vshrl.u32 v12, $0xF;
	v3 =	vld.idx.msk [tilespmem:v7+s2+$0x0], $0xffff  }
0xc4: {  	v13 =	vshrl.u32 v13, $0xF;
	v7 =	vld.idx.msk [tilespmem:v18+s2+$0x0], $0xffff  }
0xc5: {  	v58 =	vand.u32 $0x7FFF, v19;
	[tilespmem:v8+s11+$0x0] =	vst.idx.add.f32.msk $0xffff, v22  }
0xc6: {  	v4 =	vshrl.u32 v4, $0xF;
	v18 =	vld.idx.msk [tilespmem:v20+s2+$0x0], $0xffff  }
0xc7: {  	v23 =	vand.u32 $0x7FFF, v21;
	v1 =	vld.idx.msk [tilespmem:v1+s2+$0x0], $0xffff  }
0xc8: {  	v8 =	vand.u32 $0x7FFF, v15;
	[tilespmem:v12+s11+$0x0] =	vst.idx.add.f32.msk $0xffff, v3  }
0xc9: {  	v3 =	vand.u32 $0x7FFF, v6;
	[tilespmem:v13+s11+$0x0] =	vst.idx.add.f32.msk $0xffff, v7  }
0xca: {  	v5 =	vshrl.u32 v5, $0xF;
	v7 =	vld.idx.msk [tilespmem:v58+s2+$0x0], $0xffff  }
0xcb: {  	v12 =	vand.u32 $0x7FFF, v9;
	[tilespmem:v4+s11+$0x0] =	vst.idx.add.f32.msk $0xffff, v18  }
0xcc: {  	v13 =	vand.u32 $0x7FFF, v2;
	v18 =	vld.idx.msk [tilespmem:v23+s2+$0x0], $0xffff  }
0xcd: {  	v59 =	vand.u32 $0x7FFF, v10;
	v61 =	vshrl.u32 v6, $0xF;
	v6 =	vld.idx.msk [tilespmem:v8+s2+$0x0], $0xffff  }
0xce: {  	v19 =	vshrl.u32 v19, $0xF;
	v3 =	vld.idx.msk [tilespmem:v3+s2+$0x0], $0xffff  }
0xcf: {  	[tilespmem:v5+s11+$0x0] =	vst.idx.add.f32.msk $0xffff, v1;
	v1 =	vand.u32 $0x7FFF, v11  }
0xd0: {  	v4 =	vld.idx.msk [tilespmem:v12+s2+$0x0], $0xffff;
	v5 =	vshrl.u32 v21, $0xF  }
0xd1: {  	v60 =	vld.idx.msk [tilespmem:v13+s2+$0x0], $0xffff  }
0xd2: {  	v62 =	vshrl.u32 v2, $0xF;
	v13 =	vld.idx.msk [tilespmem:v59+s2+$0x0], $0xffff  }
0xd3: {  	v63 =	vand.u32 $0x7FFF, v24;
	[tilespmem:v19+s11+$0x0] =	vst.idx.add.f32.msk $0xffff, v7  }
0xd4: {  	v12 =	vshrl.u32 v10, $0xF;
	v7 =	vld.idx.msk [tilespmem:v1+s2+$0x0], $0xffff  }
0xd5: {  	v2 =	vshrl.u32 v9, $0xF;
	v9 =	vand.u32 $0x7FFF, v14;
	[tilespmem:v5+s11+$0x0] =	vst.idx.add.f32.msk $0xffff, v18  }
0xd6: {  	v8 =	vshrl.u32 v11, $0xF;
	v14 =	vshrl.u32 v14, $0xF;
	[tilespmem:v61+s11+$0x0] =	vst.idx.add.f32.msk $0xffff, v3  }
0xd7: {  	v10 =	vand.u32 $0x7FFF, v16;
	v11 =	vshrl.u32 v17, $0xF;
	v1 =	vshrl.u32 v24, $0xF;
	[tilespmem:v62+s11+$0x0] =	vst.idx.add.f32.msk $0xffff, v60  }
0xd8: {  	s16 =	simm.s32 $0x140;
	s15 =	simm.s32 $0x0;
	v5 =	vand.u32 $0x7FFF, v17;
	v3 =	vshrl.u32 v16, $0xF;
	v16 =	vshrl.u32 v15, $0xF;
	v15 =	vld.idx.msk [tilespmem:v63+s2+$0x0], $0xffff  }
.LBB2_11:
0xd9: {  	s17 =	sand.u32 $0xFFC0, s16;
	s15 =	sadd.s32 $0x14, s15;
	[tilespmem:v12+s11+$0x0] =	vst.idx.add.f32.msk $0xffff, v13;
	s14 =	sadd.s32 $0x140, s14  }
0xda: {  	p0 =	slt.u32 s15, $0x9B0;
	v9 =	vld.idx.msk [tilespmem:v9+s2+$0x0], $0xffff  }
0xdb: {  	[tilespmem:v2+s11+$0x0] =	vst.idx.add.f32.msk $0xffff, v4  }
0xdc: {  	v2 =	vld [tilespmem:s17+$0x11280]  }
0xdd: {  	v4 =	vld.idx.msk [tilespmem:v5+s2+$0x0], $0xffff  }
0xde: {  	v5 =	vld.idx.msk [tilespmem:v10+s2+$0x0], $0xffff  }
0xdf: {  	[tilespmem:v16+s11+$0x0] =	vst.idx.add.f32.msk $0xffff, v6  }
0xe0: {  	[tilespmem:v14+s11+$0x0] =	vst.idx.add.f32.msk $0xffff, v9  }
0xe1: {  	v6 =	vand.u32 $0x7FFF, v2;
	[tilespmem:v8+s11+$0x0] =	vst.idx.add.f32.msk $0xffff, v7  }
0xe2: {  	[tilespmem:v1+s11+$0x0] =	vst.idx.add.f32.msk $0xffff, v15  }
0xe3: {  	[tilespmem:v11+s11+$0x0] =	vst.idx.add.f32.msk $0xffff, v4  }
0xe4: {  	[tilespmem:v3+s11+$0x0] =	vst.idx.add.f32.msk $0xffff, v5  }
0xe5: {  	v1 =	vld [tilespmem:s17+$0x11300]  }
0xe6: {  	v3 =	vld.idx.msk [tilespmem:v6+s2+$0x0], $0xffff  }
0xe7: {  	v2 =	vshrl.u32 v2, $0xF;
	v15 =	vld [tilespmem:s14+$0xFFFFFFC0]  }
0xe8: {  	v4 =	vld [tilespmem:s14+$0x70]  }
0xe9: {  	v5 =	vld [tilespmem:s14+$0xFFFFFF60]  }
0xea: {  	v6 =	vld [tilespmem:s14+$0x10];
	v7 =	vand.u32 $0x7FFF, v1  }
0xeb: {  	v8 =	vld [tilespmem:s14+$0x50]  }
0xec: {  	[tilespmem:v2+s11+$0x0] =	vst.idx.add.f32.msk $0xffff, v3  }
0xed: {  	v14 =	vld [tilespmem:s14+$0xFFFFFF90]  }
0xee: {  	v11 =	vld [tilespmem:s14+$0xFFFFFFB0]  }
0xef: {  	v2 =	vld.idx.msk [tilespmem:v7+s2+$0x0], $0xffff  }
0xf0: {  	v1 =	vshrl.u32 v1, $0xF;
	v7 =	vld [tilespmem:s14+$0xFFFFFFD0]  }
0xf1: {  	v3 =	vand.u32 $0x7FFF, v5;
	v9 =	vld [tilespmem:s14+$0xFFFFFFF0]  }
0xf2: {  	v10 =	vld [tilespmem:s14+$0x0]  }
0xf3: {  	v12 =	vld [tilespmem:s14+$0x90]  }
0xf4: {  	v13 =	vld [tilespmem:s14+$0x80]  }
0xf5: {  	[tilespmem:v1+s11+$0x0] =	vst.idx.add.f32.msk $0xffff, v2  }
0xf6: {  	v1 =	vld.idx.msk [tilespmem:v3+s2+$0x0], $0xffff  }
0xf7: {  	v2 =	vshrl.u32 v5, $0xF;
	v3 =	vld [tilespmem:s14+$0x40]  }
0xf8: {  	v16 =	vld [tilespmem:s14+$0xFFFFFF70];
	v5 =	vand.u32 $0x7FFF, v12  }
0xf9: {  	v17 =	vld [tilespmem:s14+$0xFFFFFF80];
	v18 =	vand.u32 $0x7FFF, v13  }
0xfa: {  	v20 =	vand.u32 $0x7FFF, v4;
	v19 =	vld [tilespmem:s14+$0x30]  }
0xfb: {  	v22 =	vand.u32 $0x7FFF, v8;
	v21 =	vld [tilespmem:s14+$0x20]  }
0xfc: {  	[tilespmem:v2+s11+$0x0] =	vst.idx.add.f32.msk $0xffff, v1;
	v23 =	vshrl.u32 v3, $0xF;
	v1 =	vand.u32 $0x7FFF, v3  }
0xfd: {  	v3 =	vld.idx.msk [tilespmem:v5+s2+$0x0], $0xffff  }
0xfe: {  	v12 =	vshrl.u32 v12, $0xF;
	v5 =	vld.idx.msk [tilespmem:v18+s2+$0x0], $0xffff  }
0xff: {  	v13 =	vshrl.u32 v13, $0xF;
	v18 =	vand.u32 $0x7FFF, v19;
	v20 =	vld.idx.msk [tilespmem:v20+s2+$0x0], $0xffff  }
0x100: {  	v4 =	vshrl.u32 v4, $0xF;
	v24 =	vshrl.u32 v21, $0xF;
	v21 =	vand.u32 $0x7FFF, v21;
	v22 =	vld.idx.msk [tilespmem:v22+s2+$0x0], $0xffff  }
0x101: {  	v25 =	vand.u32 $0x7FFF, v6;
	v26 =	vld.idx.msk [tilespmem:v1+s2+$0x0], $0xffff  }
0x102: {  	v8 =	vshrl.u32 v8, $0xF;
	v28 =	vand.u32 $0x7FFF, v10;
	v27 =	vld [tilespmem:s14+$0xFFFFFFA0]  }
0x103: {  	v29 =	vand.u32 $0x7FFF, v9;
	v2 =	vshrl.u32 v9, $0xF;
	[tilespmem:v12+s11+$0x0] =	vst.idx.add.f32.msk $0xffff, v3  }
0x104: {  	v30 =	vand.u32 $0x7FFF, v7;
	[tilespmem:v13+s11+$0x0] =	vst.idx.add.f32.msk $0xffff, v5  }
0x105: {  	v31 =	vand.u32 $0x7FFF, v15;
	v18 =	vld.idx.msk [tilespmem:v18+s2+$0x0], $0xffff  }
0x106: {  	v32 =	vand.u32 $0x7FFF, v11;
	v19 =	vshrl.u32 v19, $0xF;
	[tilespmem:v4+s11+$0x0] =	vst.idx.add.f32.msk $0xffff, v20  }
0x107: {  	v1 =	vshrl.u32 v27, $0xF;
	v20 =	vand.u32 $0x7FFF, v27;
	v27 =	vshrl.u32 v6, $0xF;
	v21 =	vld.idx.msk [tilespmem:v21+s2+$0x0], $0xffff  }
0x108: {  	v9 =	vand.u32 $0x7FFF, v14;
	v12 =	vshrl.u32 v10, $0xF;
	[tilespmem:v8+s11+$0x0] =	vst.idx.add.f32.msk $0xffff, v22  }
0x109: {  	v5 =	vand.u32 $0x7FFF, v17;
	v22 =	vld.idx.msk [tilespmem:v25+s2+$0x0], $0xffff  }
0x10a: {  	v3 =	vshrl.u32 v16, $0xF;
	v10 =	vand.u32 $0x7FFF, v16;
	v25 =	vshrl.u32 v7, $0xF;
	[tilespmem:v23+s11+$0x0] =	vst.idx.add.f32.msk $0xffff, v26  }
0x10b: {  	v4 =	vld.idx.msk [tilespmem:v29+s2+$0x0], $0xffff  }
0x10c: {  	v8 =	vshrl.u32 v11, $0xF;
	v23 =	vld.idx.msk [tilespmem:v30+s2+$0x0], $0xffff  }
0x10d: {  	v13 =	vld.idx.msk [tilespmem:v28+s2+$0x0], $0xffff  }
0x10e: {  	v6 =	vld.idx.msk [tilespmem:v31+s2+$0x0], $0xffff  }
0x10f: {  	v11 =	vshrl.u32 v17, $0xF;
	[tilespmem:v19+s11+$0x0] =	vst.idx.add.f32.msk $0xffff, v18  }
.Ltmp4:
0x110: {  	v7 =	vld.idx.msk [tilespmem:v32+s2+$0x0], $0xffff;
	(pc) =	sbr.rel @p0 .LBB2_11-.Ltmp4, $4  }
0x111: {  	[tilespmem:v24+s11+$0x0] =	vst.idx.add.f32.msk $0xffff, v21  }
0x112: {  	v14 =	vshrl.u32 v14, $0xF;
	[tilespmem:v27+s11+$0x0] =	vst.idx.add.f32.msk $0xffff, v22  }
0x113: {  	v16 =	vshrl.u32 v15, $0xF;
	[tilespmem:v25+s11+$0x0] =	vst.idx.add.f32.msk $0xffff, v23  }
0x114: {  	s16 =	sadd.s32 $0x140, s16;
	v15 =	vld.idx.msk [tilespmem:v20+s2+$0x0], $0xffff  }
0x115: {  	_ =	sdelay $0x3  }
0x116: {  	[tilespmem:v12+s11+$0x0] =	vst.idx.add.f32.msk $0xffff, v13  }
0x117: {  	v9 =	vld.idx.msk [tilespmem:v9+s2+$0x0], $0xffff  }
0x118: {  	[tilespmem:v2+s11+$0x0] =	vst.idx.add.f32.msk $0xffff, v4  }
0x119: {  	v2 =	vld.idx.msk [tilespmem:v5+s2+$0x0], $0xffff  }
0x11a: {  	v63 =	vld.idx.msk [tilespmem:v10+s2+$0x0], $0xffff;
	s13 =	sadd.s32 $0x1, s13  }
0x11b: {  	[tilespmem:v16+s11+$0x0] =	vst.idx.add.f32.msk $0xffff, v6;
	p0 =	sne.s32 s13, $0x14  }
.Ltmp5:
0x11c: {  	[tilespmem:v8+s11+$0x0] =	vst.idx.add.f32.msk $0xffff, v7;
	(pc) =	sbr.rel @p0 .LBB2_10-.Ltmp5, $4  }
0x11d: {  	[tilespmem:v1+s11+$0x0] =	vst.idx.add.f32.msk $0xffff, v15  }
0x11e: {  	[tilespmem:v14+s11+$0x0] =	vst.idx.add.f32.msk $0xffff, v9  }
0x11f: {  	[tilespmem:v11+s11+$0x0] =	vst.idx.add.f32.msk $0xffff, v2  }
0x120: {  	[tilespmem:v3+s11+$0x0] =	vst.idx.add.f32.msk $0xffff, v63  }
0x121: {  	s12 =	sadd.s32 $0x1, s12  }
0x122: {  	p0 =	sne.s32 s12, s8  }
.Ltmp6:
0x123: {  	_ = 	snop;
	(pc) =	sbr.rel @p0 .LBB2_1-.Ltmp6, $4  }
0x124: {  	[hbm4b:s7+s2] =	stream.linear.scatter [tilespmem:s11], [sflag:$0x1], $0xC350, $0x38;
	[tilespmem:$0x1AE80] =	vst v63  }
0x125: {  	_ =	swait.ge [sflag:s9], $0xC350  }
0x126: {  	[sflag:s9] =	ssyncset.done $0x0  }
0x127: {  	[sflag:s9] =	ssyncadd.s32 $0xFFFF3CB0  }
0x128: {  	_ =	sfence.sel $0x180000  }
0x129: {  	[bflag:$0x0] =	sbarrier.arrive $0xFFFF  }
0x12a: {  	p0 =	sne.s32 s1, $0x0;
	_ =	strace $0x9000004D  }
0x12b: {  	s0 =	sadd.s32 @!p0 $0x100000, s0;
	[bflag:$0x2] =	sbarrier.arrive $0xFFFF  }
0x12c: {  	[sflag:s0] =	ssyncadd.tile.s32 @!p0 $0x1;
	_ =	shalt  }
.Lfunc_end2:
_tile_overlayer_lowered:
.L_overlay_start_2:
0x12d: {  	(tag) =	ssettag $0x2  }
0x12e: {  	s0 =	rddreg [dreg:$0x0];
	s2 =	stileid.u32  }
0x12f: {  	s1 =	rddreg [dreg:$0x1];
	p0 =	sne.s32 s2, $0x0  }
0x130: {  	s3 =	rddreg [dreg:$0x2];
	[bflag:$0x3] =	sbarrier.arrive $0xFFFF;
	s2 =	simm.s32 @!p0 $0x1C01  }
0x131: {  	[timem:s3], [sflag:s2] =	dma.local @!p0 [hbm:s0], s1  }
0x132: {  	s0 =	simm.s32 @!p0 $0x1  }
0x133: {  	_ =	swait.ge @!p0 [sflag:s0], s1  }
0x134: {  	s1 =	ssub.s32 @!p0 $0x0, s1;
	[sflag:s0] =	ssyncset.done @!p0 $0x0  }
0x135: {  	[sflag:s0] =	ssyncadd.s32 @!p0 s1  }
0x136: {  	[bflag:$0x3] =	sbarrier.arrive $0xFFFF  }
0x137: {  	_ =	shalt  }

// kernel: kernel.22.cloned.1.call-start
scs
__scs_entry_jumppad:
0x0: {  	(pc) =	sbr.rel $0x88, $3  }
0x1: {  	(tag) =	ssettag $0x0;
	lr =	simm.s32 $0x1  }
0x2: {  	[smem:$0x3F96] =	sst lr;
	_ =	strace $0xD0000000  }
0x3: {  	_ = 	snop  }
0x4: {  	_ = 	snop  }
0x5: {  	_ = 	snop  }
0x6: {  	_ = 	snop  }
0x7: {  	_ = 	snop  }
__scs_overlays_trampoline_lowered:
0x8: {  	[smem:$0x3FA5] =	sst s0  }
0x9: {  	[smem:$0x3FA6] =	sst s1  }
0xa: {  	[smem:$0x3FA7] =	sst s2  }
0xb: {  	[smem:$0x3FA8] =	sst s3  }
0xc: {  	[smem:$0x3FA9] =	sst s4  }
0xd: {  	[smem:$0x3FAA] =	sst s5  }
0xe: {  	[smem:$0x3FAB] =	sst s6  }
0xf: {  	[smem:$0x3FAC] =	sst s7  }
0x10: {  	[smem:$0x3FAD] =	sst s8  }
0x11: {  	[smem:$0x3FAE] =	sst s9;
	s0 =	simm.s32 @!p0 $0x0  }
0x12: {  	s1 =	sld [smem:$0x3F94];
	s0 =	simm.s32 @p0 $0x1  }
0x13: {  	[smem:$0x3FAF] =	sst s0;
	s0 =	simm.s32 @!p1 $0x0  }
0x14: {  	s2 =	sld [smem:$0x3F93];
	s0 =	simm.s32 @p1 $0x1  }
0x15: {  	[smem:$0x3FB0] =	sst s0;
	s0 =	simm.s32 @!p2 $0x0  }
0x16: {  	s3 =	sld [smem:$0x3FDB];
	s0 =	simm.s32 @p2 $0x1  }
0x17: {  	s4 =	simm.s32 $0x1BF5;
	[smem:$0x3FB2] =	sst s0  }
0x18: {  	s0 =	sld [smem:$0x3F95];
	_ =	swait.ge [sflag:s4], $0x0  }
0x19: {  	s7 =	sld [smem:$0x3F96]  }
0x1a: {  	s8 =	sadd.s32 $0xFFFFE003, lr  }
0x1b: {  	s9 =	sadd.s32 $0xFFFFFEF7, lr;
	s5 =	simm.s32 $0xFFFFFFFF;
	p2 =	slt.u32 s8, $0xFFFFF086  }
0x1c: {  	p1 =	slt.u32 s9, $0xF7A;
	s5 =	simm.s32 @!p2 $0x0  }
0x1d: {  	s5 =	simm.s32 @p1 $0x1;
	p0 =	seq.s32 s7, s2  }
0x1e: {  	s7 =	smul.u32 @!p0 $0xF7A, s2;
	p2 =	seq.s32 @!p0 s5, $0x0  }
0x1f: {  	s9 =	smul.u32 $0xF7A, s1;
	s8 =	simm.s32 @!p0 $0x1BF5;
	p2 =	por !p2, p0  }
0x20: {  	[sflag:s8] =	ssyncset.s32 @!p0 $0xFFFFF086;
	s6 =	sadd.s32 @!p0 s3, s7;
	s7 =	simm.s32 @!p0 $0x108  }
0x21: {  	s3 =	sadd.s32 s3, s9;
	s6 =	sadd.s32 @!p0 $0x88, s6;
	s7 =	simm.s32 @p2 $0x1082  }
0x22: {  	[simem:s7], [sflag:s8] =	dma.local @!p0 [hbm:s6], $0xF7A  }
0x23: {  	s9 =	sor.u32 $0xD0000000, s2;
	s6 =	simm.s32 $0x108;
	_ =	swait.ge @!p0 [sflag:s8], $0x0  }
0x24: {  	s3 =	sadd.s32 $0x88, s3;
	s6 =	simm.s32 @!p1 $0x1082;
	[sflag:s4] =	ssyncset.s32 $0xFFFFF086  }
0x25: {  	[simem:s6], [sflag:s4] =	dma.local [hbm:s3], $0xF7A  }
0x26: {  	[smem:$0x3F96] =	sst s1;
	(tag) =	ssettag s2;
	_ =	strace s9  }
0x27: {  	s1 =	sld [smem:$0x3FA6]  }
0x28: {  	s2 =	sld [smem:$0x3FA7]  }
0x29: {  	s4 =	sld [smem:$0x3FA9]  }
0x2a: {  	p0 =	seq.s32 s5, $0x0;
	s5 =	sld [smem:$0x3FAA]  }
0x2b: {  	s6 =	sld [smem:$0x3FAB]  }
0x2c: {  	s7 =	sld [smem:$0x3FAC]  }
0x2d: {  	s3 =	simm.s32 $0x108;
	s8 =	sld [smem:$0x3FAD]  }
0x2e: {  	s3 =	simm.s32 @!p0 $0x1082;
	s9 =	sld [smem:$0x3FAE]  }
0x2f: {  	lr =	sadd.s32 s0, s3;
	s0 =	sld [smem:$0x3FA5]  }
0x30: {  	s3 =	sld [smem:$0x3FA8]  }
0x31: {  	[smem:$0x3FB1] =	sst s10  }
0x32: {  	s10 =	sld [smem:$0x3FAF];
	_ =	sdelay $0x3  }
0x33: {  	p0 =	seq.s32 s10, $0x1;
	s10 =	sld [smem:$0x3FB1];
	_ =	sdelay $0x3  }
0x34: {  	[smem:$0x3FB1] =	sst s10  }
0x35: {  	s10 =	sld [smem:$0x3FB0];
	_ =	sdelay $0x3  }
0x36: {  	p1 =	seq.s32 s10, $0x1;
	s10 =	sld [smem:$0x3FB1];
	_ =	sdelay $0x3  }
0x37: {  	[smem:$0x3FB1] =	sst s10  }
0x38: {  	s10 =	sld [smem:$0x3FB2]  }
0x39: {  	_ = 	snop;
	(pc) =	sbr.ind lr, $3  }
0x3a: {  	_ = 	snop  }
0x3b: {  	_ = 	snop  }
0x3c: {  	p2 =	seq.s32 s10, $0x1;
	s10 =	sld [smem:$0x3FB1]  }
0x3d: {  	_ =	shalt  }
0x3e: {  	_ =	shalt  }
0x3f: {  	_ =	shalt  }
0x40: {  	_ =	shalt  }
0x41: {  	_ =	shalt  }
0x42: {  	_ =	shalt  }
0x43: {  	_ =	shalt  }
0x44: {  	_ =	shalt  }
0x45: {  	_ =	shalt  }
0x46: {  	_ =	shalt  }
0x47: {  	_ =	shalt  }
0x48: {  	_ =	shalt  }
0x49: {  	_ =	shalt  }
0x4a: {  	_ =	shalt  }
0x4b: {  	_ =	shalt  }
0x4c: {  	_ =	shalt  }
0x4d: {  	_ =	shalt  }
0x4e: {  	_ =	shalt  }
0x4f: {  	_ =	shalt  }
0x50: {  	_ =	shalt  }
0x51: {  	_ =	shalt  }
0x52: {  	_ =	shalt  }
0x53: {  	_ =	shalt  }
0x54: {  	_ =	shalt  }
0x55: {  	_ =	shalt  }
0x56: {  	_ =	shalt  }
0x57: {  	_ =	shalt  }
0x58: {  	_ =	shalt  }
0x59: {  	_ =	shalt  }
0x5a: {  	_ =	shalt  }
0x5b: {  	_ =	shalt  }
0x5c: {  	_ =	shalt  }
0x5d: {  	_ =	shalt  }
0x5e: {  	_ =	shalt  }
0x5f: {  	_ =	shalt  }
0x60: {  	_ =	shalt  }
0x61: {  	_ =	shalt  }
0x62: {  	_ =	shalt  }
0x63: {  	_ =	shalt  }
0x64: {  	_ =	shalt  }
0x65: {  	_ =	shalt  }
0x66: {  	_ =	shalt  }
0x67: {  	_ =	shalt  }
0x68: {  	_ =	shalt  }
0x69: {  	_ =	shalt  }
0x6a: {  	_ =	shalt  }
0x6b: {  	_ =	shalt  }
0x6c: {  	_ =	shalt  }
0x6d: {  	_ =	shalt  }
0x6e: {  	_ =	shalt  }
0x6f: {  	_ =	shalt  }
0x70: {  	_ =	shalt  }
0x71: {  	_ =	shalt  }
0x72: {  	_ =	shalt  }
0x73: {  	_ =	shalt  }
0x74: {  	_ =	shalt  }
0x75: {  	_ =	shalt  }
0x76: {  	_ =	shalt  }
0x77: {  	_ =	shalt  }
0x78: {  	_ =	shalt  }
0x79: {  	_ =	shalt  }
0x7a: {  	_ =	shalt  }
0x7b: {  	_ =	shalt  }
0x7c: {  	_ =	shalt  }
0x7d: {  	_ =	shalt  }
0x7e: {  	_ =	shalt  }
0x7f: {  	_ =	shalt  }
0x80: {  	_ =	shalt  }
0x81: {  	_ =	shalt  }
0x82: {  	_ =	shalt  }
0x83: {  	_ =	shalt  }
0x84: {  	_ =	shalt  }
0x85: {  	_ =	shalt  }
0x86: {  	_ =	shalt  }
0x87: {  	_ =	shalt  }
.Lfunc_end0:
.L_simem_size_0:
called_computation.3_lowered:
.L_overlay_start_0:
0x88: {  	s2 =	sld [smem:$0x3FD9]  }
0x89: {  	s3 =	sld [smem:$0x3FFE];
	_ =	sdelay $0x1  }
0x8a: {  	s1 =	srdreg.scid  }
0x8b: {  	s0 =	sand.u32 $0x1, s1  }
0x8c: {  	s16 =	sshll.u32 s0, $0xA;
	s2 =	sadd.s32 s3, s2  }
0x8d: {  	s2 =	sadd.s32 s2, s16  }
0x8e: {  	[smem:$0x3FBD] =	sst s2  }
0x8f: {  	_ = 	snop  }
0x90: {  	(tm) =	ssettm $0x1  }
0x91: {  	s17 =	sld [smem:$0x3FFB];
	_ =	sdelay $0x3  }
0x92: {  	_ =	strace s17  }
0x93: {  	s2 =	sld [smem:$0x3FFC];
	_ =	sdelay $0x3  }
0x94: {  	_ =	strace s2  }
0x95: {  	s2 =	sld [smem:$0x3FFD];
	_ =	sdelay $0x3  }
0x96: {  	_ =	strace s2  }
0x97: {  	_ =	strace $0x8FFFFFFF  }
0x98: {  	s18 =	sld [smem:$0x3FDB];
	_ =	sdelay $0x1  }
0x99: {  	s19 =	simm.s32 $_scs_section_size  }
0x9a: {  	s4 =	simm.s32 $_size__tile_overlayer_lowered;
	s5 =	simm.s32 $_tile_overlayer_lowered  }
0x9b: {  	s22 =	simm.s32 $0x1BFF;
	s21 =	sshll.u32 s5, $0x1;
	s2 =	sadd.s32 s19, s18  }
0x9c: {  	s6 =	simm.s32 $0x0;
	s20 =	sshll.u32 s4, $0x1;
	s4 =	sadd.s32 s21, s2  }
0x9d: {  	[timem:s6], [sflag:s22] =	dma.local [hbm:s4], s20  }
0x9e: {  	_ =	swait.ge [sflag:s22], s20  }
0x9f: {  	s3 =	ssub.s32 $0x0, s20;
	[sflag:s22] =	ssyncset.done $0x0  }
0xa0: {  	[sflag:s22] =	ssyncadd.s32 s3;
	_ =	sdelay $0x1  }
0xa1: {  	s23 =	simm.s32 $0x1B8B  }
0xa2: {  	_ =	swait.ge [sflag:s23], $0x1  }
0xa3: {  	[sflag:s23] =	ssyncset.done $0x0  }
0xa4: {  	s25 =	simm.s32 $0x1B8E;
	s24 =	sld [smem:$0x3FFE];
	[sflag:s23] =	ssyncadd.s32 $0xFFFFFFFF  }
0xa5: {  	s26 =	simm.s32 $execute0_lowered;
	[smem:$0x3FD2] =	sst s25  }
0xa6: {  	s4 =	sshll.u32 s26, $0x1;
	_ =	strace $0x8000004F;
	[dreg:$0x1] =	wrdreg $0xFFFFFFFF  }
0xa7: {  	s28 =	simm.s32 $_size_execute0_lowered;
	s2 =	sadd.s32 s2, s4;
	[dreg:$0x0] =	wrdreg $0x0  }
0xa8: {  	s4 =	sshll.u32 s28, $0x1;
	[dreg:$0x2] =	wrdreg s2  }
0xa9: {  	[dreg:$0x3] =	wrdreg s4  }
0xaa: {  	[dreg:$0x4] =	wrdreg $0xC0  }
0xab: {  	_ =	task [dreg:s6], $0x5FFFF  }
0xac: {  	[dreg:$0x1] =	wrdreg $0xFFFFFFFF  }
0xad: {  	[dreg:$0x0] =	wrdreg $0x60  }
0xae: {  	[dreg:$0x2] =	wrdreg s24  }
0xaf: {  	[dreg:$0x3] =	wrdreg $0x9  }
0xb0: {  	_ =	task.clear_ibuf [dreg:s6], $0x4FFFF;
	_ =	strace $0x9000004F  }
0xb1: {  	s29 =	simm.s32 $0x9;
	_ =	strace $0x80000051  }
0xb2: {  	_ =	swait.ge [sflag:s29], $0x1  }
0xb3: {  	[sflag:s29] =	ssyncadd.s32 $0xFFFFFFFF  }
0xb4: {  	_ =	strace $0x90000051  }
0xb5: {  	_ =	sfence  }
0xb6: {  	s30 =	sld [smem:$0x0];
	_ =	sdelay $0x2  }
0xb7: {  	s31 =	sshll.u32 s1, $0xD;
	s1 =	sshrl.u32 s1, $0x2  }
0xb8: {  	s3 =	sand.u32 $0x4000, s31;
	s1 =	sadd.s32 s1, s30  }
0xb9: {  	s0 =	sor.u32 s3, s0;
	s1 =	sshll.u32 s1, $0x11  }
0xba: {  	s0 =	sor.u32 s1, s0  }
0xbb: {  	s0 =	sadd.s32 $0x8F2B, s0  }
0xbc: {  	[sflag:s0] =	ssyncadd.remote.s32 $0x1  }
0xbd: {  	_ =	sfence.sel $0xFFFF  }
0xbe: {  	[dreg:$0x0] =	wrdreg $0xFFFFFFFF;
	(pc) =	sbr.abs _section_cstart, $3  }
0xbf: {  	[dreg:$0x1] =	wrdreg $0xFFFFFFFF  }
0xc0: {  	_ =	task.clear_ibuf [dreg:s6], $0x2FFFF;
	_ =	strace $0x9FFFFFFF  }
0xc1: {  	(tm) =	ssettm $0x7FFFFFFF  }
tec
execute0_lowered:
.L_overlay_start_1:
0x0: {  	(tag) =	ssettag $0x1  }
0x1: {  	s4 =	rddreg [dreg:$0x0]  }
0x2: {  	s1 =	srdreg.scid;
	s0 =	rddreg [dreg:$0x1]  }
0x3: {  	s2 =	simm.s32 $0x0;
	s3 =	sand.u32 $0x1, s1;
	s1 =	stileid.u32  }
0x4: {  	[smem:$0x7FF] =	sst s2;
	s6 =	sadd.s32 $0x2C00, s4;
	s5 =	sshll.u32 s3, $0x4  }
0x5: {  	s12 =	sadd.s32 $0x64800, s4;
	_ =	strace $0x80000050;
	s5 =	sor.u32 s1, s5  }
0x6: {  	s8 =	ssub.s32 $0x2, s3;
	s3 =	sadd.s32 $0xC6400, s4;
	s7 =	smul.u32 $0x186A, s5  }
0x7: {  	s10 =	sshrl.u32 s8, $0x1;
	s9 =	smul.u32 $0x9C4, s5;
	s5 =	sor.u32 $0x20, s5  }
0x8: {  	s8 =	ssub.s32 s8, s10;
	s10 =	simm.s32 $0x11200;
	s11 =	smul.u32 $0x186A, s5  }
0x9: {  	s31 =	smul.u32 $0x9C4, s5;
	s8 =	smax.u32 s8, $0x1;
	s4 =	sadd.s32 s6, s7  }
0xa: {  	s5 =	sadd.s32 s12, s9;
	s9 =	simm.s32 $0x1;
	s6 =	sadd.s32 s6, s11  }
0xb: {  	v0 =	vimm.f32 $0.0e+00;
	s7 =	sadd.s32 s12, s31;
	s11 =	simm.s32 $0xC380;
	s12 =	simm.s32 $0x0  }
.LBB2_1:
0xc: {  	[tilespmem:s2], [sflag:$0x1] =	stream.linear.gather [hbm4b:s4+s2], $0xC350, $0x38;
	[tilespmem:$0x1AE80] =	vst v63  }
0xd: {  	_ =	swait.ge [sflag:s9], $0xC350  }
0xe: {  	[sflag:s9] =	ssyncset.done $0x0  }
0xf: {  	s13 =	simm.s32 $0x40;
	s14 =	simm.s32 $0x0;
	[sflag:s9] =	ssyncadd.s32 $0xFFFF3CB0  }
.LBB2_2:
0x10: {  	p0 =	sne.s32 s13, $0x13840;
	[tilespmem:s14+$0xC380] =	vst v0;
	s14 =	smov.u32 s13;
	s13 =	sadd.s32 $0x40, s13  }
.Ltmp0:
0x11: {  	(pc) =	sbr.rel @p0 .LBB2_2-.Ltmp0, $2  }
0x12: {  	_ =	sdelay $0x2  }
0x13: {  	s14 =	sshra.s32 s14, $0x2  }
0x14: {  	[tilespmem:s14+$0xC380] =	vst v0;
	s13 =	simm.s32 $0x0;
	s14 =	simm.s32 $0x0  }
.LBB2_4:
0x15: {  	s15 =	smul.u32 $0x1388, s14;
	_ =	sdelay $0x1  }
0x16: {  	s15 =	sadd.s32 s3, s15  }
0x17: {  	[tilespmem:s10], [sflag:$0x1] =	stream.linear.gather [hbm4b:s15+s13], $0x9C40, $0x38;
	[tilespmem:$0x1AE80] =	vst v63  }
0x18: {  	_ =	swait.ge [sflag:s9], $0x9C40  }
0x19: {  	[sflag:s9] =	ssyncset.done $0x0  }
0x1a: {  	s31 =	sand.u32 $0xFFC0, s13;
	[sflag:s9] =	ssyncadd.s32 $0xFFFF63C0  }
0x1b: {  	v1 =	vld [tilespmem:s31+$0x11280];
	_ =	sdelay $0x3  }
0x1c: {  	s15 =	simm.s32 $0x112A0;
	v3 =	vld [tilespmem:s31+$0x11300]  }
0x1d: {  	v14 =	vld [tilespmem:s15+$0xFFFFFF80];
	v2 =	vshrl.u32 v1, $0xF  }
0x1e: {  	v4 =	vld [tilespmem:s15+$0x10]  }
0x1f: {  	v5 =	vld [tilespmem:s15+$0xFFFFFF60]  }
0x20: {  	v6 =	vld [tilespmem:s15+$0xFFFFFF90]  }
0x21: {  	v8 =	vld [tilespmem:s15+$0xFFFFFFF0]  }
0x22: {  	v1 =	vand.u32 $0x7FFF, v1;
	v2 =	vld.idx.msk [tilespmem:v2+s2+$0x0], $0xffff  }
0x23: {  	v11 =	vld [tilespmem:s15+$0xFFFFFFB0];
	v7 =	vshrl.u32 v3, $0xF  }
0x24: {  	v10 =	vld [tilespmem:s15+$0x90]  }
0x25: {  	v12 =	vld [tilespmem:s15+$0x80]  }
0x26: {  	v13 =	vld [tilespmem:s15+$0x70]  }
0x27: {  	[tilespmem:v1+s11+$0x0] =	vst.idx.add.f32.msk $0xffff, v2  }
0x28: {  	v3 =	vand.u32 $0x7FFF, v3;
	v2 =	vld.idx.msk [tilespmem:v7+s2+$0x0], $0xffff  }
0x29: {  	v15 =	vld [tilespmem:s15+$0xFFFFFF70];
	v9 =	vshrl.u32 v5, $0xF  }
0x2a: {  	v16 =	vld [tilespmem:s15+$0xFFFFFFA0]  }
0x2b: {  	v17 =	vld [tilespmem:s15+$0x50]  }
0x2c: {  	v19 =	vld [tilespmem:s15+$0x40]  }
0x2d: {  	[tilespmem:v3+s11+$0x0] =	vst.idx.add.f32.msk $0xffff, v2;
	v3 =	vshrl.u32 v10, $0xF  }
0x2e: {  	v5 =	vand.u32 $0x7FFF, v5;
	v2 =	vld.idx.msk [tilespmem:v9+s2+$0x0], $0xffff  }
0x2f: {  	v20 =	vld [tilespmem:s15+$0x30]  }
0x30: {  	v22 =	vld [tilespmem:s15+$0xFFFFFFC0];
	v9 =	vshrl.u32 v12, $0xF  }
0x31: {  	v18 =	vshrl.u32 v13, $0xF;
	v1 =	vld [tilespmem:s15+$0x0]  }
0x32: {  	v3 =	vld.idx.msk [tilespmem:v3+s2+$0x0], $0xffff  }
0x33: {  	[tilespmem:v5+s11+$0x0] =	vst.idx.add.f32.msk $0xffff, v2;
	v2 =	vand.u32 $0x7FFF, v10  }
0x34: {  	v7 =	vld [tilespmem:s15+$0x20];
	v5 =	vshrl.u32 v17, $0xF  }
0x35: {  	v9 =	vld.idx.msk [tilespmem:v9+s2+$0x0], $0xffff;
	v10 =	vand.u32 $0x7FFF, v12  }
0x36: {  	v13 =	vand.u32 $0x7FFF, v13;
	v12 =	vld.idx.msk [tilespmem:v18+s2+$0x0], $0xffff  }
0x37: {  	v21 =	vshrl.u32 v19, $0xF;
	v18 =	vld [tilespmem:s15+$0xFFFFFFD0]  }
0x38: {  	v23 =	vshrl.u32 v20, $0xF;
	[tilespmem:v2+s11+$0x0] =	vst.idx.add.f32.msk $0xffff, v3  }
0x39: {  	v2 =	vshrl.u32 v4, $0xF;
	v3 =	vld.idx.msk [tilespmem:v5+s2+$0x0], $0xffff  }
0x3a: {  	v5 =	vshrl.u32 v7, $0xF;
	[tilespmem:v10+s11+$0x0] =	vst.idx.add.f32.msk $0xffff, v9  }
0x3b: {  	v9 =	vshrl.u32 v1, $0xF;
	[tilespmem:v13+s11+$0x0] =	vst.idx.add.f32.msk $0xffff, v12  }
0x3c: {  	v10 =	vand.u32 $0x7FFF, v17;
	v12 =	vld.idx.msk [tilespmem:v21+s2+$0x0], $0xffff  }
0x3d: {  	v13 =	vshrl.u32 v8, $0xF;
	v17 =	vld.idx.msk [tilespmem:v23+s2+$0x0], $0xffff  }
0x3e: {  	v19 =	vand.u32 $0x7FFF, v19;
	v62 =	vld.idx.msk [tilespmem:v2+s2+$0x0], $0xffff  }
0x3f: {  	v20 =	vand.u32 $0x7FFF, v20;
	v5 =	vld.idx.msk [tilespmem:v5+s2+$0x0], $0xffff  }
0x40: {  	v2 =	vshrl.u32 v18, $0xF;
	v63 =	vld.idx.msk [tilespmem:v9+s2+$0x0], $0xffff  }
0x41: {  	v9 =	vshrl.u32 v22, $0xF;
	[tilespmem:v10+s11+$0x0] =	vst.idx.add.f32.msk $0xffff, v3  }
0x42: {  	v10 =	vld.idx.msk [tilespmem:v13+s2+$0x0], $0xffff;
	v13 =	vand.u32 $0x7FFF, v4  }
0x43: {  	v3 =	vand.u32 $0x7FFF, v7;
	[tilespmem:v19+s11+$0x0] =	vst.idx.add.f32.msk $0xffff, v12  }
0x44: {  	v12 =	vshrl.u32 v11, $0xF;
	[tilespmem:v20+s11+$0x0] =	vst.idx.add.f32.msk $0xffff, v17  }
0x45: {  	v19 =	vand.u32 $0x7FFF, v1;
	v7 =	vld.idx.msk [tilespmem:v2+s2+$0x0], $0xffff  }
0x46: {  	v17 =	vshrl.u32 v16, $0xF;
	v9 =	vld.idx.msk [tilespmem:v9+s2+$0x0], $0xffff  }
0x47: {  	[tilespmem:v13+s11+$0x0] =	vst.idx.add.f32.msk $0xffff, v62;
	v13 =	vshrl.u32 v6, $0xF  }
0x48: {  	v4 =	vand.u32 $0x7FFF, v8;
	[tilespmem:v3+s11+$0x0] =	vst.idx.add.f32.msk $0xffff, v5  }
0x49: {  	v1 =	vand.u32 $0x7FFF, v22;
	v3 =	vand.u32 $0x7FFF, v16;
	v16 =	vld.idx.msk [tilespmem:v12+s2+$0x0], $0xffff;
	v12 =	vshrl.u32 v14, $0xF  }
0x4a: {  	v8 =	vand.u32 $0x7FFF, v6;
	v2 =	vand.u32 $0x7FFF, v18;
	v5 =	vand.u32 $0x7FFF, v11;
	[tilespmem:v19+s11+$0x0] =	vst.idx.add.f32.msk $0xffff, v63  }
0x4b: {  	s16 =	simm.s32 $0x0;
	s17 =	simm.s32 $0x140;
	v11 =	vshrl.u32 v15, $0xF;
	v6 =	vand.u32 $0x7FFF, v15;
	v14 =	vand.u32 $0x7FFF, v14;
	v15 =	vld.idx.msk [tilespmem:v17+s2+$0x0], $0xffff  }
.LBB2_5:
0x4c: {  	s18 =	sand.u32 $0xFFC0, s17;
	s16 =	sadd.s32 $0x14, s16;
	v13 =	vld.idx.msk [tilespmem:v13+s2+$0x0], $0xffff;
	s15 =	sadd.s32 $0x140, s15  }
0x4d: {  	p0 =	slt.u32 s16, $0x9B0;
	[tilespmem:v4+s11+$0x0] =	vst.idx.add.f32.msk $0xffff, v10  }
0x4e: {  	v4 =	vld.idx.msk [tilespmem:v12+s2+$0x0], $0xffff  }
0x4f: {  	v10 =	vld [tilespmem:s18+$0x11280]  }
0x50: {  	[tilespmem:v5+s11+$0x0] =	vst.idx.add.f32.msk $0xffff, v16  }
0x51: {  	v5 =	vld.idx.msk [tilespmem:v11+s2+$0x0], $0xffff  }
0x52: {  	[tilespmem:v8+s11+$0x0] =	vst.idx.add.f32.msk $0xffff, v13  }
0x53: {  	[tilespmem:v2+s11+$0x0] =	vst.idx.add.f32.msk $0xffff, v7  }
0x54: {  	v2 =	vshrl.u32 v10, $0xF;
	[tilespmem:v14+s11+$0x0] =	vst.idx.add.f32.msk $0xffff, v4  }
0x55: {  	[tilespmem:v1+s11+$0x0] =	vst.idx.add.f32.msk $0xffff, v9  }
0x56: {  	[tilespmem:v3+s11+$0x0] =	vst.idx.add.f32.msk $0xffff, v15  }
0x57: {  	[tilespmem:v6+s11+$0x0] =	vst.idx.add.f32.msk $0xffff, v5  }
0x58: {  	v1 =	vld [tilespmem:s18+$0x11300]  }
0x59: {  	v2 =	vld.idx.msk [tilespmem:v2+s2+$0x0], $0xffff  }
0x5a: {  	v3 =	vand.u32 $0x7FFF, v10;
	v9 =	vld [tilespmem:s15+$0xFFFFFF80]  }
0x5b: {  	v6 =	vld [tilespmem:s15+$0x10]  }
0x5c: {  	v4 =	vld [tilespmem:s15+$0xFFFFFF60]  }
0x5d: {  	v7 =	vld [tilespmem:s15+$0xFFFFFF90];
	v5 =	vshrl.u32 v1, $0xF  }
0x5e: {  	v8 =	vld [tilespmem:s15+$0xFFFFFFF0]  }
0x5f: {  	[tilespmem:v3+s11+$0x0] =	vst.idx.add.f32.msk $0xffff, v2  }
0x60: {  	v3 =	vld [tilespmem:s15+$0xFFFFFFB0]  }
0x61: {  	v10 =	vld [tilespmem:s15+$0x0]  }
0x62: {  	v2 =	vld.idx.msk [tilespmem:v5+s2+$0x0], $0xffff  }
0x63: {  	v1 =	vand.u32 $0x7FFF, v1;
	v5 =	vld [tilespmem:s15+$0x20]  }
0x64: {  	v11 =	vshrl.u32 v4, $0xF;
	v12 =	vld [tilespmem:s15+$0x90]  }
0x65: {  	v13 =	vld [tilespmem:s15+$0x80]  }
0x66: {  	v14 =	vld [tilespmem:s15+$0x70]  }
0x67: {  	v15 =	vld [tilespmem:s15+$0xFFFFFF70]  }
0x68: {  	[tilespmem:v1+s11+$0x0] =	vst.idx.add.f32.msk $0xffff, v2  }
0x69: {  	v1 =	vld.idx.msk [tilespmem:v11+s2+$0x0], $0xffff;
	v2 =	vshrl.u32 v12, $0xF  }
0x6a: {  	v4 =	vand.u32 $0x7FFF, v4;
	v11 =	vld [tilespmem:s15+$0xFFFFFFA0];
	v16 =	vshrl.u32 v13, $0xF  }
0x6b: {  	v17 =	vld [tilespmem:s15+$0x50];
	v18 =	vshrl.u32 v14, $0xF  }
0x6c: {  	v19 =	vld [tilespmem:s15+$0x40]  }
0x6d: {  	v20 =	vld [tilespmem:s15+$0x30]  }
0x6e: {  	v2 =	vld.idx.msk [tilespmem:v2+s2+$0x0], $0xffff  }
0x6f: {  	[tilespmem:v4+s11+$0x0] =	vst.idx.add.f32.msk $0xffff, v1;
	v1 =	vand.u32 $0x7FFF, v12  }
0x70: {  	v13 =	vand.u32 $0x7FFF, v13;
	v4 =	vshrl.u32 v17, $0xF;
	v12 =	vld.idx.msk [tilespmem:v16+s2+$0x0], $0xffff  }
0x71: {  	v14 =	vand.u32 $0x7FFF, v14;
	v16 =	vshrl.u32 v19, $0xF;
	v18 =	vld.idx.msk [tilespmem:v18+s2+$0x0], $0xffff  }
0x72: {  	v21 =	vld [tilespmem:s15+$0xFFFFFFD0];
	v22 =	vshrl.u32 v20, $0xF  }
0x73: {  	v24 =	vshrl.u32 v5, $0xF;
	v25 =	vand.u32 $0x7FFF, v5;
	v23 =	vld [tilespmem:s15+$0xFFFFFFC0]  }
0x74: {  	v26 =	vshrl.u32 v6, $0xF;
	[tilespmem:v1+s11+$0x0] =	vst.idx.add.f32.msk $0xffff, v2  }
0x75: {  	v27 =	vshrl.u32 v10, $0xF;
	v28 =	vld.idx.msk [tilespmem:v4+s2+$0x0], $0xffff  }
0x76: {  	v29 =	vshrl.u32 v8, $0xF;
	v17 =	vand.u32 $0x7FFF, v17;
	v4 =	vand.u32 $0x7FFF, v8;
	[tilespmem:v13+s11+$0x0] =	vst.idx.add.f32.msk $0xffff, v12  }
0x77: {  	v30 =	vshrl.u32 v21, $0xF;
	v2 =	vand.u32 $0x7FFF, v21;
	[tilespmem:v14+s11+$0x0] =	vst.idx.add.f32.msk $0xffff, v18  }
0x78: {  	v18 =	vshrl.u32 v23, $0xF;
	v1 =	vand.u32 $0x7FFF, v23;
	v14 =	vld.idx.msk [tilespmem:v16+s2+$0x0], $0xffff;
	v16 =	vand.u32 $0x7FFF, v19  }
0x79: {  	v5 =	vand.u32 $0x7FFF, v3;
	v20 =	vand.u32 $0x7FFF, v20;
	v19 =	vshrl.u32 v3, $0xF;
	v21 =	vld.idx.msk [tilespmem:v22+s2+$0x0], $0xffff  }
0x7a: {  	v3 =	vand.u32 $0x7FFF, v11;
	v22 =	vshrl.u32 v11, $0xF;
	v23 =	vld.idx.msk [tilespmem:v26+s2+$0x0], $0xffff;
	v26 =	vand.u32 $0x7FFF, v6  }
0x7b: {  	v31 =	vand.u32 $0x7FFF, v10;
	v8 =	vand.u32 $0x7FFF, v7;
	v13 =	vshrl.u32 v7, $0xF;
	v24 =	vld.idx.msk [tilespmem:v24+s2+$0x0], $0xffff  }
0x7c: {  	v12 =	vshrl.u32 v9, $0xF;
	v27 =	vld.idx.msk [tilespmem:v27+s2+$0x0], $0xffff  }
0x7d: {  	v11 =	vshrl.u32 v15, $0xF;
	v6 =	vand.u32 $0x7FFF, v15;
	[tilespmem:v17+s11+$0x0] =	vst.idx.add.f32.msk $0xffff, v28  }
0x7e: {  	v10 =	vld.idx.msk [tilespmem:v29+s2+$0x0], $0xffff  }
0x7f: {  	[tilespmem:v16+s11+$0x0] =	vst.idx.add.f32.msk $0xffff, v14  }
0x80: {  	v7 =	vld.idx.msk [tilespmem:v30+s2+$0x0], $0xffff  }
0x81: {  	[tilespmem:v20+s11+$0x0] =	vst.idx.add.f32.msk $0xffff, v21  }
0x82: {  	v14 =	vand.u32 $0x7FFF, v9;
	v9 =	vld.idx.msk [tilespmem:v18+s2+$0x0], $0xffff  }
.Ltmp1:
0x83: {  	[tilespmem:v25+s11+$0x0] =	vst.idx.add.f32.msk $0xffff, v24;
	(pc) =	sbr.rel @p0 .LBB2_5-.Ltmp1, $4  }
0x84: {  	[tilespmem:v26+s11+$0x0] =	vst.idx.add.f32.msk $0xffff, v23  }
0x85: {  	v16 =	vld.idx.msk [tilespmem:v19+s2+$0x0], $0xffff  }
0x86: {  	[tilespmem:v31+s11+$0x0] =	vst.idx.add.f32.msk $0xffff, v27  }
0x87: {  	s17 =	sadd.s32 $0x140, s17;
	v15 =	vld.idx.msk [tilespmem:v22+s2+$0x0], $0xffff  }
0x88: {  	_ =	sdelay $0x3  }
0x89: {  	v13 =	vld.idx.msk [tilespmem:v13+s2+$0x0], $0xffff  }
0x8a: {  	[tilespmem:v4+s11+$0x0] =	vst.idx.add.f32.msk $0xffff, v10  }
0x8b: {  	v62 =	vld.idx.msk [tilespmem:v12+s2+$0x0], $0xffff  }
0x8c: {  	v63 =	vld.idx.msk [tilespmem:v11+s2+$0x0], $0xffff  }
0x8d: {  	[tilespmem:v2+s11+$0x0] =	vst.idx.add.f32.msk $0xffff, v7;
	s14 =	sadd.s32 $0x1, s14  }
0x8e: {  	[tilespmem:v1+s11+$0x0] =	vst.idx.add.f32.msk $0xffff, v9;
	p0 =	sne.s32 s14, $0x14  }
.Ltmp2:
0x8f: {  	[tilespmem:v5+s11+$0x0] =	vst.idx.add.f32.msk $0xffff, v16;
	(pc) =	sbr.rel @p0 .LBB2_4-.Ltmp2, $4  }
0x90: {  	[tilespmem:v3+s11+$0x0] =	vst.idx.add.f32.msk $0xffff, v15  }
0x91: {  	[tilespmem:v8+s11+$0x0] =	vst.idx.add.f32.msk $0xffff, v13  }
0x92: {  	[tilespmem:v14+s11+$0x0] =	vst.idx.add.f32.msk $0xffff, v62  }
0x93: {  	[tilespmem:v6+s11+$0x0] =	vst.idx.add.f32.msk $0xffff, v63  }
0x94: {  	s13 =	simm.s32 $0x0  }
0x95: {  	[hbm4b:s5+s13] =	stream.linear.scatter [tilespmem:s11], [sflag:$0x1], $0x4E20, $0x38;
	[tilespmem:$0x1AE80] =	vst v63  }
0x96: {  	_ =	swait.ge [sflag:s9], $0x4E20  }
0x97: {  	[sflag:s9] =	ssyncset.done $0x0  }
0x98: {  	[sflag:s9] =	ssyncadd.s32 $0xFFFFB1E0  }
0x99: {  	[tilespmem:s13], [sflag:$0x1] =	stream.linear.gather [hbm4b:s6+s13], $0xC350, $0x38;
	[tilespmem:$0x1AE80] =	vst v63  }
0x9a: {  	_ =	swait.ge [sflag:s9], $0xC350  }
0x9b: {  	[sflag:s9] =	ssyncset.done $0x0  }
0x9c: {  	s14 =	simm.s32 $0x40;
	s15 =	simm.s32 $0x0;
	[sflag:s9] =	ssyncadd.s32 $0xFFFF3CB0  }
.LBB2_8:
0x9d: {  	p0 =	sne.s32 s14, $0x13840;
	[tilespmem:s15+$0xC380] =	vst v0;
	s15 =	smov.u32 s14;
	s14 =	sadd.s32 $0x40, s14  }
.Ltmp3:
0x9e: {  	(pc) =	sbr.rel @p0 .LBB2_8-.Ltmp3, $2  }
0x9f: {  	_ =	sdelay $0x2  }
0xa0: {  	s15 =	sshra.s32 s15, $0x2  }
0xa1: {  	[tilespmem:s15+$0xC380] =	vst v0  }
.LBB2_10:
0xa2: {  	s14 =	smul.u32 $0x1388, s13;
	_ =	sdelay $0x1  }
0xa3: {  	s15 =	simm.s32 $0x0;
	s14 =	sadd.s32 s3, s14  }
0xa4: {  	[tilespmem:s10], [sflag:$0x1] =	stream.linear.gather [hbm4b:s14+s15], $0x9C40, $0x38;
	[tilespmem:$0x1AE80] =	vst v63  }
0xa5: {  	_ =	swait.ge [sflag:s9], $0x9C40  }
0xa6: {  	[sflag:s9] =	ssyncset.done $0x0  }
0xa7: {  	s31 =	sand.u32 $0xFFC0, s15;
	[sflag:s9] =	ssyncadd.s32 $0xFFFF63C0  }
0xa8: {  	v1 =	vld [tilespmem:s31+$0x11280];
	_ =	sdelay $0x3  }
0xa9: {  	s14 =	simm.s32 $0x112A0;
	v3 =	vld [tilespmem:s31+$0x11300]  }
0xaa: {  	v14 =	vld [tilespmem:s14+$0xFFFFFF80];
	v2 =	vshrl.u32 v1, $0xF  }
0xab: {  	v4 =	vld [tilespmem:s14+$0x10]  }
0xac: {  	v5 =	vld [tilespmem:s14+$0xFFFFFF60]  }
0xad: {  	v6 =	vld [tilespmem:s14+$0xFFFFFF90]  }
0xae: {  	v8 =	vld [tilespmem:s14+$0xFFFFFFF0]  }
0xaf: {  	v1 =	vand.u32 $0x7FFF, v1;
	v2 =	vld.idx.msk [tilespmem:v2+s2+$0x0], $0xffff  }
0xb0: {  	v11 =	vld [tilespmem:s14+$0xFFFFFFB0];
	v7 =	vshrl.u32 v3, $0xF  }
0xb1: {  	v10 =	vld [tilespmem:s14+$0x90]  }
0xb2: {  	v12 =	vld [tilespmem:s14+$0x80]  }
0xb3: {  	v13 =	vld [tilespmem:s14+$0x70]  }
0xb4: {  	[tilespmem:v1+s11+$0x0] =	vst.idx.add.f32.msk $0xffff, v2  }
0xb5: {  	v3 =	vand.u32 $0x7FFF, v3;
	v2 =	vld.idx.msk [tilespmem:v7+s2+$0x0], $0xffff  }
0xb6: {  	v15 =	vld [tilespmem:s14+$0xFFFFFF70];
	v9 =	vshrl.u32 v5, $0xF  }
0xb7: {  	v16 =	vld [tilespmem:s14+$0xFFFFFFA0]  }
0xb8: {  	v17 =	vld [tilespmem:s14+$0x50]  }
0xb9: {  	v19 =	vld [tilespmem:s14+$0x40]  }
0xba: {  	[tilespmem:v3+s11+$0x0] =	vst.idx.add.f32.msk $0xffff, v2;
	v3 =	vshrl.u32 v10, $0xF  }
0xbb: {  	v5 =	vand.u32 $0x7FFF, v5;
	v2 =	vld.idx.msk [tilespmem:v9+s2+$0x0], $0xffff  }
0xbc: {  	v20 =	vld [tilespmem:s14+$0x30]  }
0xbd: {  	v22 =	vld [tilespmem:s14+$0xFFFFFFC0];
	v9 =	vshrl.u32 v12, $0xF  }
0xbe: {  	v18 =	vshrl.u32 v13, $0xF;
	v1 =	vld [tilespmem:s14+$0x0]  }
0xbf: {  	v3 =	vld.idx.msk [tilespmem:v3+s2+$0x0], $0xffff  }
0xc0: {  	[tilespmem:v5+s11+$0x0] =	vst.idx.add.f32.msk $0xffff, v2;
	v2 =	vand.u32 $0x7FFF, v10  }
0xc1: {  	v7 =	vld [tilespmem:s14+$0x20];
	v5 =	vshrl.u32 v17, $0xF  }
0xc2: {  	v9 =	vld.idx.msk [tilespmem:v9+s2+$0x0], $0xffff;
	v10 =	vand.u32 $0x7FFF, v12  }
0xc3: {  	v13 =	vand.u32 $0x7FFF, v13;
	v12 =	vld.idx.msk [tilespmem:v18+s2+$0x0], $0xffff  }
0xc4: {  	v21 =	vshrl.u32 v19, $0xF;
	v18 =	vld [tilespmem:s14+$0xFFFFFFD0]  }
0xc5: {  	v23 =	vshrl.u32 v20, $0xF;
	[tilespmem:v2+s11+$0x0] =	vst.idx.add.f32.msk $0xffff, v3  }
0xc6: {  	v2 =	vshrl.u32 v4, $0xF;
	v3 =	vld.idx.msk [tilespmem:v5+s2+$0x0], $0xffff  }
0xc7: {  	v5 =	vshrl.u32 v7, $0xF;
	[tilespmem:v10+s11+$0x0] =	vst.idx.add.f32.msk $0xffff, v9  }
0xc8: {  	v9 =	vshrl.u32 v1, $0xF;
	[tilespmem:v13+s11+$0x0] =	vst.idx.add.f32.msk $0xffff, v12  }
0xc9: {  	v10 =	vand.u32 $0x7FFF, v17;
	v12 =	vld.idx.msk [tilespmem:v21+s2+$0x0], $0xffff  }
0xca: {  	v13 =	vshrl.u32 v8, $0xF;
	v17 =	vld.idx.msk [tilespmem:v23+s2+$0x0], $0xffff  }
0xcb: {  	v19 =	vand.u32 $0x7FFF, v19;
	v62 =	vld.idx.msk [tilespmem:v2+s2+$0x0], $0xffff  }
0xcc: {  	v20 =	vand.u32 $0x7FFF, v20;
	v5 =	vld.idx.msk [tilespmem:v5+s2+$0x0], $0xffff  }
0xcd: {  	v2 =	vshrl.u32 v18, $0xF;
	v63 =	vld.idx.msk [tilespmem:v9+s2+$0x0], $0xffff  }
0xce: {  	v9 =	vshrl.u32 v22, $0xF;
	[tilespmem:v10+s11+$0x0] =	vst.idx.add.f32.msk $0xffff, v3  }
0xcf: {  	v10 =	vld.idx.msk [tilespmem:v13+s2+$0x0], $0xffff;
	v13 =	vand.u32 $0x7FFF, v4  }
0xd0: {  	v3 =	vand.u32 $0x7FFF, v7;
	[tilespmem:v19+s11+$0x0] =	vst.idx.add.f32.msk $0xffff, v12  }
0xd1: {  	v12 =	vshrl.u32 v11, $0xF;
	[tilespmem:v20+s11+$0x0] =	vst.idx.add.f32.msk $0xffff, v17  }
0xd2: {  	v19 =	vand.u32 $0x7FFF, v1;
	v7 =	vld.idx.msk [tilespmem:v2+s2+$0x0], $0xffff  }
0xd3: {  	v17 =	vshrl.u32 v16, $0xF;
	v9 =	vld.idx.msk [tilespmem:v9+s2+$0x0], $0xffff  }
0xd4: {  	[tilespmem:v13+s11+$0x0] =	vst.idx.add.f32.msk $0xffff, v62;
	v13 =	vshrl.u32 v6, $0xF  }
0xd5: {  	v4 =	vand.u32 $0x7FFF, v8;
	[tilespmem:v3+s11+$0x0] =	vst.idx.add.f32.msk $0xffff, v5  }
0xd6: {  	v1 =	vand.u32 $0x7FFF, v22;
	v3 =	vand.u32 $0x7FFF, v16;
	v16 =	vld.idx.msk [tilespmem:v12+s2+$0x0], $0xffff;
	v12 =	vshrl.u32 v14, $0xF  }
0xd7: {  	v8 =	vand.u32 $0x7FFF, v6;
	v2 =	vand.u32 $0x7FFF, v18;
	v5 =	vand.u32 $0x7FFF, v11;
	[tilespmem:v19+s11+$0x0] =	vst.idx.add.f32.msk $0xffff, v63  }
0xd8: {  	s16 =	simm.s32 $0x140;
	s15 =	simm.s32 $0x0;
	v11 =	vshrl.u32 v15, $0xF;
	v6 =	vand.u32 $0x7FFF, v15;
	v14 =	vand.u32 $0x7FFF, v14;
	v15 =	vld.idx.msk [tilespmem:v17+s2+$0x0], $0xffff  }
.LBB2_11:
0xd9: {  	s17 =	sand.u32 $0xFFC0, s16;
	s15 =	sadd.s32 $0x14, s15;
	v13 =	vld.idx.msk [tilespmem:v13+s2+$0x0], $0xffff;
	s14 =	sadd.s32 $0x140, s14  }
0xda: {  	p0 =	slt.u32 s15, $0x9B0;
	[tilespmem:v4+s11+$0x0] =	vst.idx.add.f32.msk $0xffff, v10  }
0xdb: {  	v4 =	vld.idx.msk [tilespmem:v12+s2+$0x0], $0xffff  }
0xdc: {  	v10 =	vld [tilespmem:s17+$0x11280]  }
0xdd: {  	[tilespmem:v5+s11+$0x0] =	vst.idx.add.f32.msk $0xffff, v16  }
0xde: {  	v5 =	vld.idx.msk [tilespmem:v11+s2+$0x0], $0xffff  }
0xdf: {  	[tilespmem:v8+s11+$0x0] =	vst.idx.add.f32.msk $0xffff, v13  }
0xe0: {  	[tilespmem:v2+s11+$0x0] =	vst.idx.add.f32.msk $0xffff, v7  }
0xe1: {  	v2 =	vshrl.u32 v10, $0xF;
	[tilespmem:v14+s11+$0x0] =	vst.idx.add.f32.msk $0xffff, v4  }
0xe2: {  	[tilespmem:v1+s11+$0x0] =	vst.idx.add.f32.msk $0xffff, v9  }
0xe3: {  	[tilespmem:v3+s11+$0x0] =	vst.idx.add.f32.msk $0xffff, v15  }
0xe4: {  	[tilespmem:v6+s11+$0x0] =	vst.idx.add.f32.msk $0xffff, v5  }
0xe5: {  	v1 =	vld [tilespmem:s17+$0x11300]  }
0xe6: {  	v2 =	vld.idx.msk [tilespmem:v2+s2+$0x0], $0xffff  }
0xe7: {  	v3 =	vand.u32 $0x7FFF, v10;
	v9 =	vld [tilespmem:s14+$0xFFFFFF80]  }
0xe8: {  	v6 =	vld [tilespmem:s14+$0x10]  }
0xe9: {  	v4 =	vld [tilespmem:s14+$0xFFFFFF60]  }
0xea: {  	v7 =	vld [tilespmem:s14+$0xFFFFFF90];
	v5 =	vshrl.u32 v1, $0xF  }
0xeb: {  	v8 =	vld [tilespmem:s14+$0xFFFFFFF0]  }
0xec: {  	[tilespmem:v3+s11+$0x0] =	vst.idx.add.f32.msk $0xffff, v2  }
0xed: {  	v3 =	vld [tilespmem:s14+$0xFFFFFFB0]  }
0xee: {  	v10 =	vld [tilespmem:s14+$0x0]  }
0xef: {  	v2 =	vld.idx.msk [tilespmem:v5+s2+$0x0], $0xffff  }
0xf0: {  	v1 =	vand.u32 $0x7FFF, v1;
	v5 =	vld [tilespmem:s14+$0x20]  }
0xf1: {  	v11 =	vshrl.u32 v4, $0xF;
	v12 =	vld [tilespmem:s14+$0x90]  }
0xf2: {  	v13 =	vld [tilespmem:s14+$0x80]  }
0xf3: {  	v14 =	vld [tilespmem:s14+$0x70]  }
0xf4: {  	v15 =	vld [tilespmem:s14+$0xFFFFFF70]  }
0xf5: {  	[tilespmem:v1+s11+$0x0] =	vst.idx.add.f32.msk $0xffff, v2  }
0xf6: {  	v1 =	vld.idx.msk [tilespmem:v11+s2+$0x0], $0xffff;
	v2 =	vshrl.u32 v12, $0xF  }
0xf7: {  	v4 =	vand.u32 $0x7FFF, v4;
	v11 =	vld [tilespmem:s14+$0xFFFFFFA0];
	v16 =	vshrl.u32 v13, $0xF  }
0xf8: {  	v17 =	vld [tilespmem:s14+$0x50];
	v18 =	vshrl.u32 v14, $0xF  }
0xf9: {  	v19 =	vld [tilespmem:s14+$0x40]  }
0xfa: {  	v20 =	vld [tilespmem:s14+$0x30]  }
0xfb: {  	v2 =	vld.idx.msk [tilespmem:v2+s2+$0x0], $0xffff  }
0xfc: {  	[tilespmem:v4+s11+$0x0] =	vst.idx.add.f32.msk $0xffff, v1;
	v1 =	vand.u32 $0x7FFF, v12  }
0xfd: {  	v13 =	vand.u32 $0x7FFF, v13;
	v4 =	vshrl.u32 v17, $0xF;
	v12 =	vld.idx.msk [tilespmem:v16+s2+$0x0], $0xffff  }
0xfe: {  	v14 =	vand.u32 $0x7FFF, v14;
	v16 =	vshrl.u32 v19, $0xF;
	v18 =	vld.idx.msk [tilespmem:v18+s2+$0x0], $0xffff  }
0xff: {  	v21 =	vld [tilespmem:s14+$0xFFFFFFD0];
	v22 =	vshrl.u32 v20, $0xF  }
0x100: {  	v24 =	vshrl.u32 v5, $0xF;
	v25 =	vand.u32 $0x7FFF, v5;
	v23 =	vld [tilespmem:s14+$0xFFFFFFC0]  }
0x101: {  	v26 =	vshrl.u32 v6, $0xF;
	[tilespmem:v1+s11+$0x0] =	vst.idx.add.f32.msk $0xffff, v2  }
0x102: {  	v27 =	vshrl.u32 v10, $0xF;
	v28 =	vld.idx.msk [tilespmem:v4+s2+$0x0], $0xffff  }
0x103: {  	v29 =	vshrl.u32 v8, $0xF;
	v17 =	vand.u32 $0x7FFF, v17;
	v4 =	vand.u32 $0x7FFF, v8;
	[tilespmem:v13+s11+$0x0] =	vst.idx.add.f32.msk $0xffff, v12  }
0x104: {  	v30 =	vshrl.u32 v21, $0xF;
	v2 =	vand.u32 $0x7FFF, v21;
	[tilespmem:v14+s11+$0x0] =	vst.idx.add.f32.msk $0xffff, v18  }
0x105: {  	v18 =	vshrl.u32 v23, $0xF;
	v1 =	vand.u32 $0x7FFF, v23;
	v14 =	vld.idx.msk [tilespmem:v16+s2+$0x0], $0xffff;
	v16 =	vand.u32 $0x7FFF, v19  }
0x106: {  	v5 =	vand.u32 $0x7FFF, v3;
	v20 =	vand.u32 $0x7FFF, v20;
	v19 =	vshrl.u32 v3, $0xF;
	v21 =	vld.idx.msk [tilespmem:v22+s2+$0x0], $0xffff  }
0x107: {  	v3 =	vand.u32 $0x7FFF, v11;
	v22 =	vshrl.u32 v11, $0xF;
	v23 =	vld.idx.msk [tilespmem:v26+s2+$0x0], $0xffff;
	v26 =	vand.u32 $0x7FFF, v6  }
0x108: {  	v31 =	vand.u32 $0x7FFF, v10;
	v8 =	vand.u32 $0x7FFF, v7;
	v13 =	vshrl.u32 v7, $0xF;
	v24 =	vld.idx.msk [tilespmem:v24+s2+$0x0], $0xffff  }
0x109: {  	v12 =	vshrl.u32 v9, $0xF;
	v27 =	vld.idx.msk [tilespmem:v27+s2+$0x0], $0xffff  }
0x10a: {  	v11 =	vshrl.u32 v15, $0xF;
	v6 =	vand.u32 $0x7FFF, v15;
	[tilespmem:v17+s11+$0x0] =	vst.idx.add.f32.msk $0xffff, v28  }
0x10b: {  	v10 =	vld.idx.msk [tilespmem:v29+s2+$0x0], $0xffff  }
0x10c: {  	[tilespmem:v16+s11+$0x0] =	vst.idx.add.f32.msk $0xffff, v14  }
0x10d: {  	v7 =	vld.idx.msk [tilespmem:v30+s2+$0x0], $0xffff  }
0x10e: {  	[tilespmem:v20+s11+$0x0] =	vst.idx.add.f32.msk $0xffff, v21  }
0x10f: {  	v14 =	vand.u32 $0x7FFF, v9;
	v9 =	vld.idx.msk [tilespmem:v18+s2+$0x0], $0xffff  }
.Ltmp4:
0x110: {  	[tilespmem:v25+s11+$0x0] =	vst.idx.add.f32.msk $0xffff, v24;
	(pc) =	sbr.rel @p0 .LBB2_11-.Ltmp4, $4  }
0x111: {  	[tilespmem:v26+s11+$0x0] =	vst.idx.add.f32.msk $0xffff, v23  }
0x112: {  	v16 =	vld.idx.msk [tilespmem:v19+s2+$0x0], $0xffff  }
0x113: {  	[tilespmem:v31+s11+$0x0] =	vst.idx.add.f32.msk $0xffff, v27  }
0x114: {  	s16 =	sadd.s32 $0x140, s16;
	v15 =	vld.idx.msk [tilespmem:v22+s2+$0x0], $0xffff  }
0x115: {  	_ =	sdelay $0x3  }
0x116: {  	v13 =	vld.idx.msk [tilespmem:v13+s2+$0x0], $0xffff  }
0x117: {  	[tilespmem:v4+s11+$0x0] =	vst.idx.add.f32.msk $0xffff, v10  }
0x118: {  	v62 =	vld.idx.msk [tilespmem:v12+s2+$0x0], $0xffff  }
0x119: {  	v63 =	vld.idx.msk [tilespmem:v11+s2+$0x0], $0xffff  }
0x11a: {  	[tilespmem:v2+s11+$0x0] =	vst.idx.add.f32.msk $0xffff, v7;
	s13 =	sadd.s32 $0x1, s13  }
0x11b: {  	[tilespmem:v1+s11+$0x0] =	vst.idx.add.f32.msk $0xffff, v9;
	p0 =	sne.s32 s13, $0x14  }
.Ltmp5:
0x11c: {  	[tilespmem:v5+s11+$0x0] =	vst.idx.add.f32.msk $0xffff, v16;
	(pc) =	sbr.rel @p0 .LBB2_10-.Ltmp5, $4  }
0x11d: {  	[tilespmem:v3+s11+$0x0] =	vst.idx.add.f32.msk $0xffff, v15  }
0x11e: {  	[tilespmem:v8+s11+$0x0] =	vst.idx.add.f32.msk $0xffff, v13  }
0x11f: {  	[tilespmem:v14+s11+$0x0] =	vst.idx.add.f32.msk $0xffff, v62  }
0x120: {  	[tilespmem:v6+s11+$0x0] =	vst.idx.add.f32.msk $0xffff, v63  }
0x121: {  	s12 =	sadd.s32 $0x1, s12  }
0x122: {  	p0 =	sne.s32 s12, s8  }
.Ltmp6:
0x123: {  	_ = 	snop;
	(pc) =	sbr.rel @p0 .LBB2_1-.Ltmp6, $4  }
0x124: {  	[hbm4b:s7+s2] =	stream.linear.scatter [tilespmem:s11], [sflag:$0x1], $0x4E20, $0x38;
	[tilespmem:$0x1AE80] =	vst v63  }
0x125: {  	_ =	swait.ge [sflag:s9], $0x4E20  }
0x126: {  	[sflag:s9] =	ssyncset.done $0x0  }
0x127: {  	[sflag:s9] =	ssyncadd.s32 $0xFFFFB1E0  }
0x128: {  	_ =	sfence.sel $0x180000  }
0x129: {  	[bflag:$0x0] =	sbarrier.arrive $0xFFFF  }
0x12a: {  	p0 =	sne.s32 s1, $0x0;
	_ =	strace $0x90000050  }
0x12b: {  	s0 =	sadd.s32 @!p0 $0x100000, s0;
	[bflag:$0x2] =	sbarrier.arrive $0xFFFF  }
0x12c: {  	[sflag:s0] =	ssyncadd.tile.s32 @!p0 $0x1;
	_ =	shalt  }
.Lfunc_end2:
_tile_overlayer_lowered:
.L_overlay_start_2:
0x12d: {  	(tag) =	ssettag $0x2  }
0x12e: {  	s0 =	rddreg [dreg:$0x0];
	s2 =	stileid.u32  }
0x12f: {  	s1 =	rddreg [dreg:$0x1];
	p0 =	sne.s32 s2, $0x0  }
0x130: {  	s3 =	rddreg [dreg:$0x2];
	[bflag:$0x3] =	sbarrier.arrive $0xFFFF;
	s2 =	simm.s32 @!p0 $0x1C01  }
0x131: {  	[timem:s3], [sflag:s2] =	dma.local @!p0 [hbm:s0], s1  }
0x132: {  	s0 =	simm.s32 @!p0 $0x1  }
0x133: {  	_ =	swait.ge @!p0 [sflag:s0], s1  }
0x134: {  	s1 =	ssub.s32 @!p0 $0x0, s1;
	[sflag:s0] =	ssyncset.done @!p0 $0x0  }
0x135: {  	[sflag:s0] =	ssyncadd.s32 @!p0 s1  }
0x136: {  	[bflag:$0x3] =	sbarrier.arrive $0xFFFF  }
0x137: {  	_ =	shalt  }

// kernel: kernel.25.cloned.1.call-start
scs
__scs_entry_jumppad:
0x0: {  	(pc) =	sbr.rel $0x88, $3  }
0x1: {  	(tag) =	ssettag $0x0;
	lr =	simm.s32 $0x1  }
0x2: {  	[smem:$0x3F96] =	sst lr;
	_ =	strace $0xD0000000  }
0x3: {  	_ = 	snop  }
0x4: {  	_ = 	snop  }
0x5: {  	_ = 	snop  }
0x6: {  	_ = 	snop  }
0x7: {  	_ = 	snop  }
__scs_overlays_trampoline_lowered:
0x8: {  	[smem:$0x3FA5] =	sst s0  }
0x9: {  	[smem:$0x3FA6] =	sst s1  }
0xa: {  	[smem:$0x3FA7] =	sst s2  }
0xb: {  	[smem:$0x3FA8] =	sst s3  }
0xc: {  	[smem:$0x3FA9] =	sst s4  }
0xd: {  	[smem:$0x3FAA] =	sst s5  }
0xe: {  	[smem:$0x3FAB] =	sst s6  }
0xf: {  	[smem:$0x3FAC] =	sst s7  }
0x10: {  	[smem:$0x3FAD] =	sst s8  }
0x11: {  	[smem:$0x3FAE] =	sst s9;
	s0 =	simm.s32 @!p0 $0x0  }
0x12: {  	s1 =	sld [smem:$0x3F94];
	s0 =	simm.s32 @p0 $0x1  }
0x13: {  	[smem:$0x3FAF] =	sst s0;
	s0 =	simm.s32 @!p1 $0x0  }
0x14: {  	s2 =	sld [smem:$0x3F93];
	s0 =	simm.s32 @p1 $0x1  }
0x15: {  	[smem:$0x3FB0] =	sst s0;
	s0 =	simm.s32 @!p2 $0x0  }
0x16: {  	s3 =	sld [smem:$0x3FDB];
	s0 =	simm.s32 @p2 $0x1  }
0x17: {  	s4 =	simm.s32 $0x1BF5;
	[smem:$0x3FB2] =	sst s0  }
0x18: {  	s0 =	sld [smem:$0x3F95];
	_ =	swait.ge [sflag:s4], $0x0  }
0x19: {  	s7 =	sld [smem:$0x3F96]  }
0x1a: {  	s8 =	sadd.s32 $0xFFFFE003, lr  }
0x1b: {  	s9 =	sadd.s32 $0xFFFFFEF7, lr;
	s5 =	simm.s32 $0xFFFFFFFF;
	p2 =	slt.u32 s8, $0xFFFFF086  }
0x1c: {  	p1 =	slt.u32 s9, $0xF7A;
	s5 =	simm.s32 @!p2 $0x0  }
0x1d: {  	s5 =	simm.s32 @p1 $0x1;
	p0 =	seq.s32 s7, s2  }
0x1e: {  	s7 =	smul.u32 @!p0 $0xF7A, s2;
	p2 =	seq.s32 @!p0 s5, $0x0  }
0x1f: {  	s9 =	smul.u32 $0xF7A, s1;
	s8 =	simm.s32 @!p0 $0x1BF5;
	p2 =	por !p2, p0  }
0x20: {  	[sflag:s8] =	ssyncset.s32 @!p0 $0xFFFFF086;
	s6 =	sadd.s32 @!p0 s3, s7;
	s7 =	simm.s32 @!p0 $0x108  }
0x21: {  	s3 =	sadd.s32 s3, s9;
	s6 =	sadd.s32 @!p0 $0x88, s6;
	s7 =	simm.s32 @p2 $0x1082  }
0x22: {  	[simem:s7], [sflag:s8] =	dma.local @!p0 [hbm:s6], $0xF7A  }
0x23: {  	s9 =	sor.u32 $0xD0000000, s2;
	s6 =	simm.s32 $0x108;
	_ =	swait.ge @!p0 [sflag:s8], $0x0  }
0x24: {  	s3 =	sadd.s32 $0x88, s3;
	s6 =	simm.s32 @!p1 $0x1082;
	[sflag:s4] =	ssyncset.s32 $0xFFFFF086  }
0x25: {  	[simem:s6], [sflag:s4] =	dma.local [hbm:s3], $0xF7A  }
0x26: {  	[smem:$0x3F96] =	sst s1;
	(tag) =	ssettag s2;
	_ =	strace s9  }
0x27: {  	s1 =	sld [smem:$0x3FA6]  }
0x28: {  	s2 =	sld [smem:$0x3FA7]  }
0x29: {  	s4 =	sld [smem:$0x3FA9]  }
0x2a: {  	p0 =	seq.s32 s5, $0x0;
	s5 =	sld [smem:$0x3FAA]  }
0x2b: {  	s6 =	sld [smem:$0x3FAB]  }
0x2c: {  	s7 =	sld [smem:$0x3FAC]  }
0x2d: {  	s3 =	simm.s32 $0x108;
	s8 =	sld [smem:$0x3FAD]  }
0x2e: {  	s3 =	simm.s32 @!p0 $0x1082;
	s9 =	sld [smem:$0x3FAE]  }
0x2f: {  	lr =	sadd.s32 s0, s3;
	s0 =	sld [smem:$0x3FA5]  }
0x30: {  	s3 =	sld [smem:$0x3FA8]  }
0x31: {  	[smem:$0x3FB1] =	sst s10  }
0x32: {  	s10 =	sld [smem:$0x3FAF];
	_ =	sdelay $0x3  }
0x33: {  	p0 =	seq.s32 s10, $0x1;
	s10 =	sld [smem:$0x3FB1];
	_ =	sdelay $0x3  }
0x34: {  	[smem:$0x3FB1] =	sst s10  }
0x35: {  	s10 =	sld [smem:$0x3FB0];
	_ =	sdelay $0x3  }
0x36: {  	p1 =	seq.s32 s10, $0x1;
	s10 =	sld [smem:$0x3FB1];
	_ =	sdelay $0x3  }
0x37: {  	[smem:$0x3FB1] =	sst s10  }
0x38: {  	s10 =	sld [smem:$0x3FB2]  }
0x39: {  	_ = 	snop;
	(pc) =	sbr.ind lr, $3  }
0x3a: {  	_ = 	snop  }
0x3b: {  	_ = 	snop  }
0x3c: {  	p2 =	seq.s32 s10, $0x1;
	s10 =	sld [smem:$0x3FB1]  }
0x3d: {  	_ =	shalt  }
0x3e: {  	_ =	shalt  }
0x3f: {  	_ =	shalt  }
0x40: {  	_ =	shalt  }
0x41: {  	_ =	shalt  }
0x42: {  	_ =	shalt  }
0x43: {  	_ =	shalt  }
0x44: {  	_ =	shalt  }
0x45: {  	_ =	shalt  }
0x46: {  	_ =	shalt  }
0x47: {  	_ =	shalt  }
0x48: {  	_ =	shalt  }
0x49: {  	_ =	shalt  }
0x4a: {  	_ =	shalt  }
0x4b: {  	_ =	shalt  }
0x4c: {  	_ =	shalt  }
0x4d: {  	_ =	shalt  }
0x4e: {  	_ =	shalt  }
0x4f: {  	_ =	shalt  }
0x50: {  	_ =	shalt  }
0x51: {  	_ =	shalt  }
0x52: {  	_ =	shalt  }
0x53: {  	_ =	shalt  }
0x54: {  	_ =	shalt  }
0x55: {  	_ =	shalt  }
0x56: {  	_ =	shalt  }
0x57: {  	_ =	shalt  }
0x58: {  	_ =	shalt  }
0x59: {  	_ =	shalt  }
0x5a: {  	_ =	shalt  }
0x5b: {  	_ =	shalt  }
0x5c: {  	_ =	shalt  }
0x5d: {  	_ =	shalt  }
0x5e: {  	_ =	shalt  }
0x5f: {  	_ =	shalt  }
0x60: {  	_ =	shalt  }
0x61: {  	_ =	shalt  }
0x62: {  	_ =	shalt  }
0x63: {  	_ =	shalt  }
0x64: {  	_ =	shalt  }
0x65: {  	_ =	shalt  }
0x66: {  	_ =	shalt  }
0x67: {  	_ =	shalt  }
0x68: {  	_ =	shalt  }
0x69: {  	_ =	shalt  }
0x6a: {  	_ =	shalt  }
0x6b: {  	_ =	shalt  }
0x6c: {  	_ =	shalt  }
0x6d: {  	_ =	shalt  }
0x6e: {  	_ =	shalt  }
0x6f: {  	_ =	shalt  }
0x70: {  	_ =	shalt  }
0x71: {  	_ =	shalt  }
0x72: {  	_ =	shalt  }
0x73: {  	_ =	shalt  }
0x74: {  	_ =	shalt  }
0x75: {  	_ =	shalt  }
0x76: {  	_ =	shalt  }
0x77: {  	_ =	shalt  }
0x78: {  	_ =	shalt  }
0x79: {  	_ =	shalt  }
0x7a: {  	_ =	shalt  }
0x7b: {  	_ =	shalt  }
0x7c: {  	_ =	shalt  }
0x7d: {  	_ =	shalt  }
0x7e: {  	_ =	shalt  }
0x7f: {  	_ =	shalt  }
0x80: {  	_ =	shalt  }
0x81: {  	_ =	shalt  }
0x82: {  	_ =	shalt  }
0x83: {  	_ =	shalt  }
0x84: {  	_ =	shalt  }
0x85: {  	_ =	shalt  }
0x86: {  	_ =	shalt  }
0x87: {  	_ =	shalt  }
.Lfunc_end0:
.L_simem_size_0:
called_computation.4_lowered:
.L_overlay_start_0:
0x88: {  	s2 =	sld [smem:$0x3FD9]  }
0x89: {  	s3 =	sld [smem:$0x3FFE];
	_ =	sdelay $0x1  }
0x8a: {  	s1 =	srdreg.scid  }
0x8b: {  	s0 =	sand.u32 $0x1, s1  }
0x8c: {  	s16 =	sshll.u32 s0, $0xA;
	s2 =	sadd.s32 s3, s2  }
0x8d: {  	s2 =	sadd.s32 s2, s16  }
0x8e: {  	[smem:$0x3FBD] =	sst s2  }
0x8f: {  	_ = 	snop  }
0x90: {  	(tm) =	ssettm $0x1  }
0x91: {  	s17 =	sld [smem:$0x3FFB];
	_ =	sdelay $0x3  }
0x92: {  	_ =	strace s17  }
0x93: {  	s2 =	sld [smem:$0x3FFC];
	_ =	sdelay $0x3  }
0x94: {  	_ =	strace s2  }
0x95: {  	s2 =	sld [smem:$0x3FFD];
	_ =	sdelay $0x3  }
0x96: {  	_ =	strace s2  }
0x97: {  	_ =	strace $0x8FFFFFFF  }
0x98: {  	s18 =	sld [smem:$0x3FDB];
	_ =	sdelay $0x1  }
0x99: {  	s19 =	simm.s32 $_scs_section_size  }
0x9a: {  	s4 =	simm.s32 $_size__tile_overlayer_lowered;
	s5 =	simm.s32 $_tile_overlayer_lowered  }
0x9b: {  	s22 =	simm.s32 $0x1BFF;
	s21 =	sshll.u32 s5, $0x1;
	s2 =	sadd.s32 s19, s18  }
0x9c: {  	s6 =	simm.s32 $0x0;
	s20 =	sshll.u32 s4, $0x1;
	s4 =	sadd.s32 s21, s2  }
0x9d: {  	[timem:s6], [sflag:s22] =	dma.local [hbm:s4], s20  }
0x9e: {  	_ =	swait.ge [sflag:s22], s20  }
0x9f: {  	s3 =	ssub.s32 $0x0, s20;
	[sflag:s22] =	ssyncset.done $0x0  }
0xa0: {  	[sflag:s22] =	ssyncadd.s32 s3;
	_ =	sdelay $0x1  }
0xa1: {  	s23 =	simm.s32 $0x1B8B  }
0xa2: {  	_ =	swait.ge [sflag:s23], $0x1  }
0xa3: {  	[sflag:s23] =	ssyncset.done $0x0  }
0xa4: {  	s25 =	simm.s32 $0x1B8E;
	s24 =	sld [smem:$0x3FFE];
	[sflag:s23] =	ssyncadd.s32 $0xFFFFFFFF  }
0xa5: {  	s26 =	simm.s32 $execute0_lowered;
	[smem:$0x3FD2] =	sst s25  }
0xa6: {  	s4 =	sshll.u32 s26, $0x1;
	_ =	strace $0x80000052;
	[dreg:$0x1] =	wrdreg $0xFFFFFFFF  }
0xa7: {  	s28 =	simm.s32 $_size_execute0_lowered;
	s2 =	sadd.s32 s2, s4;
	[dreg:$0x0] =	wrdreg $0x0  }
0xa8: {  	s4 =	sshll.u32 s28, $0x1;
	[dreg:$0x2] =	wrdreg s2  }
0xa9: {  	[dreg:$0x3] =	wrdreg s4  }
0xaa: {  	[dreg:$0x4] =	wrdreg $0xC0  }
0xab: {  	_ =	task [dreg:s6], $0x5FFFF  }
0xac: {  	[dreg:$0x1] =	wrdreg $0xFFFFFFFF  }
0xad: {  	[dreg:$0x0] =	wrdreg $0x60  }
0xae: {  	[dreg:$0x2] =	wrdreg s24  }
0xaf: {  	[dreg:$0x3] =	wrdreg $0x9  }
0xb0: {  	_ =	task.clear_ibuf [dreg:s6], $0x4FFFF;
	_ =	strace $0x90000052  }
0xb1: {  	s29 =	simm.s32 $0x9;
	_ =	strace $0x80000054  }
0xb2: {  	_ =	swait.ge [sflag:s29], $0x1  }
0xb3: {  	[sflag:s29] =	ssyncadd.s32 $0xFFFFFFFF  }
0xb4: {  	_ =	strace $0x90000054  }
0xb5: {  	_ =	sfence  }
0xb6: {  	s30 =	sld [smem:$0x0];
	_ =	sdelay $0x2  }
0xb7: {  	s31 =	sshll.u32 s1, $0xD;
	s1 =	sshrl.u32 s1, $0x2  }
0xb8: {  	s3 =	sand.u32 $0x4000, s31;
	s1 =	sadd.s32 s1, s30  }
0xb9: {  	s0 =	sor.u32 s3, s0;
	s1 =	sshll.u32 s1, $0x11  }
0xba: {  	s0 =	sor.u32 s1, s0  }
0xbb: {  	s0 =	sadd.s32 $0x8F2B, s0  }
0xbc: {  	[sflag:s0] =	ssyncadd.remote.s32 $0x1  }
0xbd: {  	_ =	sfence.sel $0xFFFF  }
0xbe: {  	[dreg:$0x0] =	wrdreg $0xFFFFFFFF;
	(pc) =	sbr.abs _section_cstart, $3  }
0xbf: {  	[dreg:$0x1] =	wrdreg $0xFFFFFFFF  }
0xc0: {  	_ =	task.clear_ibuf [dreg:s6], $0x2FFFF;
	_ =	strace $0x9FFFFFFF  }
0xc1: {  	(tm) =	ssettm $0x7FFFFFFF  }
tec
execute0_lowered:
.L_overlay_start_1:
0x0: {  	(tag) =	ssettag $0x1  }
0x1: {  	s4 =	rddreg [dreg:$0x0]  }
0x2: {  	s1 =	srdreg.scid;
	s0 =	rddreg [dreg:$0x1]  }
0x3: {  	s2 =	simm.s32 $0x0;
	s3 =	sand.u32 $0x1, s1;
	s1 =	stileid.u32  }
0x4: {  	[smem:$0x7FF] =	sst s2;
	s6 =	sadd.s32 $0x64800, s4;
	s5 =	sshll.u32 s3, $0x4  }
0x5: {  	s12 =	sadd.s32 $0x2C00, s4;
	_ =	strace $0x80000053;
	s5 =	sor.u32 s1, s5  }
0x6: {  	s8 =	ssub.s32 $0x2, s3;
	s3 =	sadd.s32 $0xC6400, s4;
	s7 =	smul.u32 $0x9C4, s5  }
0x7: {  	s10 =	sshrl.u32 s8, $0x1;
	s9 =	smul.u32 $0x186A, s5;
	s5 =	sor.u32 $0x20, s5  }
0x8: {  	s8 =	ssub.s32 s8, s10;
	s10 =	simm.s32 $0x11200;
	s11 =	smul.u32 $0x9C4, s5  }
0x9: {  	s31 =	smul.u32 $0x186A, s5;
	s8 =	smax.u32 s8, $0x1;
	s4 =	sadd.s32 s6, s7  }
0xa: {  	s5 =	sadd.s32 s12, s9;
	s9 =	simm.s32 $0x1;
	s6 =	sadd.s32 s6, s11  }
0xb: {  	v0 =	vimm.f32 $0.0e+00;
	s7 =	sadd.s32 s12, s31;
	s11 =	simm.s32 $0x4E80;
	s12 =	simm.s32 $0x0  }
.LBB2_1:
0xc: {  	[tilespmem:s2], [sflag:$0x1] =	stream.linear.gather [hbm4b:s4+s2], $0x4E20, $0x38;
	[tilespmem:$0x1AE80] =	vst v63  }
0xd: {  	_ =	swait.ge [sflag:s9], $0x4E20  }
0xe: {  	[sflag:s9] =	ssyncset.done $0x0  }
0xf: {  	s13 =	simm.s32 $0x40;
	s14 =	simm.s32 $0x0;
	[sflag:s9] =	ssyncadd.s32 $0xFFFFB1E0  }
.LBB2_2:
0x10: {  	p0 =	sne.s32 s13, $0x30D00;
	[tilespmem:s14+$0x4E80] =	vst v0;
	s14 =	smov.u32 s13;
	s13 =	sadd.s32 $0x40, s13  }
.Ltmp0:
0x11: {  	(pc) =	sbr.rel @p0 .LBB2_2-.Ltmp0, $2  }
0x12: {  	_ =	sdelay $0x2  }
0x13: {  	s14 =	sshra.s32 s14, $0x2  }
0x14: {  	[tilespmem:s14+$0x4E80] =	vst v0;
	s13 =	simm.s32 $0x0;
	s14 =	simm.s32 $0x0  }
.LBB2_4:
0x15: {  	s15 =	smul.u32 $0x1388, s14;
	_ =	sdelay $0x1  }
0x16: {  	s15 =	sadd.s32 s3, s15  }
0x17: {  	[tilespmem:s10], [sflag:$0x1] =	stream.linear.gather [hbm4b:s15+s13], $0x9C40, $0x38;
	[tilespmem:$0x1AE80] =	vst v63  }
0x18: {  	_ =	swait.ge [sflag:s9], $0x9C40  }
0x19: {  	[sflag:s9] =	ssyncset.done $0x0  }
0x1a: {  	s31 =	sand.u32 $0xFFC0, s13;
	[sflag:s9] =	ssyncadd.s32 $0xFFFF63C0  }
0x1b: {  	v1 =	vld [tilespmem:s31+$0x11280];
	_ =	sdelay $0x2  }
0x1c: {  	s15 =	simm.s32 $0x112A0;
	v3 =	vld [tilespmem:s31+$0x11300]  }
0x1d: {  	v15 =	vld [tilespmem:s15+$0xFFFFFFC0]  }
0x1e: {  	v4 =	vld [tilespmem:s15+$0x70];
	v2 =	vand.u32 $0x7FFF, v1  }
0x1f: {  	v5 =	vld [tilespmem:s15+$0xFFFFFF60]  }
0x20: {  	v6 =	vld [tilespmem:s15+$0x10]  }
0x21: {  	v8 =	vld [tilespmem:s15+$0x50]  }
0x22: {  	v14 =	vld [tilespmem:s15+$0xFFFFFF90]  }
0x23: {  	v1 =	vshrl.u32 v1, $0xF;
	v2 =	vld.idx.msk [tilespmem:v2+s2+$0x0], $0xffff  }
0x24: {  	v11 =	vld [tilespmem:s15+$0xFFFFFFB0];
	v7 =	vand.u32 $0x7FFF, v3  }
0x25: {  	v9 =	vld [tilespmem:s15+$0xFFFFFFF0]  }
0x26: {  	v10 =	vld [tilespmem:s15+$0x0]  }
0x27: {  	v12 =	vld [tilespmem:s15+$0x90]  }
0x28: {  	[tilespmem:v1+s11+$0x0] =	vst.idx.add.f32.msk $0xffff, v2  }
0x29: {  	v3 =	vshrl.u32 v3, $0xF;
	v1 =	vld.idx.msk [tilespmem:v7+s2+$0x0], $0xffff  }
0x2a: {  	v13 =	vld [tilespmem:s15+$0x80];
	v7 =	vand.u32 $0x7FFF, v5  }
0x2b: {  	v16 =	vld [tilespmem:s15+$0xFFFFFF70]  }
0x2c: {  	v17 =	vld [tilespmem:s15+$0xFFFFFF80]  }
0x2d: {  	v19 =	vld [tilespmem:s15+$0x30]  }
0x2e: {  	v22 =	vand.u32 $0x7FFF, v8;
	[tilespmem:v3+s11+$0x0] =	vst.idx.add.f32.msk $0xffff, v1  }
0x2f: {  	v1 =	vld.idx.msk [tilespmem:v7+s2+$0x0], $0xffff  }
0x30: {  	v3 =	vshrl.u32 v5, $0xF;
	v5 =	vld [tilespmem:s15+$0x40]  }
0x31: {  	v21 =	vld [tilespmem:s15+$0x20];
	v7 =	vand.u32 $0x7FFF, v12  }
0x32: {  	v24 =	vld [tilespmem:s15+$0xFFFFFFA0];
	v18 =	vand.u32 $0x7FFF, v13  }
0x33: {  	v8 =	vshrl.u32 v8, $0xF;
	v22 =	vld.idx.msk [tilespmem:v22+s2+$0x0], $0xffff  }
0x34: {  	v20 =	vand.u32 $0x7FFF, v4;
	v2 =	vld [tilespmem:s15+$0xFFFFFFD0]  }
0x35: {  	[tilespmem:v3+s11+$0x0] =	vst.idx.add.f32.msk $0xffff, v1;
	v1 =	vand.u32 $0x7FFF, v5  }
0x36: {  	v12 =	vshrl.u32 v12, $0xF;
	v3 =	vld.idx.msk [tilespmem:v7+s2+$0x0], $0xffff  }
0x37: {  	v13 =	vshrl.u32 v13, $0xF;
	v7 =	vld.idx.msk [tilespmem:v18+s2+$0x0], $0xffff  }
0x38: {  	v58 =	vand.u32 $0x7FFF, v19;
	[tilespmem:v8+s11+$0x0] =	vst.idx.add.f32.msk $0xffff, v22  }
0x39: {  	v4 =	vshrl.u32 v4, $0xF;
	v18 =	vld.idx.msk [tilespmem:v20+s2+$0x0], $0xffff  }
0x3a: {  	v23 =	vand.u32 $0x7FFF, v21;
	v1 =	vld.idx.msk [tilespmem:v1+s2+$0x0], $0xffff  }
0x3b: {  	v8 =	vand.u32 $0x7FFF, v15;
	[tilespmem:v12+s11+$0x0] =	vst.idx.add.f32.msk $0xffff, v3  }
0x3c: {  	v3 =	vand.u32 $0x7FFF, v6;
	[tilespmem:v13+s11+$0x0] =	vst.idx.add.f32.msk $0xffff, v7  }
0x3d: {  	v5 =	vshrl.u32 v5, $0xF;
	v7 =	vld.idx.msk [tilespmem:v58+s2+$0x0], $0xffff  }
0x3e: {  	v12 =	vand.u32 $0x7FFF, v9;
	[tilespmem:v4+s11+$0x0] =	vst.idx.add.f32.msk $0xffff, v18  }
0x3f: {  	v13 =	vand.u32 $0x7FFF, v2;
	v18 =	vld.idx.msk [tilespmem:v23+s2+$0x0], $0xffff  }
0x40: {  	v59 =	vand.u32 $0x7FFF, v10;
	v61 =	vshrl.u32 v6, $0xF;
	v6 =	vld.idx.msk [tilespmem:v8+s2+$0x0], $0xffff  }
0x41: {  	v19 =	vshrl.u32 v19, $0xF;
	v3 =	vld.idx.msk [tilespmem:v3+s2+$0x0], $0xffff  }
0x42: {  	[tilespmem:v5+s11+$0x0] =	vst.idx.add.f32.msk $0xffff, v1;
	v1 =	vand.u32 $0x7FFF, v11  }
0x43: {  	v4 =	vld.idx.msk [tilespmem:v12+s2+$0x0], $0xffff;
	v5 =	vshrl.u32 v21, $0xF  }
0x44: {  	v60 =	vld.idx.msk [tilespmem:v13+s2+$0x0], $0xffff  }
0x45: {  	v62 =	vshrl.u32 v2, $0xF;
	v13 =	vld.idx.msk [tilespmem:v59+s2+$0x0], $0xffff  }
0x46: {  	v63 =	vand.u32 $0x7FFF, v24;
	[tilespmem:v19+s11+$0x0] =	vst.idx.add.f32.msk $0xffff, v7  }
0x47: {  	v12 =	vshrl.u32 v10, $0xF;
	v7 =	vld.idx.msk [tilespmem:v1+s2+$0x0], $0xffff  }
0x48: {  	v2 =	vshrl.u32 v9, $0xF;
	v9 =	vand.u32 $0x7FFF, v14;
	[tilespmem:v5+s11+$0x0] =	vst.idx.add.f32.msk $0xffff, v18  }
0x49: {  	v8 =	vshrl.u32 v11, $0xF;
	v14 =	vshrl.u32 v14, $0xF;
	[tilespmem:v61+s11+$0x0] =	vst.idx.add.f32.msk $0xffff, v3  }
0x4a: {  	v10 =	vand.u32 $0x7FFF, v16;
	v11 =	vshrl.u32 v17, $0xF;
	v1 =	vshrl.u32 v24, $0xF;
	[tilespmem:v62+s11+$0x0] =	vst.idx.add.f32.msk $0xffff, v60  }
0x4b: {  	s16 =	simm.s32 $0x0;
	s17 =	simm.s32 $0x140;
	v5 =	vand.u32 $0x7FFF, v17;
	v3 =	vshrl.u32 v16, $0xF;
	v16 =	vshrl.u32 v15, $0xF;
	v15 =	vld.idx.msk [tilespmem:v63+s2+$0x0], $0xffff  }
.LBB2_5:
0x4c: {  	s18 =	sand.u32 $0xFFC0, s17;
	s16 =	sadd.s32 $0x14, s16;
	[tilespmem:v12+s11+$0x0] =	vst.idx.add.f32.msk $0xffff, v13;
	s15 =	sadd.s32 $0x140, s15  }
0x4d: {  	p0 =	slt.u32 s16, $0x9B0;
	v9 =	vld.idx.msk [tilespmem:v9+s2+$0x0], $0xffff  }
0x4e: {  	[tilespmem:v2+s11+$0x0] =	vst.idx.add.f32.msk $0xffff, v4  }
0x4f: {  	v2 =	vld [tilespmem:s18+$0x11280]  }
0x50: {  	v4 =	vld.idx.msk [tilespmem:v5+s2+$0x0], $0xffff  }
0x51: {  	v5 =	vld.idx.msk [tilespmem:v10+s2+$0x0], $0xffff  }
0x52: {  	[tilespmem:v16+s11+$0x0] =	vst.idx.add.f32.msk $0xffff, v6  }
0x53: {  	[tilespmem:v14+s11+$0x0] =	vst.idx.add.f32.msk $0xffff, v9  }
0x54: {  	v6 =	vand.u32 $0x7FFF, v2;
	[tilespmem:v8+s11+$0x0] =	vst.idx.add.f32.msk $0xffff, v7  }
0x55: {  	[tilespmem:v1+s11+$0x0] =	vst.idx.add.f32.msk $0xffff, v15  }
0x56: {  	[tilespmem:v11+s11+$0x0] =	vst.idx.add.f32.msk $0xffff, v4  }
0x57: {  	[tilespmem:v3+s11+$0x0] =	vst.idx.add.f32.msk $0xffff, v5  }
0x58: {  	v1 =	vld [tilespmem:s18+$0x11300]  }
0x59: {  	v3 =	vld.idx.msk [tilespmem:v6+s2+$0x0], $0xffff  }
0x5a: {  	v2 =	vshrl.u32 v2, $0xF;
	v15 =	vld [tilespmem:s15+$0xFFFFFFC0]  }
0x5b: {  	v4 =	vld [tilespmem:s15+$0x70]  }
0x5c: {  	v5 =	vld [tilespmem:s15+$0xFFFFFF60]  }
0x5d: {  	v6 =	vld [tilespmem:s15+$0x10];
	v7 =	vand.u32 $0x7FFF, v1  }
0x5e: {  	v8 =	vld [tilespmem:s15+$0x50]  }
0x5f: {  	[tilespmem:v2+s11+$0x0] =	vst.idx.add.f32.msk $0xffff, v3  }
0x60: {  	v14 =	vld [tilespmem:s15+$0xFFFFFF90]  }
0x61: {  	v11 =	vld [tilespmem:s15+$0xFFFFFFB0]  }
0x62: {  	v2 =	vld.idx.msk [tilespmem:v7+s2+$0x0], $0xffff  }
0x63: {  	v1 =	vshrl.u32 v1, $0xF;
	v7 =	vld [tilespmem:s15+$0xFFFFFFD0]  }
0x64: {  	v3 =	vand.u32 $0x7FFF, v5;
	v9 =	vld [tilespmem:s15+$0xFFFFFFF0]  }
0x65: {  	v10 =	vld [tilespmem:s15+$0x0]  }
0x66: {  	v12 =	vld [tilespmem:s15+$0x90]  }
0x67: {  	v13 =	vld [tilespmem:s15+$0x80]  }
0x68: {  	[tilespmem:v1+s11+$0x0] =	vst.idx.add.f32.msk $0xffff, v2  }
0x69: {  	v1 =	vld.idx.msk [tilespmem:v3+s2+$0x0], $0xffff  }
0x6a: {  	v2 =	vshrl.u32 v5, $0xF;
	v3 =	vld [tilespmem:s15+$0x40]  }
0x6b: {  	v16 =	vld [tilespmem:s15+$0xFFFFFF70];
	v5 =	vand.u32 $0x7FFF, v12  }
0x6c: {  	v17 =	vld [tilespmem:s15+$0xFFFFFF80];
	v18 =	vand.u32 $0x7FFF, v13  }
0x6d: {  	v20 =	vand.u32 $0x7FFF, v4;
	v19 =	vld [tilespmem:s15+$0x30]  }
0x6e: {  	v22 =	vand.u32 $0x7FFF, v8;
	v21 =	vld [tilespmem:s15+$0x20]  }
0x6f: {  	[tilespmem:v2+s11+$0x0] =	vst.idx.add.f32.msk $0xffff, v1;
	v23 =	vshrl.u32 v3, $0xF;
	v1 =	vand.u32 $0x7FFF, v3  }
0x70: {  	v3 =	vld.idx.msk [tilespmem:v5+s2+$0x0], $0xffff  }
0x71: {  	v12 =	vshrl.u32 v12, $0xF;
	v5 =	vld.idx.msk [tilespmem:v18+s2+$0x0], $0xffff  }
0x72: {  	v13 =	vshrl.u32 v13, $0xF;
	v18 =	vand.u32 $0x7FFF, v19;
	v20 =	vld.idx.msk [tilespmem:v20+s2+$0x0], $0xffff  }
0x73: {  	v4 =	vshrl.u32 v4, $0xF;
	v24 =	vshrl.u32 v21, $0xF;
	v21 =	vand.u32 $0x7FFF, v21;
	v22 =	vld.idx.msk [tilespmem:v22+s2+$0x0], $0xffff  }
0x74: {  	v25 =	vand.u32 $0x7FFF, v6;
	v26 =	vld.idx.msk [tilespmem:v1+s2+$0x0], $0xffff  }
0x75: {  	v8 =	vshrl.u32 v8, $0xF;
	v28 =	vand.u32 $0x7FFF, v10;
	v27 =	vld [tilespmem:s15+$0xFFFFFFA0]  }
0x76: {  	v29 =	vand.u32 $0x7FFF, v9;
	v2 =	vshrl.u32 v9, $0xF;
	[tilespmem:v12+s11+$0x0] =	vst.idx.add.f32.msk $0xffff, v3  }
0x77: {  	v30 =	vand.u32 $0x7FFF, v7;
	[tilespmem:v13+s11+$0x0] =	vst.idx.add.f32.msk $0xffff, v5  }
0x78: {  	v31 =	vand.u32 $0x7FFF, v15;
	v18 =	vld.idx.msk [tilespmem:v18+s2+$0x0], $0xffff  }
0x79: {  	v32 =	vand.u32 $0x7FFF, v11;
	v19 =	vshrl.u32 v19, $0xF;
	[tilespmem:v4+s11+$0x0] =	vst.idx.add.f32.msk $0xffff, v20  }
0x7a: {  	v1 =	vshrl.u32 v27, $0xF;
	v20 =	vand.u32 $0x7FFF, v27;
	v27 =	vshrl.u32 v6, $0xF;
	v21 =	vld.idx.msk [tilespmem:v21+s2+$0x0], $0xffff  }
0x7b: {  	v9 =	vand.u32 $0x7FFF, v14;
	v12 =	vshrl.u32 v10, $0xF;
	[tilespmem:v8+s11+$0x0] =	vst.idx.add.f32.msk $0xffff, v22  }
0x7c: {  	v5 =	vand.u32 $0x7FFF, v17;
	v22 =	vld.idx.msk [tilespmem:v25+s2+$0x0], $0xffff  }
0x7d: {  	v3 =	vshrl.u32 v16, $0xF;
	v10 =	vand.u32 $0x7FFF, v16;
	v25 =	vshrl.u32 v7, $0xF;
	[tilespmem:v23+s11+$0x0] =	vst.idx.add.f32.msk $0xffff, v26  }
0x7e: {  	v4 =	vld.idx.msk [tilespmem:v29+s2+$0x0], $0xffff  }
0x7f: {  	v8 =	vshrl.u32 v11, $0xF;
	v23 =	vld.idx.msk [tilespmem:v30+s2+$0x0], $0xffff  }
0x80: {  	v13 =	vld.idx.msk [tilespmem:v28+s2+$0x0], $0xffff  }
0x81: {  	v6 =	vld.idx.msk [tilespmem:v31+s2+$0x0], $0xffff  }
0x82: {  	v11 =	vshrl.u32 v17, $0xF;
	[tilespmem:v19+s11+$0x0] =	vst.idx.add.f32.msk $0xffff, v18  }
.Ltmp1:
0x83: {  	v7 =	vld.idx.msk [tilespmem:v32+s2+$0x0], $0xffff;
	(pc) =	sbr.rel @p0 .LBB2_5-.Ltmp1, $4  }
0x84: {  	[tilespmem:v24+s11+$0x0] =	vst.idx.add.f32.msk $0xffff, v21  }
0x85: {  	v14 =	vshrl.u32 v14, $0xF;
	[tilespmem:v27+s11+$0x0] =	vst.idx.add.f32.msk $0xffff, v22  }
0x86: {  	v16 =	vshrl.u32 v15, $0xF;
	[tilespmem:v25+s11+$0x0] =	vst.idx.add.f32.msk $0xffff, v23  }
0x87: {  	s17 =	sadd.s32 $0x140, s17;
	v15 =	vld.idx.msk [tilespmem:v20+s2+$0x0], $0xffff  }
0x88: {  	_ =	sdelay $0x3  }
0x89: {  	[tilespmem:v12+s11+$0x0] =	vst.idx.add.f32.msk $0xffff, v13  }
0x8a: {  	v9 =	vld.idx.msk [tilespmem:v9+s2+$0x0], $0xffff  }
0x8b: {  	[tilespmem:v2+s11+$0x0] =	vst.idx.add.f32.msk $0xffff, v4  }
0x8c: {  	v2 =	vld.idx.msk [tilespmem:v5+s2+$0x0], $0xffff  }
0x8d: {  	v63 =	vld.idx.msk [tilespmem:v10+s2+$0x0], $0xffff;
	s14 =	sadd.s32 $0x1, s14  }
0x8e: {  	[tilespmem:v16+s11+$0x0] =	vst.idx.add.f32.msk $0xffff, v6;
	p0 =	sne.s32 s14, $0x14  }
.Ltmp2:
0x8f: {  	[tilespmem:v8+s11+$0x0] =	vst.idx.add.f32.msk $0xffff, v7;
	(pc) =	sbr.rel @p0 .LBB2_4-.Ltmp2, $4  }
0x90: {  	[tilespmem:v1+s11+$0x0] =	vst.idx.add.f32.msk $0xffff, v15  }
0x91: {  	[tilespmem:v14+s11+$0x0] =	vst.idx.add.f32.msk $0xffff, v9  }
0x92: {  	[tilespmem:v11+s11+$0x0] =	vst.idx.add.f32.msk $0xffff, v2  }
0x93: {  	[tilespmem:v3+s11+$0x0] =	vst.idx.add.f32.msk $0xffff, v63  }
0x94: {  	s13 =	simm.s32 $0x0  }
0x95: {  	[hbm4b:s5+s13] =	stream.linear.scatter [tilespmem:s11], [sflag:$0x1], $0xC350, $0x38;
	[tilespmem:$0x1AE80] =	vst v63  }
0x96: {  	_ =	swait.ge [sflag:s9], $0xC350  }
0x97: {  	[sflag:s9] =	ssyncset.done $0x0  }
0x98: {  	[sflag:s9] =	ssyncadd.s32 $0xFFFF3CB0  }
0x99: {  	[tilespmem:s13], [sflag:$0x1] =	stream.linear.gather [hbm4b:s6+s13], $0x4E20, $0x38;
	[tilespmem:$0x1AE80] =	vst v63  }
0x9a: {  	_ =	swait.ge [sflag:s9], $0x4E20  }
0x9b: {  	[sflag:s9] =	ssyncset.done $0x0  }
0x9c: {  	s14 =	simm.s32 $0x40;
	s15 =	simm.s32 $0x0;
	[sflag:s9] =	ssyncadd.s32 $0xFFFFB1E0  }
.LBB2_8:
0x9d: {  	p0 =	sne.s32 s14, $0x30D00;
	[tilespmem:s15+$0x4E80] =	vst v0;
	s15 =	smov.u32 s14;
	s14 =	sadd.s32 $0x40, s14  }
.Ltmp3:
0x9e: {  	(pc) =	sbr.rel @p0 .LBB2_8-.Ltmp3, $2  }
0x9f: {  	_ =	sdelay $0x2  }
0xa0: {  	s15 =	sshra.s32 s15, $0x2  }
0xa1: {  	[tilespmem:s15+$0x4E80] =	vst v0  }
.LBB2_10:
0xa2: {  	s14 =	smul.u32 $0x1388, s13;
	_ =	sdelay $0x1  }
0xa3: {  	s15 =	simm.s32 $0x0;
	s14 =	sadd.s32 s3, s14  }
0xa4: {  	[tilespmem:s10], [sflag:$0x1] =	stream.linear.gather [hbm4b:s14+s15], $0x9C40, $0x38;
	[tilespmem:$0x1AE80] =	vst v63  }
0xa5: {  	_ =	swait.ge [sflag:s9], $0x9C40  }
0xa6: {  	[sflag:s9] =	ssyncset.done $0x0  }
0xa7: {  	s31 =	sand.u32 $0xFFC0, s15;
	[sflag:s9] =	ssyncadd.s32 $0xFFFF63C0  }
0xa8: {  	v1 =	vld [tilespmem:s31+$0x11280];
	_ =	sdelay $0x2  }
0xa9: {  	s14 =	simm.s32 $0x112A0;
	v3 =	vld [tilespmem:s31+$0x11300]  }
0xaa: {  	v15 =	vld [tilespmem:s14+$0xFFFFFFC0]  }
0xab: {  	v4 =	vld [tilespmem:s14+$0x70];
	v2 =	vand.u32 $0x7FFF, v1  }
0xac: {  	v5 =	vld [tilespmem:s14+$0xFFFFFF60]  }
0xad: {  	v6 =	vld [tilespmem:s14+$0x10]  }
0xae: {  	v8 =	vld [tilespmem:s14+$0x50]  }
0xaf: {  	v14 =	vld [tilespmem:s14+$0xFFFFFF90]  }
0xb0: {  	v1 =	vshrl.u32 v1, $0xF;
	v2 =	vld.idx.msk [tilespmem:v2+s2+$0x0], $0xffff  }
0xb1: {  	v11 =	vld [tilespmem:s14+$0xFFFFFFB0];
	v7 =	vand.u32 $0x7FFF, v3  }
0xb2: {  	v9 =	vld [tilespmem:s14+$0xFFFFFFF0]  }
0xb3: {  	v10 =	vld [tilespmem:s14+$0x0]  }
0xb4: {  	v12 =	vld [tilespmem:s14+$0x90]  }
0xb5: {  	[tilespmem:v1+s11+$0x0] =	vst.idx.add.f32.msk $0xffff, v2  }
0xb6: {  	v3 =	vshrl.u32 v3, $0xF;
	v1 =	vld.idx.msk [tilespmem:v7+s2+$0x0], $0xffff  }
0xb7: {  	v13 =	vld [tilespmem:s14+$0x80];
	v7 =	vand.u32 $0x7FFF, v5  }
0xb8: {  	v16 =	vld [tilespmem:s14+$0xFFFFFF70]  }
0xb9: {  	v17 =	vld [tilespmem:s14+$0xFFFFFF80]  }
0xba: {  	v19 =	vld [tilespmem:s14+$0x30]  }
0xbb: {  	v22 =	vand.u32 $0x7FFF, v8;
	[tilespmem:v3+s11+$0x0] =	vst.idx.add.f32.msk $0xffff, v1  }
0xbc: {  	v1 =	vld.idx.msk [tilespmem:v7+s2+$0x0], $0xffff  }
0xbd: {  	v3 =	vshrl.u32 v5, $0xF;
	v5 =	vld [tilespmem:s14+$0x40]  }
0xbe: {  	v21 =	vld [tilespmem:s14+$0x20];
	v7 =	vand.u32 $0x7FFF, v12  }
0xbf: {  	v24 =	vld [tilespmem:s14+$0xFFFFFFA0];
	v18 =	vand.u32 $0x7FFF, v13  }
0xc0: {  	v8 =	vshrl.u32 v8, $0xF;
	v22 =	vld.idx.msk [tilespmem:v22+s2+$0x0], $0xffff  }
0xc1: {  	v20 =	vand.u32 $0x7FFF, v4;
	v2 =	vld [tilespmem:s14+$0xFFFFFFD0]  }
0xc2: {  	[tilespmem:v3+s11+$0x0] =	vst.idx.add.f32.msk $0xffff, v1;
	v1 =	vand.u32 $0x7FFF, v5  }
0xc3: {  	v12 =	vshrl.u32 v12, $0xF;
	v3 =	vld.idx.msk [tilespmem:v7+s2+$0x0], $0xffff  }
0xc4: {  	v13 =	vshrl.u32 v13, $0xF;
	v7 =	vld.idx.msk [tilespmem:v18+s2+$0x0], $0xffff  }
0xc5: {  	v58 =	vand.u32 $0x7FFF, v19;
	[tilespmem:v8+s11+$0x0] =	vst.idx.add.f32.msk $0xffff, v22  }
0xc6: {  	v4 =	vshrl.u32 v4, $0xF;
	v18 =	vld.idx.msk [tilespmem:v20+s2+$0x0], $0xffff  }
0xc7: {  	v23 =	vand.u32 $0x7FFF, v21;
	v1 =	vld.idx.msk [tilespmem:v1+s2+$0x0], $0xffff  }
0xc8: {  	v8 =	vand.u32 $0x7FFF, v15;
	[tilespmem:v12+s11+$0x0] =	vst.idx.add.f32.msk $0xffff, v3  }
0xc9: {  	v3 =	vand.u32 $0x7FFF, v6;
	[tilespmem:v13+s11+$0x0] =	vst.idx.add.f32.msk $0xffff, v7  }
0xca: {  	v5 =	vshrl.u32 v5, $0xF;
	v7 =	vld.idx.msk [tilespmem:v58+s2+$0x0], $0xffff  }
0xcb: {  	v12 =	vand.u32 $0x7FFF, v9;
	[tilespmem:v4+s11+$0x0] =	vst.idx.add.f32.msk $0xffff, v18  }
0xcc: {  	v13 =	vand.u32 $0x7FFF, v2;
	v18 =	vld.idx.msk [tilespmem:v23+s2+$0x0], $0xffff  }
0xcd: {  	v59 =	vand.u32 $0x7FFF, v10;
	v61 =	vshrl.u32 v6, $0xF;
	v6 =	vld.idx.msk [tilespmem:v8+s2+$0x0], $0xffff  }
0xce: {  	v19 =	vshrl.u32 v19, $0xF;
	v3 =	vld.idx.msk [tilespmem:v3+s2+$0x0], $0xffff  }
0xcf: {  	[tilespmem:v5+s11+$0x0] =	vst.idx.add.f32.msk $0xffff, v1;
	v1 =	vand.u32 $0x7FFF, v11  }
0xd0: {  	v4 =	vld.idx.msk [tilespmem:v12+s2+$0x0], $0xffff;
	v5 =	vshrl.u32 v21, $0xF  }
0xd1: {  	v60 =	vld.idx.msk [tilespmem:v13+s2+$0x0], $0xffff  }
0xd2: {  	v62 =	vshrl.u32 v2, $0xF;
	v13 =	vld.idx.msk [tilespmem:v59+s2+$0x0], $0xffff  }
0xd3: {  	v63 =	vand.u32 $0x7FFF, v24;
	[tilespmem:v19+s11+$0x0] =	vst.idx.add.f32.msk $0xffff, v7  }
0xd4: {  	v12 =	vshrl.u32 v10, $0xF;
	v7 =	vld.idx.msk [tilespmem:v1+s2+$0x0], $0xffff  }
0xd5: {  	v2 =	vshrl.u32 v9, $0xF;
	v9 =	vand.u32 $0x7FFF, v14;
	[tilespmem:v5+s11+$0x0] =	vst.idx.add.f32.msk $0xffff, v18  }
0xd6: {  	v8 =	vshrl.u32 v11, $0xF;
	v14 =	vshrl.u32 v14, $0xF;
	[tilespmem:v61+s11+$0x0] =	vst.idx.add.f32.msk $0xffff, v3  }
0xd7: {  	v10 =	vand.u32 $0x7FFF, v16;
	v11 =	vshrl.u32 v17, $0xF;
	v1 =	vshrl.u32 v24, $0xF;
	[tilespmem:v62+s11+$0x0] =	vst.idx.add.f32.msk $0xffff, v60  }
0xd8: {  	s16 =	simm.s32 $0x140;
	s15 =	simm.s32 $0x0;
	v5 =	vand.u32 $0x7FFF, v17;
	v3 =	vshrl.u32 v16, $0xF;
	v16 =	vshrl.u32 v15, $0xF;
	v15 =	vld.idx.msk [tilespmem:v63+s2+$0x0], $0xffff  }
.LBB2_11:
0xd9: {  	s17 =	sand.u32 $0xFFC0, s16;
	s15 =	sadd.s32 $0x14, s15;
	[tilespmem:v12+s11+$0x0] =	vst.idx.add.f32.msk $0xffff, v13;
	s14 =	sadd.s32 $0x140, s14  }
0xda: {  	p0 =	slt.u32 s15, $0x9B0;
	v9 =	vld.idx.msk [tilespmem:v9+s2+$0x0], $0xffff  }
0xdb: {  	[tilespmem:v2+s11+$0x0] =	vst.idx.add.f32.msk $0xffff, v4  }
0xdc: {  	v2 =	vld [tilespmem:s17+$0x11280]  }
0xdd: {  	v4 =	vld.idx.msk [tilespmem:v5+s2+$0x0], $0xffff  }
0xde: {  	v5 =	vld.idx.msk [tilespmem:v10+s2+$0x0], $0xffff  }
0xdf: {  	[tilespmem:v16+s11+$0x0] =	vst.idx.add.f32.msk $0xffff, v6  }
0xe0: {  	[tilespmem:v14+s11+$0x0] =	vst.idx.add.f32.msk $0xffff, v9  }
0xe1: {  	v6 =	vand.u32 $0x7FFF, v2;
	[tilespmem:v8+s11+$0x0] =	vst.idx.add.f32.msk $0xffff, v7  }
0xe2: {  	[tilespmem:v1+s11+$0x0] =	vst.idx.add.f32.msk $0xffff, v15  }
0xe3: {  	[tilespmem:v11+s11+$0x0] =	vst.idx.add.f32.msk $0xffff, v4  }
0xe4: {  	[tilespmem:v3+s11+$0x0] =	vst.idx.add.f32.msk $0xffff, v5  }
0xe5: {  	v1 =	vld [tilespmem:s17+$0x11300]  }
0xe6: {  	v3 =	vld.idx.msk [tilespmem:v6+s2+$0x0], $0xffff  }
0xe7: {  	v2 =	vshrl.u32 v2, $0xF;
	v15 =	vld [tilespmem:s14+$0xFFFFFFC0]  }
0xe8: {  	v4 =	vld [tilespmem:s14+$0x70]  }
0xe9: {  	v5 =	vld [tilespmem:s14+$0xFFFFFF60]  }
0xea: {  	v6 =	vld [tilespmem:s14+$0x10];
	v7 =	vand.u32 $0x7FFF, v1  }
0xeb: {  	v8 =	vld [tilespmem:s14+$0x50]  }
0xec: {  	[tilespmem:v2+s11+$0x0] =	vst.idx.add.f32.msk $0xffff, v3  }
0xed: {  	v14 =	vld [tilespmem:s14+$0xFFFFFF90]  }
0xee: {  	v11 =	vld [tilespmem:s14+$0xFFFFFFB0]  }
0xef: {  	v2 =	vld.idx.msk [tilespmem:v7+s2+$0x0], $0xffff  }
0xf0: {  	v1 =	vshrl.u32 v1, $0xF;
	v7 =	vld [tilespmem:s14+$0xFFFFFFD0]  }
0xf1: {  	v3 =	vand.u32 $0x7FFF, v5;
	v9 =	vld [tilespmem:s14+$0xFFFFFFF0]  }
0xf2: {  	v10 =	vld [tilespmem:s14+$0x0]  }
0xf3: {  	v12 =	vld [tilespmem:s14+$0x90]  }
0xf4: {  	v13 =	vld [tilespmem:s14+$0x80]  }
0xf5: {  	[tilespmem:v1+s11+$0x0] =	vst.idx.add.f32.msk $0xffff, v2  }
0xf6: {  	v1 =	vld.idx.msk [tilespmem:v3+s2+$0x0], $0xffff  }
0xf7: {  	v2 =	vshrl.u32 v5, $0xF;
	v3 =	vld [tilespmem:s14+$0x40]  }
0xf8: {  	v16 =	vld [tilespmem:s14+$0xFFFFFF70];
	v5 =	vand.u32 $0x7FFF, v12  }
0xf9: {  	v17 =	vld [tilespmem:s14+$0xFFFFFF80];
	v18 =	vand.u32 $0x7FFF, v13  }
0xfa: {  	v20 =	vand.u32 $0x7FFF, v4;
	v19 =	vld [tilespmem:s14+$0x30]  }
0xfb: {  	v22 =	vand.u32 $0x7FFF, v8;
	v21 =	vld [tilespmem:s14+$0x20]  }
0xfc: {  	[tilespmem:v2+s11+$0x0] =	vst.idx.add.f32.msk $0xffff, v1;
	v23 =	vshrl.u32 v3, $0xF;
	v1 =	vand.u32 $0x7FFF, v3  }
0xfd: {  	v3 =	vld.idx.msk [tilespmem:v5+s2+$0x0], $0xffff  }
0xfe: {  	v12 =	vshrl.u32 v12, $0xF;
	v5 =	vld.idx.msk [tilespmem:v18+s2+$0x0], $0xffff  }
0xff: {  	v13 =	vshrl.u32 v13, $0xF;
	v18 =	vand.u32 $0x7FFF, v19;
	v20 =	vld.idx.msk [tilespmem:v20+s2+$0x0], $0xffff  }
0x100: {  	v4 =	vshrl.u32 v4, $0xF;
	v24 =	vshrl.u32 v21, $0xF;
	v21 =	vand.u32 $0x7FFF, v21;
	v22 =	vld.idx.msk [tilespmem:v22+s2+$0x0], $0xffff  }
0x101: {  	v25 =	vand.u32 $0x7FFF, v6;
	v26 =	vld.idx.msk [tilespmem:v1+s2+$0x0], $0xffff  }
0x102: {  	v8 =	vshrl.u32 v8, $0xF;
	v28 =	vand.u32 $0x7FFF, v10;
	v27 =	vld [tilespmem:s14+$0xFFFFFFA0]  }
0x103: {  	v29 =	vand.u32 $0x7FFF, v9;
	v2 =	vshrl.u32 v9, $0xF;
	[tilespmem:v12+s11+$0x0] =	vst.idx.add.f32.msk $0xffff, v3  }
0x104: {  	v30 =	vand.u32 $0x7FFF, v7;
	[tilespmem:v13+s11+$0x0] =	vst.idx.add.f32.msk $0xffff, v5  }
0x105: {  	v31 =	vand.u32 $0x7FFF, v15;
	v18 =	vld.idx.msk [tilespmem:v18+s2+$0x0], $0xffff  }
0x106: {  	v32 =	vand.u32 $0x7FFF, v11;
	v19 =	vshrl.u32 v19, $0xF;
	[tilespmem:v4+s11+$0x0] =	vst.idx.add.f32.msk $0xffff, v20  }
0x107: {  	v1 =	vshrl.u32 v27, $0xF;
	v20 =	vand.u32 $0x7FFF, v27;
	v27 =	vshrl.u32 v6, $0xF;
	v21 =	vld.idx.msk [tilespmem:v21+s2+$0x0], $0xffff  }
0x108: {  	v9 =	vand.u32 $0x7FFF, v14;
	v12 =	vshrl.u32 v10, $0xF;
	[tilespmem:v8+s11+$0x0] =	vst.idx.add.f32.msk $0xffff, v22  }
0x109: {  	v5 =	vand.u32 $0x7FFF, v17;
	v22 =	vld.idx.msk [tilespmem:v25+s2+$0x0], $0xffff  }
0x10a: {  	v3 =	vshrl.u32 v16, $0xF;
	v10 =	vand.u32 $0x7FFF, v16;
	v25 =	vshrl.u32 v7, $0xF;
	[tilespmem:v23+s11+$0x0] =	vst.idx.add.f32.msk $0xffff, v26  }
0x10b: {  	v4 =	vld.idx.msk [tilespmem:v29+s2+$0x0], $0xffff  }
0x10c: {  	v8 =	vshrl.u32 v11, $0xF;
	v23 =	vld.idx.msk [tilespmem:v30+s2+$0x0], $0xffff  }
0x10d: {  	v13 =	vld.idx.msk [tilespmem:v28+s2+$0x0], $0xffff  }
0x10e: {  	v6 =	vld.idx.msk [tilespmem:v31+s2+$0x0], $0xffff  }
0x10f: {  	v11 =	vshrl.u32 v17, $0xF;
	[tilespmem:v19+s11+$0x0] =	vst.idx.add.f32.msk $0xffff, v18  }
.Ltmp4:
0x110: {  	v7 =	vld.idx.msk [tilespmem:v32+s2+$0x0], $0xffff;
	(pc) =	sbr.rel @p0 .LBB2_11-.Ltmp4, $4  }
0x111: {  	[tilespmem:v24+s11+$0x0] =	vst.idx.add.f32.msk $0xffff, v21  }
0x112: {  	v14 =	vshrl.u32 v14, $0xF;
	[tilespmem:v27+s11+$0x0] =	vst.idx.add.f32.msk $0xffff, v22  }
0x113: {  	v16 =	vshrl.u32 v15, $0xF;
	[tilespmem:v25+s11+$0x0] =	vst.idx.add.f32.msk $0xffff, v23  }
0x114: {  	s16 =	sadd.s32 $0x140, s16;
	v15 =	vld.idx.msk [tilespmem:v20+s2+$0x0], $0xffff  }
0x115: {  	_ =	sdelay $0x3  }
0x116: {  	[tilespmem:v12+s11+$0x0] =	vst.idx.add.f32.msk $0xffff, v13  }
0x117: {  	v9 =	vld.idx.msk [tilespmem:v9+s2+$0x0], $0xffff  }
0x118: {  	[tilespmem:v2+s11+$0x0] =	vst.idx.add.f32.msk $0xffff, v4  }
0x119: {  	v2 =	vld.idx.msk [tilespmem:v5+s2+$0x0], $0xffff  }
0x11a: {  	v63 =	vld.idx.msk [tilespmem:v10+s2+$0x0], $0xffff;
	s13 =	sadd.s32 $0x1, s13  }
0x11b: {  	[tilespmem:v16+s11+$0x0] =	vst.idx.add.f32.msk $0xffff, v6;
	p0 =	sne.s32 s13, $0x14  }
.Ltmp5:
0x11c: {  	[tilespmem:v8+s11+$0x0] =	vst.idx.add.f32.msk $0xffff, v7;
	(pc) =	sbr.rel @p0 .LBB2_10-.Ltmp5, $4  }
0x11d: {  	[tilespmem:v1+s11+$0x0] =	vst.idx.add.f32.msk $0xffff, v15  }
0x11e: {  	[tilespmem:v14+s11+$0x0] =	vst.idx.add.f32.msk $0xffff, v9  }
0x11f: {  	[tilespmem:v11+s11+$0x0] =	vst.idx.add.f32.msk $0xffff, v2  }
0x120: {  	[tilespmem:v3+s11+$0x0] =	vst.idx.add.f32.msk $0xffff, v63  }
0x121: {  	s12 =	sadd.s32 $0x1, s12  }
0x122: {  	p0 =	sne.s32 s12, s8  }
.Ltmp6:
0x123: {  	_ = 	snop;
	(pc) =	sbr.rel @p0 .LBB2_1-.Ltmp6, $4  }
0x124: {  	[hbm4b:s7+s2] =	stream.linear.scatter [tilespmem:s11], [sflag:$0x1], $0xC350, $0x38;
	[tilespmem:$0x1AE80] =	vst v63  }
0x125: {  	_ =	swait.ge [sflag:s9], $0xC350  }
0x126: {  	[sflag:s9] =	ssyncset.done $0x0  }
0x127: {  	[sflag:s9] =	ssyncadd.s32 $0xFFFF3CB0  }
0x128: {  	_ =	sfence.sel $0x180000  }
0x129: {  	[bflag:$0x0] =	sbarrier.arrive $0xFFFF  }
0x12a: {  	p0 =	sne.s32 s1, $0x0;
	_ =	strace $0x90000053  }
0x12b: {  	s0 =	sadd.s32 @!p0 $0x100000, s0;
	[bflag:$0x2] =	sbarrier.arrive $0xFFFF  }
0x12c: {  	[sflag:s0] =	ssyncadd.tile.s32 @!p0 $0x1;
	_ =	shalt  }
.Lfunc_end2:
_tile_overlayer_lowered:
.L_overlay_start_2:
0x12d: {  	(tag) =	ssettag $0x2  }
0x12e: {  	s0 =	rddreg [dreg:$0x0];
	s2 =	stileid.u32  }
0x12f: {  	s1 =	rddreg [dreg:$0x1];
	p0 =	sne.s32 s2, $0x0  }
0x130: {  	s3 =	rddreg [dreg:$0x2];
	[bflag:$0x3] =	sbarrier.arrive $0xFFFF;
	s2 =	simm.s32 @!p0 $0x1C01  }
0x131: {  	[timem:s3], [sflag:s2] =	dma.local @!p0 [hbm:s0], s1  }
0x132: {  	s0 =	simm.s32 @!p0 $0x1  }
0x133: {  	_ =	swait.ge @!p0 [sflag:s0], s1  }
0x134: {  	s1 =	ssub.s32 @!p0 $0x0, s1;
	[sflag:s0] =	ssyncset.done @!p0 $0x0  }
0x135: {  	[sflag:s0] =	ssyncadd.s32 @!p0 s1  }
0x136: {  	[bflag:$0x3] =	sbarrier.arrive $0xFFFF  }
0x137: {  	_ =	shalt  }

</sc_bundles>
